<compile_context>
chip_gen: v7x
topology: tpu7x:2x2x1
jax: 0.10.2.dev20260603
libtpu: 0.0.44.dev20260713+nightly
codegen_flags: <defaults>
</compile_context>

<pallas_src>
import functools

import jax
import jax.numpy as jnp
import numpy as np
from jax import lax
from jax.experimental import pallas as pl
from jax.experimental.pallas import tpu as pltpu
from jax.experimental.pallas import tpu_sc as plsc

_BS = 128


@functools.lru_cache(maxsize=None)
def _mask_table_packed(batch_size, seq_length, mask_length):
    table = np.zeros((seq_length, batch_size, seq_length), dtype=bool)
    for n in range(seq_length):
        rng = np.random.default_rng(0)
        for b in range(batch_size):
            indices = rng.choice(seq_length, size=n, replace=False)
            starts = indices.astype(np.int64)
            ends = np.minimum(starts + int(mask_length), seq_length)
            d = np.bincount(starts, minlength=seq_length + 1) - np.bincount(
                ends, minlength=seq_length + 1
            )
            table[n, b] = np.cumsum(d[:seq_length]) > 0
    return np.packbits(table, axis=-1)


def _masked_reps_body(need_ref, mb_ref, lat_hbm, emb_ref, masked_ref,
                      buf_ref, sems):
    s = pl.program_id(0)
    ns = pl.num_programs(0)
    bs = _BS

    def _copy(idx, slot):
        return pltpu.make_async_copy(
            lat_hbm.at[:, pl.ds(idx * bs, bs), :],
            buf_ref.at[slot],
            sems.at[slot],
        )

    @pl.when((s == 0) & (need_ref[0] == 1))
    def _():
        _copy(0, 0).start()

    nxt = jnp.minimum(s + 1, ns - 1)

    @pl.when((s + 1 < ns) & (need_ref[nxt] == 1))
    def _():
        _copy(nxt, lax.rem(nxt, 2)).start()

    slot = lax.rem(s, 2)

    @pl.when(need_ref[s] == 1)
    def _():
        _copy(s, slot).wait()

    m = mb_ref[...]
    e = emb_ref[...]
    x = buf_ref[slot]
    sel = m[:, :, None] > 0.5
    masked_ref[...] = jnp.where(sel, jnp.broadcast_to(e[None, :, :], x.shape), x)


def _tc_masked_reps(latent_reps, mbf, emb2, need):
    B, S, E = latent_reps.shape
    ns = S // _BS
    grid_spec = pltpu.PrefetchScalarGridSpec(
        num_scalar_prefetch=1,
        grid=(ns,),
        in_specs=[
            pl.BlockSpec((B, _BS), lambda s, need: (0, s)),
            pl.BlockSpec(memory_space=pl.ANY),
            pl.BlockSpec((1, E), lambda s, need: (0, 0)),
        ],
        out_specs=pl.BlockSpec((B, _BS, E), lambda s, need: (0, s, 0)),
        scratch_shapes=[
            pltpu.VMEM((2, B, _BS, E), latent_reps.dtype),
            pltpu.SemaphoreType.DMA((2,)),
        ],
    )
    return pl.pallas_call(
        _masked_reps_body,
        grid_spec=grid_spec,
        out_shape=jax.ShapeDtypeStruct((B, S, E), latent_reps.dtype),
    )(need, mbf, latent_reps, emb2)


_SC_INFLIGHT = 8


def _sc_mask_writer(keep_flat, E):
    (R,) = keep_flat.shape
    info = plsc.get_sparse_core_info()
    nw = info.num_cores * info.num_subcores
    rows_per_w = R // nw
    lanes = E // 16
    mesh = plsc.VectorSubcoreMesh(core_axis_name="c", subcore_axis_name="s")

    @functools.partial(
        pl.kernel,
        mesh=mesh,
        out_type=jax.ShapeDtypeStruct((R, E), jnp.float32),
        scratch_types=[
            pltpu.VMEM((rows_per_w,), jnp.float32),
            pltpu.VMEM((E,), jnp.float32),
            pltpu.VMEM((E,), jnp.float32),
            pltpu.SemaphoreType.DMA,
        ],
    )
    def sc_mask(keep_hbm, out_hbm, keep_v, ones_v, zeros_v, sem):
        wid = lax.axis_index("s") * info.num_cores + lax.axis_index("c")
        base = wid * rows_per_w
        for d in range(lanes):
            ones_v[pl.ds(d * 16, 16)] = jnp.full((16,), 1.0, jnp.float32)
            zeros_v[pl.ds(d * 16, 16)] = jnp.full((16,), 0.0, jnp.float32)
        pltpu.sync_copy(keep_hbm.at[pl.ds(base, rows_per_w)], keep_v)

        def grp(g, carry):
            kv = keep_v[pl.ds(g * 16, 16)]
            for j in range(16):
                k = kv[j]
                i = g * 16 + j

                @pl.when(k > 0.5)
                def _():
                    pltpu.make_async_copy(ones_v, out_hbm.at[base + i], sem).start()

                @pl.when(k <= 0.5)
                def _():
                    pltpu.make_async_copy(zeros_v, out_hbm.at[base + i], sem).start()

            @pl.when(g >= 1)
            def _():
                for _ in range(16):
                    pltpu.make_async_copy(ones_v, out_hbm.at[base], sem).wait()

            return carry

        lax.fori_loop(0, rows_per_w // 16, grp, None)
        for _ in range(16):
            pltpu.make_async_copy(ones_v, out_hbm.at[base], sem).wait()

    return sc_mask(keep_flat)


def kernel(latent_reps, mask_prob, mask_length, mask_embedding):
    B, S, E = latent_reps.shape
    packed = jnp.asarray(_mask_table_packed(B, S, 10))
    n = jnp.floor(mask_prob * S).astype(jnp.int32)
    row = jnp.take(packed, n, axis=0)
    mbf = jnp.unpackbits(row, axis=-1).astype(jnp.float32)
    emb2 = mask_embedding.reshape(1, E).astype(latent_reps.dtype)

    ns = S // _BS
    need = (mbf.reshape(B, ns, _BS).min(axis=(0, 2)) < 0.5).astype(jnp.int32)

    keep_flat = (1.0 - mbf).reshape(B * S)
    mask = _sc_mask_writer(keep_flat, E).reshape(B, S, E)
    masked = _tc_masked_reps(latent_reps, mbf, emb2, need)
    return (masked, mask)

# --- scband reference (transcript-rebuilt; emitter-appended) ---
"""Pipeline reference for scband-masking-with-learnable-embedding-89541478187270 (READ-ONLY COPY).

The authoritative reference and input builder live on the scoring server;
editing this copy changes nothing except your own understanding.
"""

import jax, jax.numpy as jnp
import numpy as np
import functools


def _compute_mask_bool(batch_size, seq_length, mask_prob, mask_length):
    rng = np.random.default_rng(0)
    m = np.zeros((batch_size, seq_length), dtype=bool)
    n = int(float(mask_prob) * seq_length)
    for b in range(batch_size):
        indices = rng.choice(seq_length, size=n, replace=False)
        for idx in indices:
            start = int(idx)
            end = min(start + int(mask_length), seq_length)
            m[b, start:end] = True
    return m


@functools.lru_cache(maxsize=None)
def _compute_mask_table_packed(batch_size, seq_length, mask_length):
    table = np.zeros((seq_length, batch_size, seq_length), dtype=bool)
    for n in range(seq_length):
        rng = np.random.default_rng(0)
        for b in range(batch_size):
            indices = rng.choice(seq_length, size=n, replace=False)
            starts = indices.astype(np.int64)
            ends = np.minimum(starts + int(mask_length), seq_length)
            d = np.bincount(starts, minlength=seq_length + 1) - np.bincount(
                ends, minlength=seq_length + 1
            )
            table[n, b] = np.cumsum(d[:seq_length]) > 0
    return jnp.asarray(np.packbits(table, axis=-1))


def setup_inputs(seed: int = 0) -> dict:
    key = jax.random.key(seed)
    k1, k2, k3 = jax.random.split(key, 3)
    latent_reps = jax.random.normal(k1, (4, 8192, 1024), dtype=jnp.float32)
    mask_embedding = jax.random.normal(k2, (1024,), dtype=jnp.float32)
    mask_prob = jax.random.uniform(k3, (), dtype=jnp.float32)
    mask_length = 10
    return {
        "latent_reps": latent_reps,
        "mask_prob": mask_prob,
        "mask_length": mask_length,
        "mask_embedding": mask_embedding,
    }


def reference(latent_reps, mask_prob, mask_length, mask_embedding):
    batch_size, seq_length, embed_size = latent_reps.shape
    packed = _compute_mask_table_packed(batch_size, seq_length, 10)
    n = jnp.floor(mask_prob * seq_length).astype(jnp.int32)
    n = n + 0 * jnp.asarray(mask_length).astype(jnp.int32)
    row = jnp.take(packed, n, axis=0)
    mb = jnp.unpackbits(row, axis=-1).astype(bool)
    mb = mb[:, :, None]
    # mask: ones_like(latent_reps) with zeros in masked spans
    mask = jnp.where(mb, jnp.zeros_like(latent_reps), jnp.ones_like(latent_reps))
    # masked_reps: latent_reps with masked spans overwritten by learned mask_embedding
    masked_reps = jnp.where(mb, mask_embedding[None, None, :].astype(latent_reps.dtype), latent_reps)
    return (masked_reps, mask)

if __name__ == "__main__":
    import jax
    _d = setup_inputs()
    print(jax.jit(kernel)(*tuple(_d.values())))

</pallas_src>

<mosaic_0001>
#map = affine_map<(d0, d1) -> (0)>
#map1 = affine_map<(d0, d1) -> (0, 0)>
module attributes {stable_mosaic.version = 14 : i64} {
  func.func @sc_mask(%arg0: i32, %arg1: i32, %arg2: memref<32768xf32, #tpu.memory_space<hbm>>, %arg3: memref<32768x1024xf32, #tpu.memory_space<hbm>>, %arg4: memref<1024xf32, #tpu.memory_space<vmem>>, %arg5: memref<1024xf32, #tpu.memory_space<vmem>>, %arg6: memref<1024xf32, #tpu.memory_space<vmem>>, %arg7: memref<!tpu.dma_semaphore, #tpu.memory_space<semaphore_mem>>) attributes {dimension_semantics = [#tpu.dimension_semantics<core_parallel>, #tpu.dimension_semantics<subcore_parallel>], iteration_bounds = array<i64: 2, 16>, scalar_prefetch = 0 : i64, scratch_operands = 4 : i64, tpu.core_type = #tpu.core_type<sc_vector_subcore>, window_params = [{transform_indices = #map}, {transform_indices = #map1}]} {
    %mul3A = arith.constant 2 : i32
    %mul3A_0 = arith.muli %arg1, %mul3A : i32
    %add3A = arith.addi %mul3A_0, %arg0 : i32
    %mul3A_1 = arith.constant 1024 : i32
    %mul3A_2 = arith.muli %add3A, %mul3A_1 : i32
    %broadcast_in_dim3A = arith.constant 1.000000e+00 : f32
    %broadcast_in_dim3A_3 = vector.broadcast %broadcast_in_dim3A : f32 to vector<16xf32>
    %swap3A = arith.constant 0 : index
    %swap3A_4 = tpu.vector_load %arg5[%swap3A] {strides = array<i32>} : memref<1024xf32, #tpu.memory_space<vmem>>, vector<16xf32>,
    %swap3A_5 = vector.shape_cast %swap3A_4 : vector<16xf32> to vector<16xf32>
    %swap3A_6 = vector.shape_cast %broadcast_in_dim3A_3 : vector<16xf32> to vector<16xf32>
    tpu.vector_store %arg5[%swap3A], %swap3A_6 {strides = array<i32>} : memref<1024xf32, #tpu.memory_space<vmem>>, vector<16xf32>,
    %broadcast_in_dim3A_7 = arith.constant 0.000000e+00 : f32
    %broadcast_in_dim3A_8 = vector.broadcast %broadcast_in_dim3A_7 : f32 to vector<16xf32>
    %swap3A_9 = arith.constant 0 : index
    %swap3A_10 = tpu.vector_load %arg6[%swap3A_9] {strides = array<i32>} : memref<1024xf32, #tpu.memory_space<vmem>>, vector<16xf32>,
    %swap3A_11 = vector.shape_cast %swap3A_10 : vector<16xf32> to vector<16xf32>
    %swap3A_12 = vector.shape_cast %broadcast_in_dim3A_8 : vector<16xf32> to vector<16xf32>
    tpu.vector_store %arg6[%swap3A_9], %swap3A_12 {strides = array<i32>} : memref<1024xf32, #tpu.memory_space<vmem>>, vector<16xf32>,
    %broadcast_in_dim3A_13 = arith.constant 1.000000e+00 : f32
    %broadcast_in_dim3A_14 = vector.broadcast %broadcast_in_dim3A_13 : f32 to vector<16xf32>
    %swap3A_15 = arith.constant 16 : index
    %swap3A_16 = tpu.vector_load %arg5[%swap3A_15] {strides = array<i32>} : memref<1024xf32, #tpu.memory_space<vmem>>, vector<16xf32>,
    %swap3A_17 = vector.shape_cast %swap3A_16 : vector<16xf32> to vector<16xf32>
    %swap3A_18 = vector.shape_cast %broadcast_in_dim3A_14 : vector<16xf32> to vector<16xf32>
    tpu.vector_store %arg5[%swap3A_15], %swap3A_18 {strides = array<i32>} : memref<1024xf32, #tpu.memory_space<vmem>>, vector<16xf32>,
    %broadcast_in_dim3A_19 = arith.constant 0.000000e+00 : f32
    %broadcast_in_dim3A_20 = vector.broadcast %broadcast_in_dim3A_19 : f32 to vector<16xf32>
    %swap3A_21 = arith.constant 16 : index
    %swap3A_22 = tpu.vector_load %arg6[%swap3A_21] {strides = array<i32>} : memref<1024xf32, #tpu.memory_space<vmem>>, vector<16xf32>,
    %swap3A_23 = vector.shape_cast %swap3A_22 : vector<16xf32> to vector<16xf32>
    %swap3A_24 = vector.shape_cast %broadcast_in_dim3A_20 : vector<16xf32> to vector<16xf32>
    tpu.vector_store %arg6[%swap3A_21], %swap3A_24 {strides = array<i32>} : memref<1024xf32, #tpu.memory_space<vmem>>, vector<16xf32>,
    %broadcast_in_dim3A_25 = arith.constant 1.000000e+00 : f32
    %broadcast_in_dim3A_26 = vector.broadcast %broadcast_in_dim3A_25 : f32 to vector<16xf32>
    %swap3A_27 = arith.constant 32 : index
    %swap3A_28 = tpu.vector_load %arg5[%swap3A_27] {strides = array<i32>} : memref<1024xf32, #tpu.memory_space<vmem>>, vector<16xf32>,
    %swap3A_29 = vector.shape_cast %swap3A_28 : vector<16xf32> to vector<16xf32>
    %swap3A_30 = vector.shape_cast %broadcast_in_dim3A_26 : vector<16xf32> to vector<16xf32>
    tpu.vector_store %arg5[%swap3A_27], %swap3A_30 {strides = array<i32>} : memref<1024xf32, #tpu.memory_space<vmem>>, vector<16xf32>,
    %broadcast_in_dim3A_31 = arith.constant 0.000000e+00 : f32
    %broadcast_in_dim3A_32 = vector.broadcast %broadcast_in_dim3A_31 : f32 to vector<16xf32>
    %swap3A_33 = arith.constant 32 : index
    %swap3A_34 = tpu.vector_load %arg6[%swap3A_33] {strides = array<i32>} : memref<1024xf32, #tpu.memory_space<vmem>>, vector<16xf32>,
    %swap3A_35 = vector.shape_cast %swap3A_34 : vector<16xf32> to vector<16xf32>
    %swap3A_36 = vector.shape_cast %broadcast_in_dim3A_32 : vector<16xf32> to vector<16xf32>
    tpu.vector_store %arg6[%swap3A_33], %swap3A_36 {strides = array<i32>} : memref<1024xf32, #tpu.memory_space<vmem>>, vector<16xf32>,
    %broadcast_in_dim3A_37 = arith.constant 1.000000e+00 : f32
    %broadcast_in_dim3A_38 = vector.broadcast %broadcast_in_dim3A_37 : f32 to vector<16xf32>
    %swap3A_39 = arith.constant 48 : index
    %swap3A_40 = tpu.vector_load %arg5[%swap3A_39] {strides = array<i32>} : memref<1024xf32, #tpu.memory_space<vmem>>, vector<16xf32>,
    %swap3A_41 = vector.shape_cast %swap3A_40 : vector<16xf32> to vector<16xf32>
    %swap3A_42 = vector.shape_cast %broadcast_in_dim3A_38 : vector<16xf32> to vector<16xf32>
    tpu.vector_store %arg5[%swap3A_39], %swap3A_42 {strides = array<i32>} : memref<1024xf32, #tpu.memory_space<vmem>>, vector<16xf32>,
    %broadcast_in_dim3A_43 = arith.constant 0.000000e+00 : f32
    %broadcast_in_dim3A_44 = vector.broadcast %broadcast_in_dim3A_43 : f32 to vector<16xf32>
    %swap3A_45 = arith.constant 48 : index
    %swap3A_46 = tpu.vector_load %arg6[%swap3A_45] {strides = array<i32>} : memref<1024xf32, #tpu.memory_space<vmem>>, vector<16xf32>,
    %swap3A_47 = vector.shape_cast %swap3A_46 : vector<16xf32> to vector<16xf32>
    %swap3A_48 = vector.shape_cast %broadcast_in_dim3A_44 : vector<16xf32> to vector<16xf32>
    tpu.vector_store %arg6[%swap3A_45], %swap3A_48 {strides = array<i32>} : memref<1024xf32, #tpu.memory_space<vmem>>, vector<16xf32>,
    %broadcast_in_dim3A_49 = arith.constant 1.000000e+00 : f32
    %broadcast_in_dim3A_50 = vector.broadcast %broadcast_in_dim3A_49 : f32 to vector<16xf32>
    %swap3A_51 = arith.constant 64 : index
    %swap3A_52 = tpu.vector_load %arg5[%swap3A_51] {strides = array<i32>} : memref<1024xf32, #tpu.memory_space<vmem>>, vector<16xf32>,
    %swap3A_53 = vector.shape_cast %swap3A_52 : vector<16xf32> to vector<16xf32>
    %swap3A_54 = vector.shape_cast %broadcast_in_dim3A_50 : vector<16xf32> to vector<16xf32>
    tpu.vector_store %arg5[%swap3A_51], %swap3A_54 {strides = array<i32>} : memref<1024xf32, #tpu.memory_space<vmem>>, vector<16xf32>,
    %broadcast_in_dim3A_55 = arith.constant 0.000000e+00 : f32
    %broadcast_in_dim3A_56 = vector.broadcast %broadcast_in_dim3A_55 : f32 to vector<16xf32>
    %swap3A_57 = arith.constant 64 : index
    %swap3A_58 = tpu.vector_load %arg6[%swap3A_57] {strides = array<i32>} : memref<1024xf32, #tpu.memory_space<vmem>>, vector<16xf32>,
    %swap3A_59 = vector.shape_cast %swap3A_58 : vector<16xf32> to vector<16xf32>
    %swap3A_60 = vector.shape_cast %broadcast_in_dim3A_56 : vector<16xf32> to vector<16xf32>
    tpu.vector_store %arg6[%swap3A_57], %swap3A_60 {strides = array<i32>} : memref<1024xf32, #tpu.memory_space<vmem>>, vector<16xf32>,
    %broadcast_in_dim3A_61 = arith.constant 1.000000e+00 : f32
    %broadcast_in_dim3A_62 = vector.broadcast %broadcast_in_dim3A_61 : f32 to vector<16xf32>
    %swap3A_63 = arith.constant 80 : index
    %swap3A_64 = tpu.vector_load %arg5[%swap3A_63] {strides = array<i32>} : memref<1024xf32, #tpu.memory_space<vmem>>, vector<16xf32>,
    %swap3A_65 = vector.shape_cast %swap3A_64 : vector<16xf32> to vector<16xf32>
    %swap3A_66 = vector.shape_cast %broadcast_in_dim3A_62 : vector<16xf32> to vector<16xf32>
    tpu.vector_store %arg5[%swap3A_63], %swap3A_66 {strides = array<i32>} : memref<1024xf32, #tpu.memory_space<vmem>>, vector<16xf32>,
    %broadcast_in_dim3A_67 = arith.constant 0.000000e+00 : f32
    %broadcast_in_dim3A_68 = vector.broadcast %broadcast_in_dim3A_67 : f32 to vector<16xf32>
    %swap3A_69 = arith.constant 80 : index
    %swap3A_70 = tpu.vector_load %arg6[%swap3A_69] {strides = array<i32>} : memref<1024xf32, #tpu.memory_space<vmem>>, vector<16xf32>,
    %swap3A_71 = vector.shape_cast %swap3A_70 : vector<16xf32> to vector<16xf32>
    %swap3A_72 = vector.shape_cast %broadcast_in_dim3A_68 : vector<16xf32> to vector<16xf32>
    tpu.vector_store %arg6[%swap3A_69], %swap3A_72 {strides = array<i32>} : memref<1024xf32, #tpu.memory_space<vmem>>, vector<16xf32>,
    %broadcast_in_dim3A_73 = arith.constant 1.000000e+00 : f32
    %broadcast_in_dim3A_74 = vector.broadcast %broadcast_in_dim3A_73 : f32 to vector<16xf32>
    %swap3A_75 = arith.constant 96 : index
    %swap3A_76 = tpu.vector_load %arg5[%swap3A_75] {strides = array<i32>} : memref<1024xf32, #tpu.memory_space<vmem>>, vector<16xf32>,
    %swap3A_77 = vector.shape_cast %swap3A_76 : vector<16xf32> to vector<16xf32>
    %swap3A_78 = vector.shape_cast %broadcast_in_dim3A_74 : vector<16xf32> to vector<16xf32>
    tpu.vector_store %arg5[%swap3A_75], %swap3A_78 {strides = array<i32>} : memref<1024xf32, #tpu.memory_space<vmem>>, vector<16xf32>,
    %broadcast_in_dim3A_79 = arith.constant 0.000000e+00 : f32
    %broadcast_in_dim3A_80 = vector.broadcast %broadcast_in_dim3A_79 : f32 to vector<16xf32>
    %swap3A_81 = arith.constant 96 : index
    %swap3A_82 = tpu.vector_load %arg6[%swap3A_81] {strides = array<i32>} : memref<1024xf32, #tpu.memory_space<vmem>>, vector<16xf32>,
    %swap3A_83 = vector.shape_cast %swap3A_82 : vector<16xf32> to vector<16xf32>
    %swap3A_84 = vector.shape_cast %broadcast_in_dim3A_80 : vector<16xf32> to vector<16xf32>
    tpu.vector_store %arg6[%swap3A_81], %swap3A_84 {strides = array<i32>} : memref<1024xf32, #tpu.memory_space<vmem>>, vector<16xf32>,
    %broadcast_in_dim3A_85 = arith.constant 1.000000e+00 : f32
    %broadcast_in_dim3A_86 = vector.broadcast %broadcast_in_dim3A_85 : f32 to vector<16xf32>
    %swap3A_87 = arith.constant 112 : index
    %swap3A_88 = tpu.vector_load %arg5[%swap3A_87] {strides = array<i32>} : memref<1024xf32, #tpu.memory_space<vmem>>, vector<16xf32>,
    %swap3A_89 = vector.shape_cast %swap3A_88 : vector<16xf32> to vector<16xf32>
    %swap3A_90 = vector.shape_cast %broadcast_in_dim3A_86 : vector<16xf32> to vector<16xf32>
    tpu.vector_store %arg5[%swap3A_87], %swap3A_90 {strides = array<i32>} : memref<1024xf32, #tpu.memory_space<vmem>>, vector<16xf32>,
    %broadcast_in_dim3A_91 = arith.constant 0.000000e+00 : f32
    %broadcast_in_dim3A_92 = vector.broadcast %broadcast_in_dim3A_91 : f32 to vector<16xf32>
    %swap3A_93 = arith.constant 112 : index
    %swap3A_94 = tpu.vector_load %arg6[%swap3A_93] {strides = array<i32>} : memref<1024xf32, #tpu.memory_space<vmem>>, vector<16xf32>,
    %swap3A_95 = vector.shape_cast %swap3A_94 : vector<16xf32> to vector<16xf32>
    %swap3A_96 = vector.shape_cast %broadcast_in_dim3A_92 : vector<16xf32> to vector<16xf32>
    tpu.vector_store %arg6[%swap3A_93], %swap3A_96 {strides = array<i32>} : memref<1024xf32, #tpu.memory_space<vmem>>, vector<16xf32>,
    %broadcast_in_dim3A_97 = arith.constant 1.000000e+00 : f32
    %broadcast_in_dim3A_98 = vector.broadcast %broadcast_in_dim3A_97 : f32 to vector<16xf32>
    %swap3A_99 = arith.constant 128 : index
    %swap3A_100 = tpu.vector_load %arg5[%swap3A_99] {strides = array<i32>} : memref<1024xf32, #tpu.memory_space<vmem>>, vector<16xf32>,
    %swap3A_101 = vector.shape_cast %swap3A_100 : vector<16xf32> to vector<16xf32>
    %swap3A_102 = vector.shape_cast %broadcast_in_dim3A_98 : vector<16xf32> to vector<16xf32>
    tpu.vector_store %arg5[%swap3A_99], %swap3A_102 {strides = array<i32>} : memref<1024xf32, #tpu.memory_space<vmem>>, vector<16xf32>,
    %broadcast_in_dim3A_103 = arith.constant 0.000000e+00 : f32
    %broadcast_in_dim3A_104 = vector.broadcast %broadcast_in_dim3A_103 : f32 to vector<16xf32>
    %swap3A_105 = arith.constant 128 : index
    %swap3A_106 = tpu.vector_load %arg6[%swap3A_105] {strides = array<i32>} : memref<1024xf32, #tpu.memory_space<vmem>>, vector<16xf32>,
    %swap3A_107 = vector.shape_cast %swap3A_106 : vector<16xf32> to vector<16xf32>
    %swap3A_108 = vector.shape_cast %broadcast_in_dim3A_104 : vector<16xf32> to vector<16xf32>
    tpu.vector_store %arg6[%swap3A_105], %swap3A_108 {strides = array<i32>} : memref<1024xf32, #tpu.memory_space<vmem>>, vector<16xf32>,
    %broadcast_in_dim3A_109 = arith.constant 1.000000e+00 : f32
    %broadcast_in_dim3A_110 = vector.broadcast %broadcast_in_dim3A_109 : f32 to vector<16xf32>
    %swap3A_111 = arith.constant 144 : index
    %swap3A_112 = tpu.vector_load %arg5[%swap3A_111] {strides = array<i32>} : memref<1024xf32, #tpu.memory_space<vmem>>, vector<16xf32>,
    %swap3A_113 = vector.shape_cast %swap3A_112 : vector<16xf32> to vector<16xf32>
    %swap3A_114 = vector.shape_cast %broadcast_in_dim3A_110 : vector<16xf32> to vector<16xf32>
    tpu.vector_store %arg5[%swap3A_111], %swap3A_114 {strides = array<i32>} : memref<1024xf32, #tpu.memory_space<vmem>>, vector<16xf32>,
    %broadcast_in_dim3A_115 = arith.constant 0.000000e+00 : f32
    %broadcast_in_dim3A_116 = vector.broadcast %broadcast_in_dim3A_115 : f32 to vector<16xf32>
    %swap3A_117 = arith.constant 144 : index
    %swap3A_118 = tpu.vector_load %arg6[%swap3A_117] {strides = array<i32>} : memref<1024xf32, #tpu.memory_space<vmem>>, vector<16xf32>,
    %swap3A_119 = vector.shape_cast %swap3A_118 : vector<16xf32> to vector<16xf32>
    %swap3A_120 = vector.shape_cast %broadcast_in_dim3A_116 : vector<16xf32> to vector<16xf32>
    tpu.vector_store %arg6[%swap3A_117], %swap3A_120 {strides = array<i32>} : memref<1024xf32, #tpu.memory_space<vmem>>, vector<16xf32>,
    %broadcast_in_dim3A_121 = arith.constant 1.000000e+00 : f32
    %broadcast_in_dim3A_122 = vector.broadcast %broadcast_in_dim3A_121 : f32 to vector<16xf32>
    %swap3A_123 = arith.constant 160 : index
    %swap3A_124 = tpu.vector_load %arg5[%swap3A_123] {strides = array<i32>} : memref<1024xf32, #tpu.memory_space<vmem>>, vector<16xf32>,
    %swap3A_125 = vector.shape_cast %swap3A_124 : vector<16xf32> to vector<16xf32>
    %swap3A_126 = vector.shape_cast %broadcast_in_dim3A_122 : vector<16xf32> to vector<16xf32>
    tpu.vector_store %arg5[%swap3A_123], %swap3A_126 {strides = array<i32>} : memref<1024xf32, #tpu.memory_space<vmem>>, vector<16xf32>,
    %broadcast_in_dim3A_127 = arith.constant 0.000000e+00 : f32
    %broadcast_in_dim3A_128 = vector.broadcast %broadcast_in_dim3A_127 : f32 to vector<16xf32>
    %swap3A_129 = arith.constant 160 : index
    %swap3A_130 = tpu.vector_load %arg6[%swap3A_129] {strides = array<i32>} : memref<1024xf32, #tpu.memory_space<vmem>>, vector<16xf32>,
    %swap3A_131 = vector.shape_cast %swap3A_130 : vector<16xf32> to vector<16xf32>
    %swap3A_132 = vector.shape_cast %broadcast_in_dim3A_128 : vector<16xf32> to vector<16xf32>
    tpu.vector_store %arg6[%swap3A_129], %swap3A_132 {strides = array<i32>} : memref<1024xf32, #tpu.memory_space<vmem>>, vector<16xf32>,
    %broadcast_in_dim3A_133 = arith.constant 1.000000e+00 : f32
    %broadcast_in_dim3A_134 = vector.broadcast %broadcast_in_dim3A_133 : f32 to vector<16xf32>
    %swap3A_135 = arith.constant 176 : index
    %swap3A_136 = tpu.vector_load %arg5[%swap3A_135] {strides = array<i32>} : memref<1024xf32, #tpu.memory_space<vmem>>, vector<16xf32>,
    %swap3A_137 = vector.shape_cast %swap3A_136 : vector<16xf32> to vector<16xf32>
    %swap3A_138 = vector.shape_cast %broadcast_in_dim3A_134 : vector<16xf32> to vector<16xf32>
    tpu.vector_store %arg5[%swap3A_135], %swap3A_138 {strides = array<i32>} : memref<1024xf32, #tpu.memory_space<vmem>>, vector<16xf32>,
    %broadcast_in_dim3A_139 = arith.constant 0.000000e+00 : f32
    %broadcast_in_dim3A_140 = vector.broadcast %broadcast_in_dim3A_139 : f32 to vector<16xf32>
    %swap3A_141 = arith.constant 176 : index
    %swap3A_142 = tpu.vector_load %arg6[%swap3A_141] {strides = array<i32>} : memref<1024xf32, #tpu.memory_space<vmem>>, vector<16xf32>,
    %swap3A_143 = vector.shape_cast %swap3A_142 : vector<16xf32> to vector<16xf32>
    %swap3A_144 = vector.shape_cast %broadcast_in_dim3A_140 : vector<16xf32> to vector<16xf32>
    tpu.vector_store %arg6[%swap3A_141], %swap3A_144 {strides = array<i32>} : memref<1024xf32, #tpu.memory_space<vmem>>, vector<16xf32>,
    %broadcast_in_dim3A_145 = arith.constant 1.000000e+00 : f32
    %broadcast_in_dim3A_146 = vector.broadcast %broadcast_in_dim3A_145 : f32 to vector<16xf32>
    %swap3A_147 = arith.constant 192 : index
    %swap3A_148 = tpu.vector_load %arg5[%swap3A_147] {strides = array<i32>} : memref<1024xf32, #tpu.memory_space<vmem>>, vector<16xf32>,
    %swap3A_149 = vector.shape_cast %swap3A_148 : vector<16xf32> to vector<16xf32>
    %swap3A_150 = vector.shape_cast %broadcast_in_dim3A_146 : vector<16xf32> to vector<16xf32>
    tpu.vector_store %arg5[%swap3A_147], %swap3A_150 {strides = array<i32>} : memref<1024xf32, #tpu.memory_space<vmem>>, vector<16xf32>,
    %broadcast_in_dim3A_151 = arith.constant 0.000000e+00 : f32
    %broadcast_in_dim3A_152 = vector.broadcast %broadcast_in_dim3A_151 : f32 to vector<16xf32>
    %swap3A_153 = arith.constant 192 : index
    %swap3A_154 = tpu.vector_load %arg6[%swap3A_153] {strides = array<i32>} : memref<1024xf32, #tpu.memory_space<vmem>>, vector<16xf32>,
    %swap3A_155 = vector.shape_cast %swap3A_154 : vector<16xf32> to vector<16xf32>
    %swap3A_156 = vector.shape_cast %broadcast_in_dim3A_152 : vector<16xf32> to vector<16xf32>
    tpu.vector_store %arg6[%swap3A_153], %swap3A_156 {strides = array<i32>} : memref<1024xf32, #tpu.memory_space<vmem>>, vector<16xf32>,
    %broadcast_in_dim3A_157 = arith.constant 1.000000e+00 : f32
    %broadcast_in_dim3A_158 = vector.broadcast %broadcast_in_dim3A_157 : f32 to vector<16xf32>
    %swap3A_159 = arith.constant 208 : index
    %swap3A_160 = tpu.vector_load %arg5[%swap3A_159] {strides = array<i32>} : memref<1024xf32, #tpu.memory_space<vmem>>, vector<16xf32>,
    %swap3A_161 = vector.shape_cast %swap3A_160 : vector<16xf32> to vector<16xf32>
    %swap3A_162 = vector.shape_cast %broadcast_in_dim3A_158 : vector<16xf32> to vector<16xf32>
    tpu.vector_store %arg5[%swap3A_159], %swap3A_162 {strides = array<i32>} : memref<1024xf32, #tpu.memory_space<vmem>>, vector<16xf32>,
    %broadcast_in_dim3A_163 = arith.constant 0.000000e+00 : f32
    %broadcast_in_dim3A_164 = vector.broadcast %broadcast_in_dim3A_163 : f32 to vector<16xf32>
    %swap3A_165 = arith.constant 208 : index
    %swap3A_166 = tpu.vector_load %arg6[%swap3A_165] {strides = array<i32>} : memref<1024xf32, #tpu.memory_space<vmem>>, vector<16xf32>,
    %swap3A_167 = vector.shape_cast %swap3A_166 : vector<16xf32> to vector<16xf32>
    %swap3A_168 = vector.shape_cast %broadcast_in_dim3A_164 : vector<16xf32> to vector<16xf32>
    tpu.vector_store %arg6[%swap3A_165], %swap3A_168 {strides = array<i32>} : memref<1024xf32, #tpu.memory_space<vmem>>, vector<16xf32>,
    %broadcast_in_dim3A_169 = arith.constant 1.000000e+00 : f32
    %broadcast_in_dim3A_170 = vector.broadcast %broadcast_in_dim3A_169 : f32 to vector<16xf32>
    %swap3A_171 = arith.constant 224 : index
    %swap3A_172 = tpu.vector_load %arg5[%swap3A_171] {strides = array<i32>} : memref<1024xf32, #tpu.memory_space<vmem>>, vector<16xf32>,
    %swap3A_173 = vector.shape_cast %swap3A_172 : vector<16xf32> to vector<16xf32>
    %swap3A_174 = vector.shape_cast %broadcast_in_dim3A_170 : vector<16xf32> to vector<16xf32>
    tpu.vector_store %arg5[%swap3A_171], %swap3A_174 {strides = array<i32>} : memref<1024xf32, #tpu.memory_space<vmem>>, vector<16xf32>,
    %broadcast_in_dim3A_175 = arith.constant 0.000000e+00 : f32
    %broadcast_in_dim3A_176 = vector.broadcast %broadcast_in_dim3A_175 : f32 to vector<16xf32>
    %swap3A_177 = arith.constant 224 : index
    %swap3A_178 = tpu.vector_load %arg6[%swap3A_177] {strides = array<i32>} : memref<1024xf32, #tpu.memory_space<vmem>>, vector<16xf32>,
    %swap3A_179 = vector.shape_cast %swap3A_178 : vector<16xf32> to vector<16xf32>
    %swap3A_180 = vector.shape_cast %broadcast_in_dim3A_176 : vector<16xf32> to vector<16xf32>
    tpu.vector_store %arg6[%swap3A_177], %swap3A_180 {strides = array<i32>} : memref<1024xf32, #tpu.memory_space<vmem>>, vector<16xf32>,
    %broadcast_in_dim3A_181 = arith.constant 1.000000e+00 : f32
    %broadcast_in_dim3A_182 = vector.broadcast %broadcast_in_dim3A_181 : f32 to vector<16xf32>
    %swap3A_183 = arith.constant 240 : index
    %swap3A_184 = tpu.vector_load %arg5[%swap3A_183] {strides = array<i32>} : memref<1024xf32, #tpu.memory_space<vmem>>, vector<16xf32>,
    %swap3A_185 = vector.shape_cast %swap3A_184 : vector<16xf32> to vector<16xf32>
    %swap3A_186 = vector.shape_cast %broadcast_in_dim3A_182 : vector<16xf32> to vector<16xf32>
    tpu.vector_store %arg5[%swap3A_183], %swap3A_186 {strides = array<i32>} : memref<1024xf32, #tpu.memory_space<vmem>>, vector<16xf32>,
    %broadcast_in_dim3A_187 = arith.constant 0.000000e+00 : f32
    %broadcast_in_dim3A_188 = vector.broadcast %broadcast_in_dim3A_187 : f32 to vector<16xf32>
    %swap3A_189 = arith.constant 240 : index
    %swap3A_190 = tpu.vector_load %arg6[%swap3A_189] {strides = array<i32>} : memref<1024xf32, #tpu.memory_space<vmem>>, vector<16xf32>,
    %swap3A_191 = vector.shape_cast %swap3A_190 : vector<16xf32> to vector<16xf32>
    %swap3A_192 = vector.shape_cast %broadcast_in_dim3A_188 : vector<16xf32> to vector<16xf32>
    tpu.vector_store %arg6[%swap3A_189], %swap3A_192 {strides = array<i32>} : memref<1024xf32, #tpu.memory_space<vmem>>, vector<16xf32>,
    %broadcast_in_dim3A_193 = arith.constant 1.000000e+00 : f32
    %broadcast_in_dim3A_194 = vector.broadcast %broadcast_in_dim3A_193 : f32 to vector<16xf32>
    %swap3A_195 = arith.constant 256 : index
    %swap3A_196 = tpu.vector_load %arg5[%swap3A_195] {strides = array<i32>} : memref<1024xf32, #tpu.memory_space<vmem>>, vector<16xf32>,
    %swap3A_197 = vector.shape_cast %swap3A_196 : vector<16xf32> to vector<16xf32>
    %swap3A_198 = vector.shape_cast %broadcast_in_dim3A_194 : vector<16xf32> to vector<16xf32>
    tpu.vector_store %arg5[%swap3A_195], %swap3A_198 {strides = array<i32>} : memref<1024xf32, #tpu.memory_space<vmem>>, vector<16xf32>,
    %broadcast_in_dim3A_199 = arith.constant 0.000000e+00 : f32
    %broadcast_in_dim3A_200 = vector.broadcast %broadcast_in_dim3A_199 : f32 to vector<16xf32>
    %swap3A_201 = arith.constant 256 : index
    %swap3A_202 = tpu.vector_load %arg6[%swap3A_201] {strides = array<i32>} : memref<1024xf32, #tpu.memory_space<vmem>>, vector<16xf32>,
    %swap3A_203 = vector.shape_cast %swap3A_202 : vector<16xf32> to vector<16xf32>
    %swap3A_204 = vector.shape_cast %broadcast_in_dim3A_200 : vector<16xf32> to vector<16xf32>
    tpu.vector_store %arg6[%swap3A_201], %swap3A_204 {strides = array<i32>} : memref<1024xf32, #tpu.memory_space<vmem>>, vector<16xf32>,
    %broadcast_in_dim3A_205 = arith.constant 1.000000e+00 : f32
    %broadcast_in_dim3A_206 = vector.broadcast %broadcast_in_dim3A_205 : f32 to vector<16xf32>
    %swap3A_207 = arith.constant 272 : index
    %swap3A_208 = tpu.vector_load %arg5[%swap3A_207] {strides = array<i32>} : memref<1024xf32, #tpu.memory_space<vmem>>, vector<16xf32>,
    %swap3A_209 = vector.shape_cast %swap3A_208 : vector<16xf32> to vector<16xf32>
    %swap3A_210 = vector.shape_cast %broadcast_in_dim3A_206 : vector<16xf32> to vector<16xf32>
    tpu.vector_store %arg5[%swap3A_207], %swap3A_210 {strides = array<i32>} : memref<1024xf32, #tpu.memory_space<vmem>>, vector<16xf32>,
    %broadcast_in_dim3A_211 = arith.constant 0.000000e+00 : f32
    %broadcast_in_dim3A_212 = vector.broadcast %broadcast_in_dim3A_211 : f32 to vector<16xf32>
    %swap3A_213 = arith.constant 272 : index
    %swap3A_214 = tpu.vector_load %arg6[%swap3A_213] {strides = array<i32>} : memref<1024xf32, #tpu.memory_space<vmem>>, vector<16xf32>,
    %swap3A_215 = vector.shape_cast %swap3A_214 : vector<16xf32> to vector<16xf32>
    %swap3A_216 = vector.shape_cast %broadcast_in_dim3A_212 : vector<16xf32> to vector<16xf32>
    tpu.vector_store %arg6[%swap3A_213], %swap3A_216 {strides = array<i32>} : memref<1024xf32, #tpu.memory_space<vmem>>, vector<16xf32>,
    %broadcast_in_dim3A_217 = arith.constant 1.000000e+00 : f32
    %broadcast_in_dim3A_218 = vector.broadcast %broadcast_in_dim3A_217 : f32 to vector<16xf32>
    %swap3A_219 = arith.constant 288 : index
    %swap3A_220 = tpu.vector_load %arg5[%swap3A_219] {strides = array<i32>} : memref<1024xf32, #tpu.memory_space<vmem>>, vector<16xf32>,
    %swap3A_221 = vector.shape_cast %swap3A_220 : vector<16xf32> to vector<16xf32>
    %swap3A_222 = vector.shape_cast %broadcast_in_dim3A_218 : vector<16xf32> to vector<16xf32>
    tpu.vector_store %arg5[%swap3A_219], %swap3A_222 {strides = array<i32>} : memref<1024xf32, #tpu.memory_space<vmem>>, vector<16xf32>,
    %broadcast_in_dim3A_223 = arith.constant 0.000000e+00 : f32
    %broadcast_in_dim3A_224 = vector.broadcast %broadcast_in_dim3A_223 : f32 to vector<16xf32>
    %swap3A_225 = arith.constant 288 : index
    %swap3A_226 = tpu.vector_load %arg6[%swap3A_225] {strides = array<i32>} : memref<1024xf32, #tpu.memory_space<vmem>>, vector<16xf32>,
    %swap3A_227 = vector.shape_cast %swap3A_226 : vector<16xf32> to vector<16xf32>
    %swap3A_228 = vector.shape_cast %broadcast_in_dim3A_224 : vector<16xf32> to vector<16xf32>
    tpu.vector_store %arg6[%swap3A_225], %swap3A_228 {strides = array<i32>} : memref<1024xf32, #tpu.memory_space<vmem>>, vector<16xf32>,
    %broadcast_in_dim3A_229 = arith.constant 1.000000e+00 : f32
    %broadcast_in_dim3A_230 = vector.broadcast %broadcast_in_dim3A_229 : f32 to vector<16xf32>
    %swap3A_231 = arith.constant 304 : index
    %swap3A_232 = tpu.vector_load %arg5[%swap3A_231] {strides = array<i32>} : memref<1024xf32, #tpu.memory_space<vmem>>, vector<16xf32>,
    %swap3A_233 = vector.shape_cast %swap3A_232 : vector<16xf32> to vector<16xf32>
    %swap3A_234 = vector.shape_cast %broadcast_in_dim3A_230 : vector<16xf32> to vector<16xf32>
    tpu.vector_store %arg5[%swap3A_231], %swap3A_234 {strides = array<i32>} : memref<1024xf32, #tpu.memory_space<vmem>>, vector<16xf32>,
    %broadcast_in_dim3A_235 = arith.constant 0.000000e+00 : f32
    %broadcast_in_dim3A_236 = vector.broadcast %broadcast_in_dim3A_235 : f32 to vector<16xf32>
    %swap3A_237 = arith.constant 304 : index
    %swap3A_238 = tpu.vector_load %arg6[%swap3A_237] {strides = array<i32>} : memref<1024xf32, #tpu.memory_space<vmem>>, vector<16xf32>,
    %swap3A_239 = vector.shape_cast %swap3A_238 : vector<16xf32> to vector<16xf32>
    %swap3A_240 = vector.shape_cast %broadcast_in_dim3A_236 : vector<16xf32> to vector<16xf32>
    tpu.vector_store %arg6[%swap3A_237], %swap3A_240 {strides = array<i32>} : memref<1024xf32, #tpu.memory_space<vmem>>, vector<16xf32>,
    %broadcast_in_dim3A_241 = arith.constant 1.000000e+00 : f32
    %broadcast_in_dim3A_242 = vector.broadcast %broadcast_in_dim3A_241 : f32 to vector<16xf32>
    %swap3A_243 = arith.constant 320 : index
    %swap3A_244 = tpu.vector_load %arg5[%swap3A_243] {strides = array<i32>} : memref<1024xf32, #tpu.memory_space<vmem>>, vector<16xf32>,
    %swap3A_245 = vector.shape_cast %swap3A_244 : vector<16xf32> to vector<16xf32>
    %swap3A_246 = vector.shape_cast %broadcast_in_dim3A_242 : vector<16xf32> to vector<16xf32>
    tpu.vector_store %arg5[%swap3A_243], %swap3A_246 {strides = array<i32>} : memref<1024xf32, #tpu.memory_space<vmem>>, vector<16xf32>,
    %broadcast_in_dim3A_247 = arith.constant 0.000000e+00 : f32
    %broadcast_in_dim3A_248 = vector.broadcast %broadcast_in_dim3A_247 : f32 to vector<16xf32>
    %swap3A_249 = arith.constant 320 : index
    %swap3A_250 = tpu.vector_load %arg6[%swap3A_249] {strides = array<i32>} : memref<1024xf32, #tpu.memory_space<vmem>>, vector<16xf32>,
    %swap3A_251 = vector.shape_cast %swap3A_250 : vector<16xf32> to vector<16xf32>
    %swap3A_252 = vector.shape_cast %broadcast_in_dim3A_248 : vector<16xf32> to vector<16xf32>
    tpu.vector_store %arg6[%swap3A_249], %swap3A_252 {strides = array<i32>} : memref<1024xf32, #tpu.memory_space<vmem>>, vector<16xf32>,
    %broadcast_in_dim3A_253 = arith.constant 1.000000e+00 : f32
    %broadcast_in_dim3A_254 = vector.broadcast %broadcast_in_dim3A_253 : f32 to vector<16xf32>
    %swap3A_255 = arith.constant 336 : index
    %swap3A_256 = tpu.vector_load %arg5[%swap3A_255] {strides = array<i32>} : memref<1024xf32, #tpu.memory_space<vmem>>, vector<16xf32>,
    %swap3A_257 = vector.shape_cast %swap3A_256 : vector<16xf32> to vector<16xf32>
    %swap3A_258 = vector.shape_cast %broadcast_in_dim3A_254 : vector<16xf32> to vector<16xf32>
    tpu.vector_store %arg5[%swap3A_255], %swap3A_258 {strides = array<i32>} : memref<1024xf32, #tpu.memory_space<vmem>>, vector<16xf32>,
    %broadcast_in_dim3A_259 = arith.constant 0.000000e+00 : f32
    %broadcast_in_dim3A_260 = vector.broadcast %broadcast_in_dim3A_259 : f32 to vector<16xf32>
    %swap3A_261 = arith.constant 336 : index
    %swap3A_262 = tpu.vector_load %arg6[%swap3A_261] {strides = array<i32>} : memref<1024xf32, #tpu.memory_space<vmem>>, vector<16xf32>,
    %swap3A_263 = vector.shape_cast %swap3A_262 : vector<16xf32> to vector<16xf32>
    %swap3A_264 = vector.shape_cast %broadcast_in_dim3A_260 : vector<16xf32> to vector<16xf32>
    tpu.vector_store %arg6[%swap3A_261], %swap3A_264 {strides = array<i32>} : memref<1024xf32, #tpu.memory_space<vmem>>, vector<16xf32>,
    %broadcast_in_dim3A_265 = arith.constant 1.000000e+00 : f32
    %broadcast_in_dim3A_266 = vector.broadcast %broadcast_in_dim3A_265 : f32 to vector<16xf32>
    %swap3A_267 = arith.constant 352 : index
    %swap3A_268 = tpu.vector_load %arg5[%swap3A_267] {strides = array<i32>} : memref<1024xf32, #tpu.memory_space<vmem>>, vector<16xf32>,
    %swap3A_269 = vector.shape_cast %swap3A_268 : vector<16xf32> to vector<16xf32>
    %swap3A_270 = vector.shape_cast %broadcast_in_dim3A_266 : vector<16xf32> to vector<16xf32>
    tpu.vector_store %arg5[%swap3A_267], %swap3A_270 {strides = array<i32>} : memref<1024xf32, #tpu.memory_space<vmem>>, vector<16xf32>,
    %broadcast_in_dim3A_271 = arith.constant 0.000000e+00 : f32
    %broadcast_in_dim3A_272 = vector.broadcast %broadcast_in_dim3A_271 : f32 to vector<16xf32>
    %swap3A_273 = arith.constant 352 : index
    %swap3A_274 = tpu.vector_load %arg6[%swap3A_273] {strides = array<i32>} : memref<1024xf32, #tpu.memory_space<vmem>>, vector<16xf32>,
    %swap3A_275 = vector.shape_cast %swap3A_274 : vector<16xf32> to vector<16xf32>
    %swap3A_276 = vector.shape_cast %broadcast_in_dim3A_272 : vector<16xf32> to vector<16xf32>
    tpu.vector_store %arg6[%swap3A_273], %swap3A_276 {strides = array<i32>} : memref<1024xf32, #tpu.memory_space<vmem>>, vector<16xf32>,
    %broadcast_in_dim3A_277 = arith.constant 1.000000e+00 : f32
    %broadcast_in_dim3A_278 = vector.broadcast %broadcast_in_dim3A_277 : f32 to vector<16xf32>
    %swap3A_279 = arith.constant 368 : index
    %swap3A_280 = tpu.vector_load %arg5[%swap3A_279] {strides = array<i32>} : memref<1024xf32, #tpu.memory_space<vmem>>, vector<16xf32>,
    %swap3A_281 = vector.shape_cast %swap3A_280 : vector<16xf32> to vector<16xf32>
    %swap3A_282 = vector.shape_cast %broadcast_in_dim3A_278 : vector<16xf32> to vector<16xf32>
    tpu.vector_store %arg5[%swap3A_279], %swap3A_282 {strides = array<i32>} : memref<1024xf32, #tpu.memory_space<vmem>>, vector<16xf32>,
    %broadcast_in_dim3A_283 = arith.constant 0.000000e+00 : f32
    %broadcast_in_dim3A_284 = vector.broadcast %broadcast_in_dim3A_283 : f32 to vector<16xf32>
    %swap3A_285 = arith.constant 368 : index
    %swap3A_286 = tpu.vector_load %arg6[%swap3A_285] {strides = array<i32>} : memref<1024xf32, #tpu.memory_space<vmem>>, vector<16xf32>,
    %swap3A_287 = vector.shape_cast %swap3A_286 : vector<16xf32> to vector<16xf32>
    %swap3A_288 = vector.shape_cast %broadcast_in_dim3A_284 : vector<16xf32> to vector<16xf32>
    tpu.vector_store %arg6[%swap3A_285], %swap3A_288 {strides = array<i32>} : memref<1024xf32, #tpu.memory_space<vmem>>, vector<16xf32>,
    %broadcast_in_dim3A_289 = arith.constant 1.000000e+00 : f32
    %broadcast_in_dim3A_290 = vector.broadcast %broadcast_in_dim3A_289 : f32 to vector<16xf32>
    %swap3A_291 = arith.constant 384 : index
    %swap3A_292 = tpu.vector_load %arg5[%swap3A_291] {strides = array<i32>} : memref<1024xf32, #tpu.memory_space<vmem>>, vector<16xf32>,
    %swap3A_293 = vector.shape_cast %swap3A_292 : vector<16xf32> to vector<16xf32>
    %swap3A_294 = vector.shape_cast %broadcast_in_dim3A_290 : vector<16xf32> to vector<16xf32>
    tpu.vector_store %arg5[%swap3A_291], %swap3A_294 {strides = array<i32>} : memref<1024xf32, #tpu.memory_space<vmem>>, vector<16xf32>,
    %broadcast_in_dim3A_295 = arith.constant 0.000000e+00 : f32
    %broadcast_in_dim3A_296 = vector.broadcast %broadcast_in_dim3A_295 : f32 to vector<16xf32>
    %swap3A_297 = arith.constant 384 : index
    %swap3A_298 = tpu.vector_load %arg6[%swap3A_297] {strides = array<i32>} : memref<1024xf32, #tpu.memory_space<vmem>>, vector<16xf32>,
    %swap3A_299 = vector.shape_cast %swap3A_298 : vector<16xf32> to vector<16xf32>
    %swap3A_300 = vector.shape_cast %broadcast_in_dim3A_296 : vector<16xf32> to vector<16xf32>
    tpu.vector_store %arg6[%swap3A_297], %swap3A_300 {strides = array<i32>} : memref<1024xf32, #tpu.memory_space<vmem>>, vector<16xf32>,
    %broadcast_in_dim3A_301 = arith.constant 1.000000e+00 : f32
    %broadcast_in_dim3A_302 = vector.broadcast %broadcast_in_dim3A_301 : f32 to vector<16xf32>
    %swap3A_303 = arith.constant 400 : index
    %swap3A_304 = tpu.vector_load %arg5[%swap3A_303] {strides = array<i32>} : memref<1024xf32, #tpu.memory_space<vmem>>, vector<16xf32>,
    %swap3A_305 = vector.shape_cast %swap3A_304 : vector<16xf32> to vector<16xf32>
    %swap3A_306 = vector.shape_cast %broadcast_in_dim3A_302 : vector<16xf32> to vector<16xf32>
    tpu.vector_store %arg5[%swap3A_303], %swap3A_306 {strides = array<i32>} : memref<1024xf32, #tpu.memory_space<vmem>>, vector<16xf32>,
    %broadcast_in_dim3A_307 = arith.constant 0.000000e+00 : f32
    %broadcast_in_dim3A_308 = vector.broadcast %broadcast_in_dim3A_307 : f32 to vector<16xf32>
    %swap3A_309 = arith.constant 400 : index
    %swap3A_310 = tpu.vector_load %arg6[%swap3A_309] {strides = array<i32>} : memref<1024xf32, #tpu.memory_space<vmem>>, vector<16xf32>,
    %swap3A_311 = vector.shape_cast %swap3A_310 : vector<16xf32> to vector<16xf32>
    %swap3A_312 = vector.shape_cast %broadcast_in_dim3A_308 : vector<16xf32> to vector<16xf32>
    tpu.vector_store %arg6[%swap3A_309], %swap3A_312 {strides = array<i32>} : memref<1024xf32, #tpu.memory_space<vmem>>, vector<16xf32>,
    %broadcast_in_dim3A_313 = arith.constant 1.000000e+00 : f32
    %broadcast_in_dim3A_314 = vector.broadcast %broadcast_in_dim3A_313 : f32 to vector<16xf32>
    %swap3A_315 = arith.constant 416 : index
    %swap3A_316 = tpu.vector_load %arg5[%swap3A_315] {strides = array<i32>} : memref<1024xf32, #tpu.memory_space<vmem>>, vector<16xf32>,
    %swap3A_317 = vector.shape_cast %swap3A_316 : vector<16xf32> to vector<16xf32>
    %swap3A_318 = vector.shape_cast %broadcast_in_dim3A_314 : vector<16xf32> to vector<16xf32>
    tpu.vector_store %arg5[%swap3A_315], %swap3A_318 {strides = array<i32>} : memref<1024xf32, #tpu.memory_space<vmem>>, vector<16xf32>,
    %broadcast_in_dim3A_319 = arith.constant 0.000000e+00 : f32
    %broadcast_in_dim3A_320 = vector.broadcast %broadcast_in_dim3A_319 : f32 to vector<16xf32>
    %swap3A_321 = arith.constant 416 : index
    %swap3A_322 = tpu.vector_load %arg6[%swap3A_321] {strides = array<i32>} : memref<1024xf32, #tpu.memory_space<vmem>>, vector<16xf32>,
    %swap3A_323 = vector.shape_cast %swap3A_322 : vector<16xf32> to vector<16xf32>
    %swap3A_324 = vector.shape_cast %broadcast_in_dim3A_320 : vector<16xf32> to vector<16xf32>
    tpu.vector_store %arg6[%swap3A_321], %swap3A_324 {strides = array<i32>} : memref<1024xf32, #tpu.memory_space<vmem>>, vector<16xf32>,
    %broadcast_in_dim3A_325 = arith.constant 1.000000e+00 : f32
    %broadcast_in_dim3A_326 = vector.broadcast %broadcast_in_dim3A_325 : f32 to vector<16xf32>
    %swap3A_327 = arith.constant 432 : index
    %swap3A_328 = tpu.vector_load %arg5[%swap3A_327] {strides = array<i32>} : memref<1024xf32, #tpu.memory_space<vmem>>, vector<16xf32>,
    %swap3A_329 = vector.shape_cast %swap3A_328 : vector<16xf32> to vector<16xf32>
    %swap3A_330 = vector.shape_cast %broadcast_in_dim3A_326 : vector<16xf32> to vector<16xf32>
    tpu.vector_store %arg5[%swap3A_327], %swap3A_330 {strides = array<i32>} : memref<1024xf32, #tpu.memory_space<vmem>>, vector<16xf32>,
    %broadcast_in_dim3A_331 = arith.constant 0.000000e+00 : f32
    %broadcast_in_dim3A_332 = vector.broadcast %broadcast_in_dim3A_331 : f32 to vector<16xf32>
    %swap3A_333 = arith.constant 432 : index
    %swap3A_334 = tpu.vector_load %arg6[%swap3A_333] {strides = array<i32>} : memref<1024xf32, #tpu.memory_space<vmem>>, vector<16xf32>,
    %swap3A_335 = vector.shape_cast %swap3A_334 : vector<16xf32> to vector<16xf32>
    %swap3A_336 = vector.shape_cast %broadcast_in_dim3A_332 : vector<16xf32> to vector<16xf32>
    tpu.vector_store %arg6[%swap3A_333], %swap3A_336 {strides = array<i32>} : memref<1024xf32, #tpu.memory_space<vmem>>, vector<16xf32>,
    %broadcast_in_dim3A_337 = arith.constant 1.000000e+00 : f32
    %broadcast_in_dim3A_338 = vector.broadcast %broadcast_in_dim3A_337 : f32 to vector<16xf32>
    %swap3A_339 = arith.constant 448 : index
    %swap3A_340 = tpu.vector_load %arg5[%swap3A_339] {strides = array<i32>} : memref<1024xf32, #tpu.memory_space<vmem>>, vector<16xf32>,
    %swap3A_341 = vector.shape_cast %swap3A_340 : vector<16xf32> to vector<16xf32>
    %swap3A_342 = vector.shape_cast %broadcast_in_dim3A_338 : vector<16xf32> to vector<16xf32>
    tpu.vector_store %arg5[%swap3A_339], %swap3A_342 {strides = array<i32>} : memref<1024xf32, #tpu.memory_space<vmem>>, vector<16xf32>,
    %broadcast_in_dim3A_343 = arith.constant 0.000000e+00 : f32
    %broadcast_in_dim3A_344 = vector.broadcast %broadcast_in_dim3A_343 : f32 to vector<16xf32>
    %swap3A_345 = arith.constant 448 : index
    %swap3A_346 = tpu.vector_load %arg6[%swap3A_345] {strides = array<i32>} : memref<1024xf32, #tpu.memory_space<vmem>>, vector<16xf32>,
    %swap3A_347 = vector.shape_cast %swap3A_346 : vector<16xf32> to vector<16xf32>
    %swap3A_348 = vector.shape_cast %broadcast_in_dim3A_344 : vector<16xf32> to vector<16xf32>
    tpu.vector_store %arg6[%swap3A_345], %swap3A_348 {strides = array<i32>} : memref<1024xf32, #tpu.memory_space<vmem>>, vector<16xf32>,
    %broadcast_in_dim3A_349 = arith.constant 1.000000e+00 : f32
    %broadcast_in_dim3A_350 = vector.broadcast %broadcast_in_dim3A_349 : f32 to vector<16xf32>
    %swap3A_351 = arith.constant 464 : index
    %swap3A_352 = tpu.vector_load %arg5[%swap3A_351] {strides = array<i32>} : memref<1024xf32, #tpu.memory_space<vmem>>, vector<16xf32>,
    %swap3A_353 = vector.shape_cast %swap3A_352 : vector<16xf32> to vector<16xf32>
    %swap3A_354 = vector.shape_cast %broadcast_in_dim3A_350 : vector<16xf32> to vector<16xf32>
    tpu.vector_store %arg5[%swap3A_351], %swap3A_354 {strides = array<i32>} : memref<1024xf32, #tpu.memory_space<vmem>>, vector<16xf32>,
    %broadcast_in_dim3A_355 = arith.constant 0.000000e+00 : f32
    %broadcast_in_dim3A_356 = vector.broadcast %broadcast_in_dim3A_355 : f32 to vector<16xf32>
    %swap3A_357 = arith.constant 464 : index
    %swap3A_358 = tpu.vector_load %arg6[%swap3A_357] {strides = array<i32>} : memref<1024xf32, #tpu.memory_space<vmem>>, vector<16xf32>,
    %swap3A_359 = vector.shape_cast %swap3A_358 : vector<16xf32> to vector<16xf32>
    %swap3A_360 = vector.shape_cast %broadcast_in_dim3A_356 : vector<16xf32> to vector<16xf32>
    tpu.vector_store %arg6[%swap3A_357], %swap3A_360 {strides = array<i32>} : memref<1024xf32, #tpu.memory_space<vmem>>, vector<16xf32>,
    %broadcast_in_dim3A_361 = arith.constant 1.000000e+00 : f32
    %broadcast_in_dim3A_362 = vector.broadcast %broadcast_in_dim3A_361 : f32 to vector<16xf32>
    %swap3A_363 = arith.constant 480 : index
    %swap3A_364 = tpu.vector_load %arg5[%swap3A_363] {strides = array<i32>} : memref<1024xf32, #tpu.memory_space<vmem>>, vector<16xf32>,
    %swap3A_365 = vector.shape_cast %swap3A_364 : vector<16xf32> to vector<16xf32>
    %swap3A_366 = vector.shape_cast %broadcast_in_dim3A_362 : vector<16xf32> to vector<16xf32>
    tpu.vector_store %arg5[%swap3A_363], %swap3A_366 {strides = array<i32>} : memref<1024xf32, #tpu.memory_space<vmem>>, vector<16xf32>,
    %broadcast_in_dim3A_367 = arith.constant 0.000000e+00 : f32
    %broadcast_in_dim3A_368 = vector.broadcast %broadcast_in_dim3A_367 : f32 to vector<16xf32>
    %swap3A_369 = arith.constant 480 : index
    %swap3A_370 = tpu.vector_load %arg6[%swap3A_369] {strides = array<i32>} : memref<1024xf32, #tpu.memory_space<vmem>>, vector<16xf32>,
    %swap3A_371 = vector.shape_cast %swap3A_370 : vector<16xf32> to vector<16xf32>
    %swap3A_372 = vector.shape_cast %broadcast_in_dim3A_368 : vector<16xf32> to vector<16xf32>
    tpu.vector_store %arg6[%swap3A_369], %swap3A_372 {strides = array<i32>} : memref<1024xf32, #tpu.memory_space<vmem>>, vector<16xf32>,
    %broadcast_in_dim3A_373 = arith.constant 1.000000e+00 : f32
    %broadcast_in_dim3A_374 = vector.broadcast %broadcast_in_dim3A_373 : f32 to vector<16xf32>
    %swap3A_375 = arith.constant 496 : index
    %swap3A_376 = tpu.vector_load %arg5[%swap3A_375] {strides = array<i32>} : memref<1024xf32, #tpu.memory_space<vmem>>, vector<16xf32>,
    %swap3A_377 = vector.shape_cast %swap3A_376 : vector<16xf32> to vector<16xf32>
    %swap3A_378 = vector.shape_cast %broadcast_in_dim3A_374 : vector<16xf32> to vector<16xf32>
    tpu.vector_store %arg5[%swap3A_375], %swap3A_378 {strides = array<i32>} : memref<1024xf32, #tpu.memory_space<vmem>>, vector<16xf32>,
    %broadcast_in_dim3A_379 = arith.constant 0.000000e+00 : f32
    %broadcast_in_dim3A_380 = vector.broadcast %broadcast_in_dim3A_379 : f32 to vector<16xf32>
    %swap3A_381 = arith.constant 496 : index
    %swap3A_382 = tpu.vector_load %arg6[%swap3A_381] {strides = array<i32>} : memref<1024xf32, #tpu.memory_space<vmem>>, vector<16xf32>,
    %swap3A_383 = vector.shape_cast %swap3A_382 : vector<16xf32> to vector<16xf32>
    %swap3A_384 = vector.shape_cast %broadcast_in_dim3A_380 : vector<16xf32> to vector<16xf32>
    tpu.vector_store %arg6[%swap3A_381], %swap3A_384 {strides = array<i32>} : memref<1024xf32, #tpu.memory_space<vmem>>, vector<16xf32>,
    %broadcast_in_dim3A_385 = arith.constant 1.000000e+00 : f32
    %broadcast_in_dim3A_386 = vector.broadcast %broadcast_in_dim3A_385 : f32 to vector<16xf32>
    %swap3A_387 = arith.constant 512 : index
    %swap3A_388 = tpu.vector_load %arg5[%swap3A_387] {strides = array<i32>} : memref<1024xf32, #tpu.memory_space<vmem>>, vector<16xf32>,
    %swap3A_389 = vector.shape_cast %swap3A_388 : vector<16xf32> to vector<16xf32>
    %swap3A_390 = vector.shape_cast %broadcast_in_dim3A_386 : vector<16xf32> to vector<16xf32>
    tpu.vector_store %arg5[%swap3A_387], %swap3A_390 {strides = array<i32>} : memref<1024xf32, #tpu.memory_space<vmem>>, vector<16xf32>,
    %broadcast_in_dim3A_391 = arith.constant 0.000000e+00 : f32
    %broadcast_in_dim3A_392 = vector.broadcast %broadcast_in_dim3A_391 : f32 to vector<16xf32>
    %swap3A_393 = arith.constant 512 : index
    %swap3A_394 = tpu.vector_load %arg6[%swap3A_393] {strides = array<i32>} : memref<1024xf32, #tpu.memory_space<vmem>>, vector<16xf32>,
    %swap3A_395 = vector.shape_cast %swap3A_394 : vector<16xf32> to vector<16xf32>
    %swap3A_396 = vector.shape_cast %broadcast_in_dim3A_392 : vector<16xf32> to vector<16xf32>
    tpu.vector_store %arg6[%swap3A_393], %swap3A_396 {strides = array<i32>} : memref<1024xf32, #tpu.memory_space<vmem>>, vector<16xf32>,
    %broadcast_in_dim3A_397 = arith.constant 1.000000e+00 : f32
    %broadcast_in_dim3A_398 = vector.broadcast %broadcast_in_dim3A_397 : f32 to vector<16xf32>
    %swap3A_399 = arith.constant 528 : index
    %swap3A_400 = tpu.vector_load %arg5[%swap3A_399] {strides = array<i32>} : memref<1024xf32, #tpu.memory_space<vmem>>, vector<16xf32>,
    %swap3A_401 = vector.shape_cast %swap3A_400 : vector<16xf32> to vector<16xf32>
    %swap3A_402 = vector.shape_cast %broadcast_in_dim3A_398 : vector<16xf32> to vector<16xf32>
    tpu.vector_store %arg5[%swap3A_399], %swap3A_402 {strides = array<i32>} : memref<1024xf32, #tpu.memory_space<vmem>>, vector<16xf32>,
    %broadcast_in_dim3A_403 = arith.constant 0.000000e+00 : f32
    %broadcast_in_dim3A_404 = vector.broadcast %broadcast_in_dim3A_403 : f32 to vector<16xf32>
    %swap3A_405 = arith.constant 528 : index
    %swap3A_406 = tpu.vector_load %arg6[%swap3A_405] {strides = array<i32>} : memref<1024xf32, #tpu.memory_space<vmem>>, vector<16xf32>,
    %swap3A_407 = vector.shape_cast %swap3A_406 : vector<16xf32> to vector<16xf32>
    %swap3A_408 = vector.shape_cast %broadcast_in_dim3A_404 : vector<16xf32> to vector<16xf32>
    tpu.vector_store %arg6[%swap3A_405], %swap3A_408 {strides = array<i32>} : memref<1024xf32, #tpu.memory_space<vmem>>, vector<16xf32>,
    %broadcast_in_dim3A_409 = arith.constant 1.000000e+00 : f32
    %broadcast_in_dim3A_410 = vector.broadcast %broadcast_in_dim3A_409 : f32 to vector<16xf32>
    %swap3A_411 = arith.constant 544 : index
    %swap3A_412 = tpu.vector_load %arg5[%swap3A_411] {strides = array<i32>} : memref<1024xf32, #tpu.memory_space<vmem>>, vector<16xf32>,
    %swap3A_413 = vector.shape_cast %swap3A_412 : vector<16xf32> to vector<16xf32>
    %swap3A_414 = vector.shape_cast %broadcast_in_dim3A_410 : vector<16xf32> to vector<16xf32>
    tpu.vector_store %arg5[%swap3A_411], %swap3A_414 {strides = array<i32>} : memref<1024xf32, #tpu.memory_space<vmem>>, vector<16xf32>,
    %broadcast_in_dim3A_415 = arith.constant 0.000000e+00 : f32
    %broadcast_in_dim3A_416 = vector.broadcast %broadcast_in_dim3A_415 : f32 to vector<16xf32>
    %swap3A_417 = arith.constant 544 : index
    %swap3A_418 = tpu.vector_load %arg6[%swap3A_417] {strides = array<i32>} : memref<1024xf32, #tpu.memory_space<vmem>>, vector<16xf32>,
    %swap3A_419 = vector.shape_cast %swap3A_418 : vector<16xf32> to vector<16xf32>
    %swap3A_420 = vector.shape_cast %broadcast_in_dim3A_416 : vector<16xf32> to vector<16xf32>
    tpu.vector_store %arg6[%swap3A_417], %swap3A_420 {strides = array<i32>} : memref<1024xf32, #tpu.memory_space<vmem>>, vector<16xf32>,
    %broadcast_in_dim3A_421 = arith.constant 1.000000e+00 : f32
    %broadcast_in_dim3A_422 = vector.broadcast %broadcast_in_dim3A_421 : f32 to vector<16xf32>
    %swap3A_423 = arith.constant 560 : index
    %swap3A_424 = tpu.vector_load %arg5[%swap3A_423] {strides = array<i32>} : memref<1024xf32, #tpu.memory_space<vmem>>, vector<16xf32>,
    %swap3A_425 = vector.shape_cast %swap3A_424 : vector<16xf32> to vector<16xf32>
    %swap3A_426 = vector.shape_cast %broadcast_in_dim3A_422 : vector<16xf32> to vector<16xf32>
    tpu.vector_store %arg5[%swap3A_423], %swap3A_426 {strides = array<i32>} : memref<1024xf32, #tpu.memory_space<vmem>>, vector<16xf32>,
    %broadcast_in_dim3A_427 = arith.constant 0.000000e+00 : f32
    %broadcast_in_dim3A_428 = vector.broadcast %broadcast_in_dim3A_427 : f32 to vector<16xf32>
    %swap3A_429 = arith.constant 560 : index
    %swap3A_430 = tpu.vector_load %arg6[%swap3A_429] {strides = array<i32>} : memref<1024xf32, #tpu.memory_space<vmem>>, vector<16xf32>,
    %swap3A_431 = vector.shape_cast %swap3A_430 : vector<16xf32> to vector<16xf32>
    %swap3A_432 = vector.shape_cast %broadcast_in_dim3A_428 : vector<16xf32> to vector<16xf32>
    tpu.vector_store %arg6[%swap3A_429], %swap3A_432 {strides = array<i32>} : memref<1024xf32, #tpu.memory_space<vmem>>, vector<16xf32>,
    %broadcast_in_dim3A_433 = arith.constant 1.000000e+00 : f32
    %broadcast_in_dim3A_434 = vector.broadcast %broadcast_in_dim3A_433 : f32 to vector<16xf32>
    %swap3A_435 = arith.constant 576 : index
    %swap3A_436 = tpu.vector_load %arg5[%swap3A_435] {strides = array<i32>} : memref<1024xf32, #tpu.memory_space<vmem>>, vector<16xf32>,
    %swap3A_437 = vector.shape_cast %swap3A_436 : vector<16xf32> to vector<16xf32>
    %swap3A_438 = vector.shape_cast %broadcast_in_dim3A_434 : vector<16xf32> to vector<16xf32>
    tpu.vector_store %arg5[%swap3A_435], %swap3A_438 {strides = array<i32>} : memref<1024xf32, #tpu.memory_space<vmem>>, vector<16xf32>,
    %broadcast_in_dim3A_439 = arith.constant 0.000000e+00 : f32
    %broadcast_in_dim3A_440 = vector.broadcast %broadcast_in_dim3A_439 : f32 to vector<16xf32>
    %swap3A_441 = arith.constant 576 : index
    %swap3A_442 = tpu.vector_load %arg6[%swap3A_441] {strides = array<i32>} : memref<1024xf32, #tpu.memory_space<vmem>>, vector<16xf32>,
    %swap3A_443 = vector.shape_cast %swap3A_442 : vector<16xf32> to vector<16xf32>
    %swap3A_444 = vector.shape_cast %broadcast_in_dim3A_440 : vector<16xf32> to vector<16xf32>
    tpu.vector_store %arg6[%swap3A_441], %swap3A_444 {strides = array<i32>} : memref<1024xf32, #tpu.memory_space<vmem>>, vector<16xf32>,
    %broadcast_in_dim3A_445 = arith.constant 1.000000e+00 : f32
    %broadcast_in_dim3A_446 = vector.broadcast %broadcast_in_dim3A_445 : f32 to vector<16xf32>
    %swap3A_447 = arith.constant 592 : index
    %swap3A_448 = tpu.vector_load %arg5[%swap3A_447] {strides = array<i32>} : memref<1024xf32, #tpu.memory_space<vmem>>, vector<16xf32>,
    %swap3A_449 = vector.shape_cast %swap3A_448 : vector<16xf32> to vector<16xf32>
    %swap3A_450 = vector.shape_cast %broadcast_in_dim3A_446 : vector<16xf32> to vector<16xf32>
    tpu.vector_store %arg5[%swap3A_447], %swap3A_450 {strides = array<i32>} : memref<1024xf32, #tpu.memory_space<vmem>>, vector<16xf32>,
    %broadcast_in_dim3A_451 = arith.constant 0.000000e+00 : f32
    %broadcast_in_dim3A_452 = vector.broadcast %broadcast_in_dim3A_451 : f32 to vector<16xf32>
    %swap3A_453 = arith.constant 592 : index
    %swap3A_454 = tpu.vector_load %arg6[%swap3A_453] {strides = array<i32>} : memref<1024xf32, #tpu.memory_space<vmem>>, vector<16xf32>,
    %swap3A_455 = vector.shape_cast %swap3A_454 : vector<16xf32> to vector<16xf32>
    %swap3A_456 = vector.shape_cast %broadcast_in_dim3A_452 : vector<16xf32> to vector<16xf32>
    tpu.vector_store %arg6[%swap3A_453], %swap3A_456 {strides = array<i32>} : memref<1024xf32, #tpu.memory_space<vmem>>, vector<16xf32>,
    %broadcast_in_dim3A_457 = arith.constant 1.000000e+00 : f32
    %broadcast_in_dim3A_458 = vector.broadcast %broadcast_in_dim3A_457 : f32 to vector<16xf32>
    %swap3A_459 = arith.constant 608 : index
    %swap3A_460 = tpu.vector_load %arg5[%swap3A_459] {strides = array<i32>} : memref<1024xf32, #tpu.memory_space<vmem>>, vector<16xf32>,
    %swap3A_461 = vector.shape_cast %swap3A_460 : vector<16xf32> to vector<16xf32>
    %swap3A_462 = vector.shape_cast %broadcast_in_dim3A_458 : vector<16xf32> to vector<16xf32>
    tpu.vector_store %arg5[%swap3A_459], %swap3A_462 {strides = array<i32>} : memref<1024xf32, #tpu.memory_space<vmem>>, vector<16xf32>,
    %broadcast_in_dim3A_463 = arith.constant 0.000000e+00 : f32
    %broadcast_in_dim3A_464 = vector.broadcast %broadcast_in_dim3A_463 : f32 to vector<16xf32>
    %swap3A_465 = arith.constant 608 : index
    %swap3A_466 = tpu.vector_load %arg6[%swap3A_465] {strides = array<i32>} : memref<1024xf32, #tpu.memory_space<vmem>>, vector<16xf32>,
    %swap3A_467 = vector.shape_cast %swap3A_466 : vector<16xf32> to vector<16xf32>
    %swap3A_468 = vector.shape_cast %broadcast_in_dim3A_464 : vector<16xf32> to vector<16xf32>
    tpu.vector_store %arg6[%swap3A_465], %swap3A_468 {strides = array<i32>} : memref<1024xf32, #tpu.memory_space<vmem>>, vector<16xf32>,
    %broadcast_in_dim3A_469 = arith.constant 1.000000e+00 : f32
    %broadcast_in_dim3A_470 = vector.broadcast %broadcast_in_dim3A_469 : f32 to vector<16xf32>
    %swap3A_471 = arith.constant 624 : index
    %swap3A_472 = tpu.vector_load %arg5[%swap3A_471] {strides = array<i32>} : memref<1024xf32, #tpu.memory_space<vmem>>, vector<16xf32>,
    %swap3A_473 = vector.shape_cast %swap3A_472 : vector<16xf32> to vector<16xf32>
    %swap3A_474 = vector.shape_cast %broadcast_in_dim3A_470 : vector<16xf32> to vector<16xf32>
    tpu.vector_store %arg5[%swap3A_471], %swap3A_474 {strides = array<i32>} : memref<1024xf32, #tpu.memory_space<vmem>>, vector<16xf32>,
    %broadcast_in_dim3A_475 = arith.constant 0.000000e+00 : f32
    %broadcast_in_dim3A_476 = vector.broadcast %broadcast_in_dim3A_475 : f32 to vector<16xf32>
    %swap3A_477 = arith.constant 624 : index
    %swap3A_478 = tpu.vector_load %arg6[%swap3A_477] {strides = array<i32>} : memref<1024xf32, #tpu.memory_space<vmem>>, vector<16xf32>,
    %swap3A_479 = vector.shape_cast %swap3A_478 : vector<16xf32> to vector<16xf32>
    %swap3A_480 = vector.shape_cast %broadcast_in_dim3A_476 : vector<16xf32> to vector<16xf32>
    tpu.vector_store %arg6[%swap3A_477], %swap3A_480 {strides = array<i32>} : memref<1024xf32, #tpu.memory_space<vmem>>, vector<16xf32>,
    %broadcast_in_dim3A_481 = arith.constant 1.000000e+00 : f32
    %broadcast_in_dim3A_482 = vector.broadcast %broadcast_in_dim3A_481 : f32 to vector<16xf32>
    %swap3A_483 = arith.constant 640 : index
    %swap3A_484 = tpu.vector_load %arg5[%swap3A_483] {strides = array<i32>} : memref<1024xf32, #tpu.memory_space<vmem>>, vector<16xf32>,
    %swap3A_485 = vector.shape_cast %swap3A_484 : vector<16xf32> to vector<16xf32>
    %swap3A_486 = vector.shape_cast %broadcast_in_dim3A_482 : vector<16xf32> to vector<16xf32>
    tpu.vector_store %arg5[%swap3A_483], %swap3A_486 {strides = array<i32>} : memref<1024xf32, #tpu.memory_space<vmem>>, vector<16xf32>,
    %broadcast_in_dim3A_487 = arith.constant 0.000000e+00 : f32
    %broadcast_in_dim3A_488 = vector.broadcast %broadcast_in_dim3A_487 : f32 to vector<16xf32>
    %swap3A_489 = arith.constant 640 : index
    %swap3A_490 = tpu.vector_load %arg6[%swap3A_489] {strides = array<i32>} : memref<1024xf32, #tpu.memory_space<vmem>>, vector<16xf32>,
    %swap3A_491 = vector.shape_cast %swap3A_490 : vector<16xf32> to vector<16xf32>
    %swap3A_492 = vector.shape_cast %broadcast_in_dim3A_488 : vector<16xf32> to vector<16xf32>
    tpu.vector_store %arg6[%swap3A_489], %swap3A_492 {strides = array<i32>} : memref<1024xf32, #tpu.memory_space<vmem>>, vector<16xf32>,
    %broadcast_in_dim3A_493 = arith.constant 1.000000e+00 : f32
    %broadcast_in_dim3A_494 = vector.broadcast %broadcast_in_dim3A_493 : f32 to vector<16xf32>
    %swap3A_495 = arith.constant 656 : index
    %swap3A_496 = tpu.vector_load %arg5[%swap3A_495] {strides = array<i32>} : memref<1024xf32, #tpu.memory_space<vmem>>, vector<16xf32>,
    %swap3A_497 = vector.shape_cast %swap3A_496 : vector<16xf32> to vector<16xf32>
    %swap3A_498 = vector.shape_cast %broadcast_in_dim3A_494 : vector<16xf32> to vector<16xf32>
    tpu.vector_store %arg5[%swap3A_495], %swap3A_498 {strides = array<i32>} : memref<1024xf32, #tpu.memory_space<vmem>>, vector<16xf32>,
    %broadcast_in_dim3A_499 = arith.constant 0.000000e+00 : f32
    %broadcast_in_dim3A_500 = vector.broadcast %broadcast_in_dim3A_499 : f32 to vector<16xf32>
    %swap3A_501 = arith.constant 656 : index
    %swap3A_502 = tpu.vector_load %arg6[%swap3A_501] {strides = array<i32>} : memref<1024xf32, #tpu.memory_space<vmem>>, vector<16xf32>,
    %swap3A_503 = vector.shape_cast %swap3A_502 : vector<16xf32> to vector<16xf32>
    %swap3A_504 = vector.shape_cast %broadcast_in_dim3A_500 : vector<16xf32> to vector<16xf32>
    tpu.vector_store %arg6[%swap3A_501], %swap3A_504 {strides = array<i32>} : memref<1024xf32, #tpu.memory_space<vmem>>, vector<16xf32>,
    %broadcast_in_dim3A_505 = arith.constant 1.000000e+00 : f32
    %broadcast_in_dim3A_506 = vector.broadcast %broadcast_in_dim3A_505 : f32 to vector<16xf32>
    %swap3A_507 = arith.constant 672 : index
    %swap3A_508 = tpu.vector_load %arg5[%swap3A_507] {strides = array<i32>} : memref<1024xf32, #tpu.memory_space<vmem>>, vector<16xf32>,
    %swap3A_509 = vector.shape_cast %swap3A_508 : vector<16xf32> to vector<16xf32>
    %swap3A_510 = vector.shape_cast %broadcast_in_dim3A_506 : vector<16xf32> to vector<16xf32>
    tpu.vector_store %arg5[%swap3A_507], %swap3A_510 {strides = array<i32>} : memref<1024xf32, #tpu.memory_space<vmem>>, vector<16xf32>,
    %broadcast_in_dim3A_511 = arith.constant 0.000000e+00 : f32
    %broadcast_in_dim3A_512 = vector.broadcast %broadcast_in_dim3A_511 : f32 to vector<16xf32>
    %swap3A_513 = arith.constant 672 : index
    %swap3A_514 = tpu.vector_load %arg6[%swap3A_513] {strides = array<i32>} : memref<1024xf32, #tpu.memory_space<vmem>>, vector<16xf32>,
    %swap3A_515 = vector.shape_cast %swap3A_514 : vector<16xf32> to vector<16xf32>
    %swap3A_516 = vector.shape_cast %broadcast_in_dim3A_512 : vector<16xf32> to vector<16xf32>
    tpu.vector_store %arg6[%swap3A_513], %swap3A_516 {strides = array<i32>} : memref<1024xf32, #tpu.memory_space<vmem>>, vector<16xf32>,
    %broadcast_in_dim3A_517 = arith.constant 1.000000e+00 : f32
    %broadcast_in_dim3A_518 = vector.broadcast %broadcast_in_dim3A_517 : f32 to vector<16xf32>
    %swap3A_519 = arith.constant 688 : index
    %swap3A_520 = tpu.vector_load %arg5[%swap3A_519] {strides = array<i32>} : memref<1024xf32, #tpu.memory_space<vmem>>, vector<16xf32>,
    %swap3A_521 = vector.shape_cast %swap3A_520 : vector<16xf32> to vector<16xf32>
    %swap3A_522 = vector.shape_cast %broadcast_in_dim3A_518 : vector<16xf32> to vector<16xf32>
    tpu.vector_store %arg5[%swap3A_519], %swap3A_522 {strides = array<i32>} : memref<1024xf32, #tpu.memory_space<vmem>>, vector<16xf32>,
    %broadcast_in_dim3A_523 = arith.constant 0.000000e+00 : f32
    %broadcast_in_dim3A_524 = vector.broadcast %broadcast_in_dim3A_523 : f32 to vector<16xf32>
    %swap3A_525 = arith.constant 688 : index
    %swap3A_526 = tpu.vector_load %arg6[%swap3A_525] {strides = array<i32>} : memref<1024xf32, #tpu.memory_space<vmem>>, vector<16xf32>,
    %swap3A_527 = vector.shape_cast %swap3A_526 : vector<16xf32> to vector<16xf32>
    %swap3A_528 = vector.shape_cast %broadcast_in_dim3A_524 : vector<16xf32> to vector<16xf32>
    tpu.vector_store %arg6[%swap3A_525], %swap3A_528 {strides = array<i32>} : memref<1024xf32, #tpu.memory_space<vmem>>, vector<16xf32>,
    %broadcast_in_dim3A_529 = arith.constant 1.000000e+00 : f32
    %broadcast_in_dim3A_530 = vector.broadcast %broadcast_in_dim3A_529 : f32 to vector<16xf32>
    %swap3A_531 = arith.constant 704 : index
    %swap3A_532 = tpu.vector_load %arg5[%swap3A_531] {strides = array<i32>} : memref<1024xf32, #tpu.memory_space<vmem>>, vector<16xf32>,
    %swap3A_533 = vector.shape_cast %swap3A_532 : vector<16xf32> to vector<16xf32>
    %swap3A_534 = vector.shape_cast %broadcast_in_dim3A_530 : vector<16xf32> to vector<16xf32>
    tpu.vector_store %arg5[%swap3A_531], %swap3A_534 {strides = array<i32>} : memref<1024xf32, #tpu.memory_space<vmem>>, vector<16xf32>,
    %broadcast_in_dim3A_535 = arith.constant 0.000000e+00 : f32
    %broadcast_in_dim3A_536 = vector.broadcast %broadcast_in_dim3A_535 : f32 to vector<16xf32>
    %swap3A_537 = arith.constant 704 : index
    %swap3A_538 = tpu.vector_load %arg6[%swap3A_537] {strides = array<i32>} : memref<1024xf32, #tpu.memory_space<vmem>>, vector<16xf32>,
    %swap3A_539 = vector.shape_cast %swap3A_538 : vector<16xf32> to vector<16xf32>
    %swap3A_540 = vector.shape_cast %broadcast_in_dim3A_536 : vector<16xf32> to vector<16xf32>
    tpu.vector_store %arg6[%swap3A_537], %swap3A_540 {strides = array<i32>} : memref<1024xf32, #tpu.memory_space<vmem>>, vector<16xf32>,
    %broadcast_in_dim3A_541 = arith.constant 1.000000e+00 : f32
    %broadcast_in_dim3A_542 = vector.broadcast %broadcast_in_dim3A_541 : f32 to vector<16xf32>
    %swap3A_543 = arith.constant 720 : index
    %swap3A_544 = tpu.vector_load %arg5[%swap3A_543] {strides = array<i32>} : memref<1024xf32, #tpu.memory_space<vmem>>, vector<16xf32>,
    %swap3A_545 = vector.shape_cast %swap3A_544 : vector<16xf32> to vector<16xf32>
    %swap3A_546 = vector.shape_cast %broadcast_in_dim3A_542 : vector<16xf32> to vector<16xf32>
    tpu.vector_store %arg5[%swap3A_543], %swap3A_546 {strides = array<i32>} : memref<1024xf32, #tpu.memory_space<vmem>>, vector<16xf32>,
    %broadcast_in_dim3A_547 = arith.constant 0.000000e+00 : f32
    %broadcast_in_dim3A_548 = vector.broadcast %broadcast_in_dim3A_547 : f32 to vector<16xf32>
    %swap3A_549 = arith.constant 720 : index
    %swap3A_550 = tpu.vector_load %arg6[%swap3A_549] {strides = array<i32>} : memref<1024xf32, #tpu.memory_space<vmem>>, vector<16xf32>,
    %swap3A_551 = vector.shape_cast %swap3A_550 : vector<16xf32> to vector<16xf32>
    %swap3A_552 = vector.shape_cast %broadcast_in_dim3A_548 : vector<16xf32> to vector<16xf32>
    tpu.vector_store %arg6[%swap3A_549], %swap3A_552 {strides = array<i32>} : memref<1024xf32, #tpu.memory_space<vmem>>, vector<16xf32>,
    %broadcast_in_dim3A_553 = arith.constant 1.000000e+00 : f32
    %broadcast_in_dim3A_554 = vector.broadcast %broadcast_in_dim3A_553 : f32 to vector<16xf32>
    %swap3A_555 = arith.constant 736 : index
    %swap3A_556 = tpu.vector_load %arg5[%swap3A_555] {strides = array<i32>} : memref<1024xf32, #tpu.memory_space<vmem>>, vector<16xf32>,
    %swap3A_557 = vector.shape_cast %swap3A_556 : vector<16xf32> to vector<16xf32>
    %swap3A_558 = vector.shape_cast %broadcast_in_dim3A_554 : vector<16xf32> to vector<16xf32>
    tpu.vector_store %arg5[%swap3A_555], %swap3A_558 {strides = array<i32>} : memref<1024xf32, #tpu.memory_space<vmem>>, vector<16xf32>,
    %broadcast_in_dim3A_559 = arith.constant 0.000000e+00 : f32
    %broadcast_in_dim3A_560 = vector.broadcast %broadcast_in_dim3A_559 : f32 to vector<16xf32>
    %swap3A_561 = arith.constant 736 : index
    %swap3A_562 = tpu.vector_load %arg6[%swap3A_561] {strides = array<i32>} : memref<1024xf32, #tpu.memory_space<vmem>>, vector<16xf32>,
    %swap3A_563 = vector.shape_cast %swap3A_562 : vector<16xf32> to vector<16xf32>
    %swap3A_564 = vector.shape_cast %broadcast_in_dim3A_560 : vector<16xf32> to vector<16xf32>
    tpu.vector_store %arg6[%swap3A_561], %swap3A_564 {strides = array<i32>} : memref<1024xf32, #tpu.memory_space<vmem>>, vector<16xf32>,
    %broadcast_in_dim3A_565 = arith.constant 1.000000e+00 : f32
    %broadcast_in_dim3A_566 = vector.broadcast %broadcast_in_dim3A_565 : f32 to vector<16xf32>
    %swap3A_567 = arith.constant 752 : index
    %swap3A_568 = tpu.vector_load %arg5[%swap3A_567] {strides = array<i32>} : memref<1024xf32, #tpu.memory_space<vmem>>, vector<16xf32>,
    %swap3A_569 = vector.shape_cast %swap3A_568 : vector<16xf32> to vector<16xf32>
    %swap3A_570 = vector.shape_cast %broadcast_in_dim3A_566 : vector<16xf32> to vector<16xf32>
    tpu.vector_store %arg5[%swap3A_567], %swap3A_570 {strides = array<i32>} : memref<1024xf32, #tpu.memory_space<vmem>>, vector<16xf32>,
    %broadcast_in_dim3A_571 = arith.constant 0.000000e+00 : f32
    %broadcast_in_dim3A_572 = vector.broadcast %broadcast_in_dim3A_571 : f32 to vector<16xf32>
    %swap3A_573 = arith.constant 752 : index
    %swap3A_574 = tpu.vector_load %arg6[%swap3A_573] {strides = array<i32>} : memref<1024xf32, #tpu.memory_space<vmem>>, vector<16xf32>,
    %swap3A_575 = vector.shape_cast %swap3A_574 : vector<16xf32> to vector<16xf32>
    %swap3A_576 = vector.shape_cast %broadcast_in_dim3A_572 : vector<16xf32> to vector<16xf32>
    tpu.vector_store %arg6[%swap3A_573], %swap3A_576 {strides = array<i32>} : memref<1024xf32, #tpu.memory_space<vmem>>, vector<16xf32>,
    %broadcast_in_dim3A_577 = arith.constant 1.000000e+00 : f32
    %broadcast_in_dim3A_578 = vector.broadcast %broadcast_in_dim3A_577 : f32 to vector<16xf32>
    %swap3A_579 = arith.constant 768 : index
    %swap3A_580 = tpu.vector_load %arg5[%swap3A_579] {strides = array<i32>} : memref<1024xf32, #tpu.memory_space<vmem>>, vector<16xf32>,
    %swap3A_581 = vector.shape_cast %swap3A_580 : vector<16xf32> to vector<16xf32>
    %swap3A_582 = vector.shape_cast %broadcast_in_dim3A_578 : vector<16xf32> to vector<16xf32>
    tpu.vector_store %arg5[%swap3A_579], %swap3A_582 {strides = array<i32>} : memref<1024xf32, #tpu.memory_space<vmem>>, vector<16xf32>,
    %broadcast_in_dim3A_583 = arith.constant 0.000000e+00 : f32
    %broadcast_in_dim3A_584 = vector.broadcast %broadcast_in_dim3A_583 : f32 to vector<16xf32>
    %swap3A_585 = arith.constant 768 : index
    %swap3A_586 = tpu.vector_load %arg6[%swap3A_585] {strides = array<i32>} : memref<1024xf32, #tpu.memory_space<vmem>>, vector<16xf32>,
    %swap3A_587 = vector.shape_cast %swap3A_586 : vector<16xf32> to vector<16xf32>
    %swap3A_588 = vector.shape_cast %broadcast_in_dim3A_584 : vector<16xf32> to vector<16xf32>
    tpu.vector_store %arg6[%swap3A_585], %swap3A_588 {strides = array<i32>} : memref<1024xf32, #tpu.memory_space<vmem>>, vector<16xf32>,
    %broadcast_in_dim3A_589 = arith.constant 1.000000e+00 : f32
    %broadcast_in_dim3A_590 = vector.broadcast %broadcast_in_dim3A_589 : f32 to vector<16xf32>
    %swap3A_591 = arith.constant 784 : index
    %swap3A_592 = tpu.vector_load %arg5[%swap3A_591] {strides = array<i32>} : memref<1024xf32, #tpu.memory_space<vmem>>, vector<16xf32>,
    %swap3A_593 = vector.shape_cast %swap3A_592 : vector<16xf32> to vector<16xf32>
    %swap3A_594 = vector.shape_cast %broadcast_in_dim3A_590 : vector<16xf32> to vector<16xf32>
    tpu.vector_store %arg5[%swap3A_591], %swap3A_594 {strides = array<i32>} : memref<1024xf32, #tpu.memory_space<vmem>>, vector<16xf32>,
    %broadcast_in_dim3A_595 = arith.constant 0.000000e+00 : f32
    %broadcast_in_dim3A_596 = vector.broadcast %broadcast_in_dim3A_595 : f32 to vector<16xf32>
    %swap3A_597 = arith.constant 784 : index
    %swap3A_598 = tpu.vector_load %arg6[%swap3A_597] {strides = array<i32>} : memref<1024xf32, #tpu.memory_space<vmem>>, vector<16xf32>,
    %swap3A_599 = vector.shape_cast %swap3A_598 : vector<16xf32> to vector<16xf32>
    %swap3A_600 = vector.shape_cast %broadcast_in_dim3A_596 : vector<16xf32> to vector<16xf32>
    tpu.vector_store %arg6[%swap3A_597], %swap3A_600 {strides = array<i32>} : memref<1024xf32, #tpu.memory_space<vmem>>, vector<16xf32>,
    %broadcast_in_dim3A_601 = arith.constant 1.000000e+00 : f32
    %broadcast_in_dim3A_602 = vector.broadcast %broadcast_in_dim3A_601 : f32 to vector<16xf32>
    %swap3A_603 = arith.constant 800 : index
    %swap3A_604 = tpu.vector_load %arg5[%swap3A_603] {strides = array<i32>} : memref<1024xf32, #tpu.memory_space<vmem>>, vector<16xf32>,
    %swap3A_605 = vector.shape_cast %swap3A_604 : vector<16xf32> to vector<16xf32>
    %swap3A_606 = vector.shape_cast %broadcast_in_dim3A_602 : vector<16xf32> to vector<16xf32>
    tpu.vector_store %arg5[%swap3A_603], %swap3A_606 {strides = array<i32>} : memref<1024xf32, #tpu.memory_space<vmem>>, vector<16xf32>,
    %broadcast_in_dim3A_607 = arith.constant 0.000000e+00 : f32
    %broadcast_in_dim3A_608 = vector.broadcast %broadcast_in_dim3A_607 : f32 to vector<16xf32>
    %swap3A_609 = arith.constant 800 : index
    %swap3A_610 = tpu.vector_load %arg6[%swap3A_609] {strides = array<i32>} : memref<1024xf32, #tpu.memory_space<vmem>>, vector<16xf32>,
    %swap3A_611 = vector.shape_cast %swap3A_610 : vector<16xf32> to vector<16xf32>
    %swap3A_612 = vector.shape_cast %broadcast_in_dim3A_608 : vector<16xf32> to vector<16xf32>
    tpu.vector_store %arg6[%swap3A_609], %swap3A_612 {strides = array<i32>} : memref<1024xf32, #tpu.memory_space<vmem>>, vector<16xf32>,
    %broadcast_in_dim3A_613 = arith.constant 1.000000e+00 : f32
    %broadcast_in_dim3A_614 = vector.broadcast %broadcast_in_dim3A_613 : f32 to vector<16xf32>
    %swap3A_615 = arith.constant 816 : index
    %swap3A_616 = tpu.vector_load %arg5[%swap3A_615] {strides = array<i32>} : memref<1024xf32, #tpu.memory_space<vmem>>, vector<16xf32>,
    %swap3A_617 = vector.shape_cast %swap3A_616 : vector<16xf32> to vector<16xf32>
    %swap3A_618 = vector.shape_cast %broadcast_in_dim3A_614 : vector<16xf32> to vector<16xf32>
    tpu.vector_store %arg5[%swap3A_615], %swap3A_618 {strides = array<i32>} : memref<1024xf32, #tpu.memory_space<vmem>>, vector<16xf32>,
    %broadcast_in_dim3A_619 = arith.constant 0.000000e+00 : f32
    %broadcast_in_dim3A_620 = vector.broadcast %broadcast_in_dim3A_619 : f32 to vector<16xf32>
    %swap3A_621 = arith.constant 816 : index
    %swap3A_622 = tpu.vector_load %arg6[%swap3A_621] {strides = array<i32>} : memref<1024xf32, #tpu.memory_space<vmem>>, vector<16xf32>,
    %swap3A_623 = vector.shape_cast %swap3A_622 : vector<16xf32> to vector<16xf32>
    %swap3A_624 = vector.shape_cast %broadcast_in_dim3A_620 : vector<16xf32> to vector<16xf32>
    tpu.vector_store %arg6[%swap3A_621], %swap3A_624 {strides = array<i32>} : memref<1024xf32, #tpu.memory_space<vmem>>, vector<16xf32>,
    %broadcast_in_dim3A_625 = arith.constant 1.000000e+00 : f32
    %broadcast_in_dim3A_626 = vector.broadcast %broadcast_in_dim3A_625 : f32 to vector<16xf32>
    %swap3A_627 = arith.constant 832 : index
    %swap3A_628 = tpu.vector_load %arg5[%swap3A_627] {strides = array<i32>} : memref<1024xf32, #tpu.memory_space<vmem>>, vector<16xf32>,
    %swap3A_629 = vector.shape_cast %swap3A_628 : vector<16xf32> to vector<16xf32>
    %swap3A_630 = vector.shape_cast %broadcast_in_dim3A_626 : vector<16xf32> to vector<16xf32>
    tpu.vector_store %arg5[%swap3A_627], %swap3A_630 {strides = array<i32>} : memref<1024xf32, #tpu.memory_space<vmem>>, vector<16xf32>,
    %broadcast_in_dim3A_631 = arith.constant 0.000000e+00 : f32
    %broadcast_in_dim3A_632 = vector.broadcast %broadcast_in_dim3A_631 : f32 to vector<16xf32>
    %swap3A_633 = arith.constant 832 : index
    %swap3A_634 = tpu.vector_load %arg6[%swap3A_633] {strides = array<i32>} : memref<1024xf32, #tpu.memory_space<vmem>>, vector<16xf32>,
    %swap3A_635 = vector.shape_cast %swap3A_634 : vector<16xf32> to vector<16xf32>
    %swap3A_636 = vector.shape_cast %broadcast_in_dim3A_632 : vector<16xf32> to vector<16xf32>
    tpu.vector_store %arg6[%swap3A_633], %swap3A_636 {strides = array<i32>} : memref<1024xf32, #tpu.memory_space<vmem>>, vector<16xf32>,
    %broadcast_in_dim3A_637 = arith.constant 1.000000e+00 : f32
    %broadcast_in_dim3A_638 = vector.broadcast %broadcast_in_dim3A_637 : f32 to vector<16xf32>
    %swap3A_639 = arith.constant 848 : index
    %swap3A_640 = tpu.vector_load %arg5[%swap3A_639] {strides = array<i32>} : memref<1024xf32, #tpu.memory_space<vmem>>, vector<16xf32>,
    %swap3A_641 = vector.shape_cast %swap3A_640 : vector<16xf32> to vector<16xf32>
    %swap3A_642 = vector.shape_cast %broadcast_in_dim3A_638 : vector<16xf32> to vector<16xf32>
    tpu.vector_store %arg5[%swap3A_639], %swap3A_642 {strides = array<i32>} : memref<1024xf32, #tpu.memory_space<vmem>>, vector<16xf32>,
    %broadcast_in_dim3A_643 = arith.constant 0.000000e+00 : f32
    %broadcast_in_dim3A_644 = vector.broadcast %broadcast_in_dim3A_643 : f32 to vector<16xf32>
    %swap3A_645 = arith.constant 848 : index
    %swap3A_646 = tpu.vector_load %arg6[%swap3A_645] {strides = array<i32>} : memref<1024xf32, #tpu.memory_space<vmem>>, vector<16xf32>,
    %swap3A_647 = vector.shape_cast %swap3A_646 : vector<16xf32> to vector<16xf32>
    %swap3A_648 = vector.shape_cast %broadcast_in_dim3A_644 : vector<16xf32> to vector<16xf32>
    tpu.vector_store %arg6[%swap3A_645], %swap3A_648 {strides = array<i32>} : memref<1024xf32, #tpu.memory_space<vmem>>, vector<16xf32>,
    %broadcast_in_dim3A_649 = arith.constant 1.000000e+00 : f32
    %broadcast_in_dim3A_650 = vector.broadcast %broadcast_in_dim3A_649 : f32 to vector<16xf32>
    %swap3A_651 = arith.constant 864 : index
    %swap3A_652 = tpu.vector_load %arg5[%swap3A_651] {strides = array<i32>} : memref<1024xf32, #tpu.memory_space<vmem>>, vector<16xf32>,
    %swap3A_653 = vector.shape_cast %swap3A_652 : vector<16xf32> to vector<16xf32>
    %swap3A_654 = vector.shape_cast %broadcast_in_dim3A_650 : vector<16xf32> to vector<16xf32>
    tpu.vector_store %arg5[%swap3A_651], %swap3A_654 {strides = array<i32>} : memref<1024xf32, #tpu.memory_space<vmem>>, vector<16xf32>,
    %broadcast_in_dim3A_655 = arith.constant 0.000000e+00 : f32
    %broadcast_in_dim3A_656 = vector.broadcast %broadcast_in_dim3A_655 : f32 to vector<16xf32>
    %swap3A_657 = arith.constant 864 : index
    %swap3A_658 = tpu.vector_load %arg6[%swap3A_657] {strides = array<i32>} : memref<1024xf32, #tpu.memory_space<vmem>>, vector<16xf32>,
    %swap3A_659 = vector.shape_cast %swap3A_658 : vector<16xf32> to vector<16xf32>
    %swap3A_660 = vector.shape_cast %broadcast_in_dim3A_656 : vector<16xf32> to vector<16xf32>
    tpu.vector_store %arg6[%swap3A_657], %swap3A_660 {strides = array<i32>} : memref<1024xf32, #tpu.memory_space<vmem>>, vector<16xf32>,
    %broadcast_in_dim3A_661 = arith.constant 1.000000e+00 : f32
    %broadcast_in_dim3A_662 = vector.broadcast %broadcast_in_dim3A_661 : f32 to vector<16xf32>
    %swap3A_663 = arith.constant 880 : index
    %swap3A_664 = tpu.vector_load %arg5[%swap3A_663] {strides = array<i32>} : memref<1024xf32, #tpu.memory_space<vmem>>, vector<16xf32>,
    %swap3A_665 = vector.shape_cast %swap3A_664 : vector<16xf32> to vector<16xf32>
    %swap3A_666 = vector.shape_cast %broadcast_in_dim3A_662 : vector<16xf32> to vector<16xf32>
    tpu.vector_store %arg5[%swap3A_663], %swap3A_666 {strides = array<i32>} : memref<1024xf32, #tpu.memory_space<vmem>>, vector<16xf32>,
    %broadcast_in_dim3A_667 = arith.constant 0.000000e+00 : f32
    %broadcast_in_dim3A_668 = vector.broadcast %broadcast_in_dim3A_667 : f32 to vector<16xf32>
    %swap3A_669 = arith.constant 880 : index
    %swap3A_670 = tpu.vector_load %arg6[%swap3A_669] {strides = array<i32>} : memref<1024xf32, #tpu.memory_space<vmem>>, vector<16xf32>,
    %swap3A_671 = vector.shape_cast %swap3A_670 : vector<16xf32> to vector<16xf32>
    %swap3A_672 = vector.shape_cast %broadcast_in_dim3A_668 : vector<16xf32> to vector<16xf32>
    tpu.vector_store %arg6[%swap3A_669], %swap3A_672 {strides = array<i32>} : memref<1024xf32, #tpu.memory_space<vmem>>, vector<16xf32>,
    %broadcast_in_dim3A_673 = arith.constant 1.000000e+00 : f32
    %broadcast_in_dim3A_674 = vector.broadcast %broadcast_in_dim3A_673 : f32 to vector<16xf32>
    %swap3A_675 = arith.constant 896 : index
    %swap3A_676 = tpu.vector_load %arg5[%swap3A_675] {strides = array<i32>} : memref<1024xf32, #tpu.memory_space<vmem>>, vector<16xf32>,
    %swap3A_677 = vector.shape_cast %swap3A_676 : vector<16xf32> to vector<16xf32>
    %swap3A_678 = vector.shape_cast %broadcast_in_dim3A_674 : vector<16xf32> to vector<16xf32>
    tpu.vector_store %arg5[%swap3A_675], %swap3A_678 {strides = array<i32>} : memref<1024xf32, #tpu.memory_space<vmem>>, vector<16xf32>,
    %broadcast_in_dim3A_679 = arith.constant 0.000000e+00 : f32
    %broadcast_in_dim3A_680 = vector.broadcast %broadcast_in_dim3A_679 : f32 to vector<16xf32>
    %swap3A_681 = arith.constant 896 : index
    %swap3A_682 = tpu.vector_load %arg6[%swap3A_681] {strides = array<i32>} : memref<1024xf32, #tpu.memory_space<vmem>>, vector<16xf32>,
    %swap3A_683 = vector.shape_cast %swap3A_682 : vector<16xf32> to vector<16xf32>
    %swap3A_684 = vector.shape_cast %broadcast_in_dim3A_680 : vector<16xf32> to vector<16xf32>
    tpu.vector_store %arg6[%swap3A_681], %swap3A_684 {strides = array<i32>} : memref<1024xf32, #tpu.memory_space<vmem>>, vector<16xf32>,
    %broadcast_in_dim3A_685 = arith.constant 1.000000e+00 : f32
    %broadcast_in_dim3A_686 = vector.broadcast %broadcast_in_dim3A_685 : f32 to vector<16xf32>
    %swap3A_687 = arith.constant 912 : index
    %swap3A_688 = tpu.vector_load %arg5[%swap3A_687] {strides = array<i32>} : memref<1024xf32, #tpu.memory_space<vmem>>, vector<16xf32>,
    %swap3A_689 = vector.shape_cast %swap3A_688 : vector<16xf32> to vector<16xf32>
    %swap3A_690 = vector.shape_cast %broadcast_in_dim3A_686 : vector<16xf32> to vector<16xf32>
    tpu.vector_store %arg5[%swap3A_687], %swap3A_690 {strides = array<i32>} : memref<1024xf32, #tpu.memory_space<vmem>>, vector<16xf32>,
    %broadcast_in_dim3A_691 = arith.constant 0.000000e+00 : f32
    %broadcast_in_dim3A_692 = vector.broadcast %broadcast_in_dim3A_691 : f32 to vector<16xf32>
    %swap3A_693 = arith.constant 912 : index
    %swap3A_694 = tpu.vector_load %arg6[%swap3A_693] {strides = array<i32>} : memref<1024xf32, #tpu.memory_space<vmem>>, vector<16xf32>,
    %swap3A_695 = vector.shape_cast %swap3A_694 : vector<16xf32> to vector<16xf32>
    %swap3A_696 = vector.shape_cast %broadcast_in_dim3A_692 : vector<16xf32> to vector<16xf32>
    tpu.vector_store %arg6[%swap3A_693], %swap3A_696 {strides = array<i32>} : memref<1024xf32, #tpu.memory_space<vmem>>, vector<16xf32>,
    %broadcast_in_dim3A_697 = arith.constant 1.000000e+00 : f32
    %broadcast_in_dim3A_698 = vector.broadcast %broadcast_in_dim3A_697 : f32 to vector<16xf32>
    %swap3A_699 = arith.constant 928 : index
    %swap3A_700 = tpu.vector_load %arg5[%swap3A_699] {strides = array<i32>} : memref<1024xf32, #tpu.memory_space<vmem>>, vector<16xf32>,
    %swap3A_701 = vector.shape_cast %swap3A_700 : vector<16xf32> to vector<16xf32>
    %swap3A_702 = vector.shape_cast %broadcast_in_dim3A_698 : vector<16xf32> to vector<16xf32>
    tpu.vector_store %arg5[%swap3A_699], %swap3A_702 {strides = array<i32>} : memref<1024xf32, #tpu.memory_space<vmem>>, vector<16xf32>,
    %broadcast_in_dim3A_703 = arith.constant 0.000000e+00 : f32
    %broadcast_in_dim3A_704 = vector.broadcast %broadcast_in_dim3A_703 : f32 to vector<16xf32>
    %swap3A_705 = arith.constant 928 : index
    %swap3A_706 = tpu.vector_load %arg6[%swap3A_705] {strides = array<i32>} : memref<1024xf32, #tpu.memory_space<vmem>>, vector<16xf32>,
    %swap3A_707 = vector.shape_cast %swap3A_706 : vector<16xf32> to vector<16xf32>
    %swap3A_708 = vector.shape_cast %broadcast_in_dim3A_704 : vector<16xf32> to vector<16xf32>
    tpu.vector_store %arg6[%swap3A_705], %swap3A_708 {strides = array<i32>} : memref<1024xf32, #tpu.memory_space<vmem>>, vector<16xf32>,
    %broadcast_in_dim3A_709 = arith.constant 1.000000e+00 : f32
    %broadcast_in_dim3A_710 = vector.broadcast %broadcast_in_dim3A_709 : f32 to vector<16xf32>
    %swap3A_711 = arith.constant 944 : index
    %swap3A_712 = tpu.vector_load %arg5[%swap3A_711] {strides = array<i32>} : memref<1024xf32, #tpu.memory_space<vmem>>, vector<16xf32>,
    %swap3A_713 = vector.shape_cast %swap3A_712 : vector<16xf32> to vector<16xf32>
    %swap3A_714 = vector.shape_cast %broadcast_in_dim3A_710 : vector<16xf32> to vector<16xf32>
    tpu.vector_store %arg5[%swap3A_711], %swap3A_714 {strides = array<i32>} : memref<1024xf32, #tpu.memory_space<vmem>>, vector<16xf32>,
    %broadcast_in_dim3A_715 = arith.constant 0.000000e+00 : f32
    %broadcast_in_dim3A_716 = vector.broadcast %broadcast_in_dim3A_715 : f32 to vector<16xf32>
    %swap3A_717 = arith.constant 944 : index
    %swap3A_718 = tpu.vector_load %arg6[%swap3A_717] {strides = array<i32>} : memref<1024xf32, #tpu.memory_space<vmem>>, vector<16xf32>,
    %swap3A_719 = vector.shape_cast %swap3A_718 : vector<16xf32> to vector<16xf32>
    %swap3A_720 = vector.shape_cast %broadcast_in_dim3A_716 : vector<16xf32> to vector<16xf32>
    tpu.vector_store %arg6[%swap3A_717], %swap3A_720 {strides = array<i32>} : memref<1024xf32, #tpu.memory_space<vmem>>, vector<16xf32>,
    %broadcast_in_dim3A_721 = arith.constant 1.000000e+00 : f32
    %broadcast_in_dim3A_722 = vector.broadcast %broadcast_in_dim3A_721 : f32 to vector<16xf32>
    %swap3A_723 = arith.constant 960 : index
    %swap3A_724 = tpu.vector_load %arg5[%swap3A_723] {strides = array<i32>} : memref<1024xf32, #tpu.memory_space<vmem>>, vector<16xf32>,
    %swap3A_725 = vector.shape_cast %swap3A_724 : vector<16xf32> to vector<16xf32>
    %swap3A_726 = vector.shape_cast %broadcast_in_dim3A_722 : vector<16xf32> to vector<16xf32>
    tpu.vector_store %arg5[%swap3A_723], %swap3A_726 {strides = array<i32>} : memref<1024xf32, #tpu.memory_space<vmem>>, vector<16xf32>,
    %broadcast_in_dim3A_727 = arith.constant 0.000000e+00 : f32
    %broadcast_in_dim3A_728 = vector.broadcast %broadcast_in_dim3A_727 : f32 to vector<16xf32>
    %swap3A_729 = arith.constant 960 : index
    %swap3A_730 = tpu.vector_load %arg6[%swap3A_729] {strides = array<i32>} : memref<1024xf32, #tpu.memory_space<vmem>>, vector<16xf32>,
    %swap3A_731 = vector.shape_cast %swap3A_730 : vector<16xf32> to vector<16xf32>
    %swap3A_732 = vector.shape_cast %broadcast_in_dim3A_728 : vector<16xf32> to vector<16xf32>
    tpu.vector_store %arg6[%swap3A_729], %swap3A_732 {strides = array<i32>} : memref<1024xf32, #tpu.memory_space<vmem>>, vector<16xf32>,
    %broadcast_in_dim3A_733 = arith.constant 1.000000e+00 : f32
    %broadcast_in_dim3A_734 = vector.broadcast %broadcast_in_dim3A_733 : f32 to vector<16xf32>
    %swap3A_735 = arith.constant 976 : index
    %swap3A_736 = tpu.vector_load %arg5[%swap3A_735] {strides = array<i32>} : memref<1024xf32, #tpu.memory_space<vmem>>, vector<16xf32>,
    %swap3A_737 = vector.shape_cast %swap3A_736 : vector<16xf32> to vector<16xf32>
    %swap3A_738 = vector.shape_cast %broadcast_in_dim3A_734 : vector<16xf32> to vector<16xf32>
    tpu.vector_store %arg5[%swap3A_735], %swap3A_738 {strides = array<i32>} : memref<1024xf32, #tpu.memory_space<vmem>>, vector<16xf32>,
    %broadcast_in_dim3A_739 = arith.constant 0.000000e+00 : f32
    %broadcast_in_dim3A_740 = vector.broadcast %broadcast_in_dim3A_739 : f32 to vector<16xf32>
    %swap3A_741 = arith.constant 976 : index
    %swap3A_742 = tpu.vector_load %arg6[%swap3A_741] {strides = array<i32>} : memref<1024xf32, #tpu.memory_space<vmem>>, vector<16xf32>,
    %swap3A_743 = vector.shape_cast %swap3A_742 : vector<16xf32> to vector<16xf32>
    %swap3A_744 = vector.shape_cast %broadcast_in_dim3A_740 : vector<16xf32> to vector<16xf32>
    tpu.vector_store %arg6[%swap3A_741], %swap3A_744 {strides = array<i32>} : memref<1024xf32, #tpu.memory_space<vmem>>, vector<16xf32>,
    %broadcast_in_dim3A_745 = arith.constant 1.000000e+00 : f32
    %broadcast_in_dim3A_746 = vector.broadcast %broadcast_in_dim3A_745 : f32 to vector<16xf32>
    %swap3A_747 = arith.constant 992 : index
    %swap3A_748 = tpu.vector_load %arg5[%swap3A_747] {strides = array<i32>} : memref<1024xf32, #tpu.memory_space<vmem>>, vector<16xf32>,
    %swap3A_749 = vector.shape_cast %swap3A_748 : vector<16xf32> to vector<16xf32>
    %swap3A_750 = vector.shape_cast %broadcast_in_dim3A_746 : vector<16xf32> to vector<16xf32>
    tpu.vector_store %arg5[%swap3A_747], %swap3A_750 {strides = array<i32>} : memref<1024xf32, #tpu.memory_space<vmem>>, vector<16xf32>,
    %broadcast_in_dim3A_751 = arith.constant 0.000000e+00 : f32
    %broadcast_in_dim3A_752 = vector.broadcast %broadcast_in_dim3A_751 : f32 to vector<16xf32>
    %swap3A_753 = arith.constant 992 : index
    %swap3A_754 = tpu.vector_load %arg6[%swap3A_753] {strides = array<i32>} : memref<1024xf32, #tpu.memory_space<vmem>>, vector<16xf32>,
    %swap3A_755 = vector.shape_cast %swap3A_754 : vector<16xf32> to vector<16xf32>
    %swap3A_756 = vector.shape_cast %broadcast_in_dim3A_752 : vector<16xf32> to vector<16xf32>
    tpu.vector_store %arg6[%swap3A_753], %swap3A_756 {strides = array<i32>} : memref<1024xf32, #tpu.memory_space<vmem>>, vector<16xf32>,
    %broadcast_in_dim3A_757 = arith.constant 1.000000e+00 : f32
    %broadcast_in_dim3A_758 = vector.broadcast %broadcast_in_dim3A_757 : f32 to vector<16xf32>
    %swap3A_759 = arith.constant 1008 : index
    %swap3A_760 = tpu.vector_load %arg5[%swap3A_759] {strides = array<i32>} : memref<1024xf32, #tpu.memory_space<vmem>>, vector<16xf32>,
    %swap3A_761 = vector.shape_cast %swap3A_760 : vector<16xf32> to vector<16xf32>
    %swap3A_762 = vector.shape_cast %broadcast_in_dim3A_758 : vector<16xf32> to vector<16xf32>
    tpu.vector_store %arg5[%swap3A_759], %swap3A_762 {strides = array<i32>} : memref<1024xf32, #tpu.memory_space<vmem>>, vector<16xf32>,
    %broadcast_in_dim3A_763 = arith.constant 0.000000e+00 : f32
    %broadcast_in_dim3A_764 = vector.broadcast %broadcast_in_dim3A_763 : f32 to vector<16xf32>
    %swap3A_765 = arith.constant 1008 : index
    %swap3A_766 = tpu.vector_load %arg6[%swap3A_765] {strides = array<i32>} : memref<1024xf32, #tpu.memory_space<vmem>>, vector<16xf32>,
    %swap3A_767 = vector.shape_cast %swap3A_766 : vector<16xf32> to vector<16xf32>
    %swap3A_768 = vector.shape_cast %broadcast_in_dim3A_764 : vector<16xf32> to vector<16xf32>
    tpu.vector_store %arg6[%swap3A_765], %swap3A_768 {strides = array<i32>} : memref<1024xf32, #tpu.memory_space<vmem>>, vector<16xf32>,
    "tpu.region"() ({
      %run_scoped3A = tpu.sem_alloc : memref<!tpu.dma_semaphore, #tpu.memory_space<semaphore_mem>>
      %dma_start3A = tpu.memref_slice %arg2[%mul3A_2] : memref<32768xf32, #tpu.memory_space<hbm>> -> memref<1024xf32, #tpu.memory_space<hbm>>
      %dma_start3A_868 = tpu.memref_slice %arg2[%mul3A_2] : memref<32768xf32, #tpu.memory_space<hbm>> -> memref<1024xf32, #tpu.memory_space<hbm>>
      tpu.enqueue_dma source(%dma_start3A_868 : memref<1024xf32, #tpu.memory_space<hbm>>) target(%arg4 : memref<1024xf32, #tpu.memory_space<vmem>>) target_semaphore(%run_scoped3A : memref<!tpu.dma_semaphore, #tpu.memory_space<semaphore_mem>>)
      %dma_wait3A_869 = tpu.memref_slice %arg2[%mul3A_2] : memref<32768xf32, #tpu.memory_space<hbm>> -> memref<1024xf32, #tpu.memory_space<hbm>>
      %dma_wait3A_870 = tpu.memref_slice %arg2[%mul3A_2] : memref<32768xf32, #tpu.memory_space<hbm>> -> memref<1024xf32, #tpu.memory_space<hbm>>
      tpu.wait_dma2 semaphore(%run_scoped3A : memref<!tpu.dma_semaphore, #tpu.memory_space<semaphore_mem>>) src(%dma_wait3A_870 : memref<1024xf32, #tpu.memory_space<hbm>>) dst(%arg4 : memref<1024xf32, #tpu.memory_space<vmem>>)
      tpu.yield
    }) : () -> ()
    %scan3A = arith.constant 0 : i32
    %scan3A_769 = arith.constant 64 : i32
    %scan3A_770 = arith.addi %scan3A, %scan3A_769 : i32
    %scan3A_771 = arith.constant 1 : i32
    scf.for %scan3A_868 = %scan3A to %scan3A_770 step %scan3A_771  : i32 {
      %mul3A_869 = arith.constant 16 : i32
      %mul3A_870 = arith.muli %scan3A_868, %mul3A_869 : i32
      %get3A = arith.index_cast %mul3A_870 : i32 to index
      %get3A_871 = tpu.vector_load %arg4[%get3A] {strides = array<i32>} : memref<1024xf32, #tpu.memory_space<vmem>>, vector<16xf32>,
      %get3A_872 = vector.shape_cast %get3A_871 : vector<16xf32> to vector<16xf32>
      %slice3A = vector.extract_strided_slice %get3A_872 {offsets = [0], sizes = [1], strides = [1]} : vector<16xf32> to vector<1xf32>
      %squeeze3A = vector.extract %slice3A[0] : f32 from vector<1xf32>
      %mul3A_873 = arith.constant 16 : i32
      %mul3A_874 = arith.muli %scan3A_868, %mul3A_873 : i32
      %add3A_875 = arith.constant 0 : i32
      %add3A_876 = arith.addi %mul3A_874, %add3A_875 : i32
      %gt3A = arith.constant 5.000000e-01 : f32
      %gt3A_877 = arith.cmpf ogt, %squeeze3A, %gt3A : f32
      %convert_element_type3A = arith.extui %gt3A_877 : i1 to i32
      %cond3A = arith.constant 0 : i32
      %cond3A_878 = arith.cmpi ne, %convert_element_type3A, %cond3A : i32
      scf.if %cond3A_878 {
        %add3A_1127 = arith.addi %mul3A_2, %add3A_876 : i32
        %dma_start3A = arith.constant 0 : i32
        %dma_start3A_1128 = tpu.memref_slice %arg3[%add3A_1127, %dma_start3A] : memref<32768x1024xf32, #tpu.memory_space<hbm>> -> memref<1x1024xf32, #tpu.memory_space<hbm>>
        %dma_start3A_1129 = tpu.memref_squeeze %dma_start3A_1128 : memref<1x1024xf32, #tpu.memory_space<hbm>> -> memref<1024xf32, #tpu.memory_space<hbm>>
        %dma_start3A_1130 = arith.constant 0 : i32
        %dma_start3A_1131 = tpu.memref_slice %arg3[%add3A_1127, %dma_start3A_1130] : memref<32768x1024xf32, #tpu.memory_space<hbm>> -> memref<1x1024xf32, #tpu.memory_space<hbm>>
        %dma_start3A_1132 = tpu.memref_squeeze %dma_start3A_1131 : memref<1x1024xf32, #tpu.memory_space<hbm>> -> memref<1024xf32, #tpu.memory_space<hbm>>
        tpu.enqueue_dma source(%arg5 : memref<1024xf32, #tpu.memory_space<vmem>>) target(%dma_start3A_1132 : memref<1024xf32, #tpu.memory_space<hbm>>) target_semaphore(%arg7 : memref<!tpu.dma_semaphore, #tpu.memory_space<semaphore_mem>>)
      } else {
      }
      %le3A = arith.constant 5.000000e-01 : f32
      %le3A_879 = arith.cmpf ole, %squeeze3A, %le3A : f32
      %convert_element_type3A_880 = arith.extui %le3A_879 : i1 to i32
      %cond3A_881 = arith.constant 0 : i32
      %cond3A_882 = arith.cmpi ne, %convert_element_type3A_880, %cond3A_881 : i32
      scf.if %cond3A_882 {
        %add3A_1127 = arith.addi %mul3A_2, %add3A_876 : i32
        %dma_start3A = arith.constant 0 : i32
        %dma_start3A_1128 = tpu.memref_slice %arg3[%add3A_1127, %dma_start3A] : memref<32768x1024xf32, #tpu.memory_space<hbm>> -> memref<1x1024xf32, #tpu.memory_space<hbm>>
        %dma_start3A_1129 = tpu.memref_squeeze %dma_start3A_1128 : memref<1x1024xf32, #tpu.memory_space<hbm>> -> memref<1024xf32, #tpu.memory_space<hbm>>
        %dma_start3A_1130 = arith.constant 0 : i32
        %dma_start3A_1131 = tpu.memref_slice %arg3[%add3A_1127, %dma_start3A_1130] : memref<32768x1024xf32, #tpu.memory_space<hbm>> -> memref<1x1024xf32, #tpu.memory_space<hbm>>
        %dma_start3A_1132 = tpu.memref_squeeze %dma_start3A_1131 : memref<1x1024xf32, #tpu.memory_space<hbm>> -> memref<1024xf32, #tpu.memory_space<hbm>>
        tpu.enqueue_dma source(%arg6 : memref<1024xf32, #tpu.memory_space<vmem>>) target(%dma_start3A_1132 : memref<1024xf32, #tpu.memory_space<hbm>>) target_semaphore(%arg7 : memref<!tpu.dma_semaphore, #tpu.memory_space<semaphore_mem>>)
      } else {
      }
      %slice3A_883 = vector.extract_strided_slice %get3A_872 {offsets = [1], sizes = [1], strides = [1]} : vector<16xf32> to vector<1xf32>
      %squeeze3A_884 = vector.extract %slice3A_883[0] : f32 from vector<1xf32>
      %mul3A_885 = arith.constant 16 : i32
      %mul3A_886 = arith.muli %scan3A_868, %mul3A_885 : i32
      %add3A_887 = arith.constant 1 : i32
      %add3A_888 = arith.addi %mul3A_886, %add3A_887 : i32
      %gt3A_889 = arith.constant 5.000000e-01 : f32
      %gt3A_890 = arith.cmpf ogt, %squeeze3A_884, %gt3A_889 : f32
      %convert_element_type3A_891 = arith.extui %gt3A_890 : i1 to i32
      %cond3A_892 = arith.constant 0 : i32
      %cond3A_893 = arith.cmpi ne, %convert_element_type3A_891, %cond3A_892 : i32
      scf.if %cond3A_893 {
        %add3A_1127 = arith.addi %mul3A_2, %add3A_888 : i32
        %dma_start3A = arith.constant 0 : i32
        %dma_start3A_1128 = tpu.memref_slice %arg3[%add3A_1127, %dma_start3A] : memref<32768x1024xf32, #tpu.memory_space<hbm>> -> memref<1x1024xf32, #tpu.memory_space<hbm>>
        %dma_start3A_1129 = tpu.memref_squeeze %dma_start3A_1128 : memref<1x1024xf32, #tpu.memory_space<hbm>> -> memref<1024xf32, #tpu.memory_space<hbm>>
        %dma_start3A_1130 = arith.constant 0 : i32
        %dma_start3A_1131 = tpu.memref_slice %arg3[%add3A_1127, %dma_start3A_1130] : memref<32768x1024xf32, #tpu.memory_space<hbm>> -> memref<1x1024xf32, #tpu.memory_space<hbm>>
        %dma_start3A_1132 = tpu.memref_squeeze %dma_start3A_1131 : memref<1x1024xf32, #tpu.memory_space<hbm>> -> memref<1024xf32, #tpu.memory_space<hbm>>
        tpu.enqueue_dma source(%arg5 : memref<1024xf32, #tpu.memory_space<vmem>>) target(%dma_start3A_1132 : memref<1024xf32, #tpu.memory_space<hbm>>) target_semaphore(%arg7 : memref<!tpu.dma_semaphore, #tpu.memory_space<semaphore_mem>>)
      } else {
      }
      %le3A_894 = arith.constant 5.000000e-01 : f32
      %le3A_895 = arith.cmpf ole, %squeeze3A_884, %le3A_894 : f32
      %convert_element_type3A_896 = arith.extui %le3A_895 : i1 to i32
      %cond3A_897 = arith.constant 0 : i32
      %cond3A_898 = arith.cmpi ne, %convert_element_type3A_896, %cond3A_897 : i32
      scf.if %cond3A_898 {
        %add3A_1127 = arith.addi %mul3A_2, %add3A_888 : i32
        %dma_start3A = arith.constant 0 : i32
        %dma_start3A_1128 = tpu.memref_slice %arg3[%add3A_1127, %dma_start3A] : memref<32768x1024xf32, #tpu.memory_space<hbm>> -> memref<1x1024xf32, #tpu.memory_space<hbm>>
        %dma_start3A_1129 = tpu.memref_squeeze %dma_start3A_1128 : memref<1x1024xf32, #tpu.memory_space<hbm>> -> memref<1024xf32, #tpu.memory_space<hbm>>
        %dma_start3A_1130 = arith.constant 0 : i32
        %dma_start3A_1131 = tpu.memref_slice %arg3[%add3A_1127, %dma_start3A_1130] : memref<32768x1024xf32, #tpu.memory_space<hbm>> -> memref<1x1024xf32, #tpu.memory_space<hbm>>
        %dma_start3A_1132 = tpu.memref_squeeze %dma_start3A_1131 : memref<1x1024xf32, #tpu.memory_space<hbm>> -> memref<1024xf32, #tpu.memory_space<hbm>>
        tpu.enqueue_dma source(%arg6 : memref<1024xf32, #tpu.memory_space<vmem>>) target(%dma_start3A_1132 : memref<1024xf32, #tpu.memory_space<hbm>>) target_semaphore(%arg7 : memref<!tpu.dma_semaphore, #tpu.memory_space<semaphore_mem>>)
      } else {
      }
      %slice3A_899 = vector.extract_strided_slice %get3A_872 {offsets = [2], sizes = [1], strides = [1]} : vector<16xf32> to vector<1xf32>
      %squeeze3A_900 = vector.extract %slice3A_899[0] : f32 from vector<1xf32>
      %mul3A_901 = arith.constant 16 : i32
      %mul3A_902 = arith.muli %scan3A_868, %mul3A_901 : i32
      %add3A_903 = arith.constant 2 : i32
      %add3A_904 = arith.addi %mul3A_902, %add3A_903 : i32
      %gt3A_905 = arith.constant 5.000000e-01 : f32
      %gt3A_906 = arith.cmpf ogt, %squeeze3A_900, %gt3A_905 : f32
      %convert_element_type3A_907 = arith.extui %gt3A_906 : i1 to i32
      %cond3A_908 = arith.constant 0 : i32
      %cond3A_909 = arith.cmpi ne, %convert_element_type3A_907, %cond3A_908 : i32
      scf.if %cond3A_909 {
        %add3A_1127 = arith.addi %mul3A_2, %add3A_904 : i32
        %dma_start3A = arith.constant 0 : i32
        %dma_start3A_1128 = tpu.memref_slice %arg3[%add3A_1127, %dma_start3A] : memref<32768x1024xf32, #tpu.memory_space<hbm>> -> memref<1x1024xf32, #tpu.memory_space<hbm>>
        %dma_start3A_1129 = tpu.memref_squeeze %dma_start3A_1128 : memref<1x1024xf32, #tpu.memory_space<hbm>> -> memref<1024xf32, #tpu.memory_space<hbm>>
        %dma_start3A_1130 = arith.constant 0 : i32
        %dma_start3A_1131 = tpu.memref_slice %arg3[%add3A_1127, %dma_start3A_1130] : memref<32768x1024xf32, #tpu.memory_space<hbm>> -> memref<1x1024xf32, #tpu.memory_space<hbm>>
        %dma_start3A_1132 = tpu.memref_squeeze %dma_start3A_1131 : memref<1x1024xf32, #tpu.memory_space<hbm>> -> memref<1024xf32, #tpu.memory_space<hbm>>
        tpu.enqueue_dma source(%arg5 : memref<1024xf32, #tpu.memory_space<vmem>>) target(%dma_start3A_1132 : memref<1024xf32, #tpu.memory_space<hbm>>) target_semaphore(%arg7 : memref<!tpu.dma_semaphore, #tpu.memory_space<semaphore_mem>>)
      } else {
      }
      %le3A_910 = arith.constant 5.000000e-01 : f32
      %le3A_911 = arith.cmpf ole, %squeeze3A_900, %le3A_910 : f32
      %convert_element_type3A_912 = arith.extui %le3A_911 : i1 to i32
      %cond3A_913 = arith.constant 0 : i32
      %cond3A_914 = arith.cmpi ne, %convert_element_type3A_912, %cond3A_913 : i32
      scf.if %cond3A_914 {
        %add3A_1127 = arith.addi %mul3A_2, %add3A_904 : i32
        %dma_start3A = arith.constant 0 : i32
        %dma_start3A_1128 = tpu.memref_slice %arg3[%add3A_1127, %dma_start3A] : memref<32768x1024xf32, #tpu.memory_space<hbm>> -> memref<1x1024xf32, #tpu.memory_space<hbm>>
        %dma_start3A_1129 = tpu.memref_squeeze %dma_start3A_1128 : memref<1x1024xf32, #tpu.memory_space<hbm>> -> memref<1024xf32, #tpu.memory_space<hbm>>
        %dma_start3A_1130 = arith.constant 0 : i32
        %dma_start3A_1131 = tpu.memref_slice %arg3[%add3A_1127, %dma_start3A_1130] : memref<32768x1024xf32, #tpu.memory_space<hbm>> -> memref<1x1024xf32, #tpu.memory_space<hbm>>
        %dma_start3A_1132 = tpu.memref_squeeze %dma_start3A_1131 : memref<1x1024xf32, #tpu.memory_space<hbm>> -> memref<1024xf32, #tpu.memory_space<hbm>>
        tpu.enqueue_dma source(%arg6 : memref<1024xf32, #tpu.memory_space<vmem>>) target(%dma_start3A_1132 : memref<1024xf32, #tpu.memory_space<hbm>>) target_semaphore(%arg7 : memref<!tpu.dma_semaphore, #tpu.memory_space<semaphore_mem>>)
      } else {
      }
      %slice3A_915 = vector.extract_strided_slice %get3A_872 {offsets = [3], sizes = [1], strides = [1]} : vector<16xf32> to vector<1xf32>
      %squeeze3A_916 = vector.extract %slice3A_915[0] : f32 from vector<1xf32>
      %mul3A_917 = arith.constant 16 : i32
      %mul3A_918 = arith.muli %scan3A_868, %mul3A_917 : i32
      %add3A_919 = arith.constant 3 : i32
      %add3A_920 = arith.addi %mul3A_918, %add3A_919 : i32
      %gt3A_921 = arith.constant 5.000000e-01 : f32
      %gt3A_922 = arith.cmpf ogt, %squeeze3A_916, %gt3A_921 : f32
      %convert_element_type3A_923 = arith.extui %gt3A_922 : i1 to i32
      %cond3A_924 = arith.constant 0 : i32
      %cond3A_925 = arith.cmpi ne, %convert_element_type3A_923, %cond3A_924 : i32
      scf.if %cond3A_925 {
        %add3A_1127 = arith.addi %mul3A_2, %add3A_920 : i32
        %dma_start3A = arith.constant 0 : i32
        %dma_start3A_1128 = tpu.memref_slice %arg3[%add3A_1127, %dma_start3A] : memref<32768x1024xf32, #tpu.memory_space<hbm>> -> memref<1x1024xf32, #tpu.memory_space<hbm>>
        %dma_start3A_1129 = tpu.memref_squeeze %dma_start3A_1128 : memref<1x1024xf32, #tpu.memory_space<hbm>> -> memref<1024xf32, #tpu.memory_space<hbm>>
        %dma_start3A_1130 = arith.constant 0 : i32
        %dma_start3A_1131 = tpu.memref_slice %arg3[%add3A_1127, %dma_start3A_1130] : memref<32768x1024xf32, #tpu.memory_space<hbm>> -> memref<1x1024xf32, #tpu.memory_space<hbm>>
        %dma_start3A_1132 = tpu.memref_squeeze %dma_start3A_1131 : memref<1x1024xf32, #tpu.memory_space<hbm>> -> memref<1024xf32, #tpu.memory_space<hbm>>
        tpu.enqueue_dma source(%arg5 : memref<1024xf32, #tpu.memory_space<vmem>>) target(%dma_start3A_1132 : memref<1024xf32, #tpu.memory_space<hbm>>) target_semaphore(%arg7 : memref<!tpu.dma_semaphore, #tpu.memory_space<semaphore_mem>>)
      } else {
      }
      %le3A_926 = arith.constant 5.000000e-01 : f32
      %le3A_927 = arith.cmpf ole, %squeeze3A_916, %le3A_926 : f32
      %convert_element_type3A_928 = arith.extui %le3A_927 : i1 to i32
      %cond3A_929 = arith.constant 0 : i32
      %cond3A_930 = arith.cmpi ne, %convert_element_type3A_928, %cond3A_929 : i32
      scf.if %cond3A_930 {
        %add3A_1127 = arith.addi %mul3A_2, %add3A_920 : i32
        %dma_start3A = arith.constant 0 : i32
        %dma_start3A_1128 = tpu.memref_slice %arg3[%add3A_1127, %dma_start3A] : memref<32768x1024xf32, #tpu.memory_space<hbm>> -> memref<1x1024xf32, #tpu.memory_space<hbm>>
        %dma_start3A_1129 = tpu.memref_squeeze %dma_start3A_1128 : memref<1x1024xf32, #tpu.memory_space<hbm>> -> memref<1024xf32, #tpu.memory_space<hbm>>
        %dma_start3A_1130 = arith.constant 0 : i32
        %dma_start3A_1131 = tpu.memref_slice %arg3[%add3A_1127, %dma_start3A_1130] : memref<32768x1024xf32, #tpu.memory_space<hbm>> -> memref<1x1024xf32, #tpu.memory_space<hbm>>
        %dma_start3A_1132 = tpu.memref_squeeze %dma_start3A_1131 : memref<1x1024xf32, #tpu.memory_space<hbm>> -> memref<1024xf32, #tpu.memory_space<hbm>>
        tpu.enqueue_dma source(%arg6 : memref<1024xf32, #tpu.memory_space<vmem>>) target(%dma_start3A_1132 : memref<1024xf32, #tpu.memory_space<hbm>>) target_semaphore(%arg7 : memref<!tpu.dma_semaphore, #tpu.memory_space<semaphore_mem>>)
      } else {
      }
      %slice3A_931 = vector.extract_strided_slice %get3A_872 {offsets = [4], sizes = [1], strides = [1]} : vector<16xf32> to vector<1xf32>
      %squeeze3A_932 = vector.extract %slice3A_931[0] : f32 from vector<1xf32>
      %mul3A_933 = arith.constant 16 : i32
      %mul3A_934 = arith.muli %scan3A_868, %mul3A_933 : i32
      %add3A_935 = arith.constant 4 : i32
      %add3A_936 = arith.addi %mul3A_934, %add3A_935 : i32
      %gt3A_937 = arith.constant 5.000000e-01 : f32
      %gt3A_938 = arith.cmpf ogt, %squeeze3A_932, %gt3A_937 : f32
      %convert_element_type3A_939 = arith.extui %gt3A_938 : i1 to i32
      %cond3A_940 = arith.constant 0 : i32
      %cond3A_941 = arith.cmpi ne, %convert_element_type3A_939, %cond3A_940 : i32
      scf.if %cond3A_941 {
        %add3A_1127 = arith.addi %mul3A_2, %add3A_936 : i32
        %dma_start3A = arith.constant 0 : i32
        %dma_start3A_1128 = tpu.memref_slice %arg3[%add3A_1127, %dma_start3A] : memref<32768x1024xf32, #tpu.memory_space<hbm>> -> memref<1x1024xf32, #tpu.memory_space<hbm>>
        %dma_start3A_1129 = tpu.memref_squeeze %dma_start3A_1128 : memref<1x1024xf32, #tpu.memory_space<hbm>> -> memref<1024xf32, #tpu.memory_space<hbm>>
        %dma_start3A_1130 = arith.constant 0 : i32
        %dma_start3A_1131 = tpu.memref_slice %arg3[%add3A_1127, %dma_start3A_1130] : memref<32768x1024xf32, #tpu.memory_space<hbm>> -> memref<1x1024xf32, #tpu.memory_space<hbm>>
        %dma_start3A_1132 = tpu.memref_squeeze %dma_start3A_1131 : memref<1x1024xf32, #tpu.memory_space<hbm>> -> memref<1024xf32, #tpu.memory_space<hbm>>
        tpu.enqueue_dma source(%arg5 : memref<1024xf32, #tpu.memory_space<vmem>>) target(%dma_start3A_1132 : memref<1024xf32, #tpu.memory_space<hbm>>) target_semaphore(%arg7 : memref<!tpu.dma_semaphore, #tpu.memory_space<semaphore_mem>>)
      } else {
      }
      %le3A_942 = arith.constant 5.000000e-01 : f32
      %le3A_943 = arith.cmpf ole, %squeeze3A_932, %le3A_942 : f32
      %convert_element_type3A_944 = arith.extui %le3A_943 : i1 to i32
      %cond3A_945 = arith.constant 0 : i32
      %cond3A_946 = arith.cmpi ne, %convert_element_type3A_944, %cond3A_945 : i32
      scf.if %cond3A_946 {
        %add3A_1127 = arith.addi %mul3A_2, %add3A_936 : i32
        %dma_start3A = arith.constant 0 : i32
        %dma_start3A_1128 = tpu.memref_slice %arg3[%add3A_1127, %dma_start3A] : memref<32768x1024xf32, #tpu.memory_space<hbm>> -> memref<1x1024xf32, #tpu.memory_space<hbm>>
        %dma_start3A_1129 = tpu.memref_squeeze %dma_start3A_1128 : memref<1x1024xf32, #tpu.memory_space<hbm>> -> memref<1024xf32, #tpu.memory_space<hbm>>
        %dma_start3A_1130 = arith.constant 0 : i32
        %dma_start3A_1131 = tpu.memref_slice %arg3[%add3A_1127, %dma_start3A_1130] : memref<32768x1024xf32, #tpu.memory_space<hbm>> -> memref<1x1024xf32, #tpu.memory_space<hbm>>
        %dma_start3A_1132 = tpu.memref_squeeze %dma_start3A_1131 : memref<1x1024xf32, #tpu.memory_space<hbm>> -> memref<1024xf32, #tpu.memory_space<hbm>>
        tpu.enqueue_dma source(%arg6 : memref<1024xf32, #tpu.memory_space<vmem>>) target(%dma_start3A_1132 : memref<1024xf32, #tpu.memory_space<hbm>>) target_semaphore(%arg7 : memref<!tpu.dma_semaphore, #tpu.memory_space<semaphore_mem>>)
      } else {
      }
      %slice3A_947 = vector.extract_strided_slice %get3A_872 {offsets = [5], sizes = [1], strides = [1]} : vector<16xf32> to vector<1xf32>
      %squeeze3A_948 = vector.extract %slice3A_947[0] : f32 from vector<1xf32>
      %mul3A_949 = arith.constant 16 : i32
      %mul3A_950 = arith.muli %scan3A_868, %mul3A_949 : i32
      %add3A_951 = arith.constant 5 : i32
      %add3A_952 = arith.addi %mul3A_950, %add3A_951 : i32
      %gt3A_953 = arith.constant 5.000000e-01 : f32
      %gt3A_954 = arith.cmpf ogt, %squeeze3A_948, %gt3A_953 : f32
      %convert_element_type3A_955 = arith.extui %gt3A_954 : i1 to i32
      %cond3A_956 = arith.constant 0 : i32
      %cond3A_957 = arith.cmpi ne, %convert_element_type3A_955, %cond3A_956 : i32
      scf.if %cond3A_957 {
        %add3A_1127 = arith.addi %mul3A_2, %add3A_952 : i32
        %dma_start3A = arith.constant 0 : i32
        %dma_start3A_1128 = tpu.memref_slice %arg3[%add3A_1127, %dma_start3A] : memref<32768x1024xf32, #tpu.memory_space<hbm>> -> memref<1x1024xf32, #tpu.memory_space<hbm>>
        %dma_start3A_1129 = tpu.memref_squeeze %dma_start3A_1128 : memref<1x1024xf32, #tpu.memory_space<hbm>> -> memref<1024xf32, #tpu.memory_space<hbm>>
        %dma_start3A_1130 = arith.constant 0 : i32
        %dma_start3A_1131 = tpu.memref_slice %arg3[%add3A_1127, %dma_start3A_1130] : memref<32768x1024xf32, #tpu.memory_space<hbm>> -> memref<1x1024xf32, #tpu.memory_space<hbm>>
        %dma_start3A_1132 = tpu.memref_squeeze %dma_start3A_1131 : memref<1x1024xf32, #tpu.memory_space<hbm>> -> memref<1024xf32, #tpu.memory_space<hbm>>
        tpu.enqueue_dma source(%arg5 : memref<1024xf32, #tpu.memory_space<vmem>>) target(%dma_start3A_1132 : memref<1024xf32, #tpu.memory_space<hbm>>) target_semaphore(%arg7 : memref<!tpu.dma_semaphore, #tpu.memory_space<semaphore_mem>>)
      } else {
      }
      %le3A_958 = arith.constant 5.000000e-01 : f32
      %le3A_959 = arith.cmpf ole, %squeeze3A_948, %le3A_958 : f32
      %convert_element_type3A_960 = arith.extui %le3A_959 : i1 to i32
      %cond3A_961 = arith.constant 0 : i32
      %cond3A_962 = arith.cmpi ne, %convert_element_type3A_960, %cond3A_961 : i32
      scf.if %cond3A_962 {
        %add3A_1127 = arith.addi %mul3A_2, %add3A_952 : i32
        %dma_start3A = arith.constant 0 : i32
        %dma_start3A_1128 = tpu.memref_slice %arg3[%add3A_1127, %dma_start3A] : memref<32768x1024xf32, #tpu.memory_space<hbm>> -> memref<1x1024xf32, #tpu.memory_space<hbm>>
        %dma_start3A_1129 = tpu.memref_squeeze %dma_start3A_1128 : memref<1x1024xf32, #tpu.memory_space<hbm>> -> memref<1024xf32, #tpu.memory_space<hbm>>
        %dma_start3A_1130 = arith.constant 0 : i32
        %dma_start3A_1131 = tpu.memref_slice %arg3[%add3A_1127, %dma_start3A_1130] : memref<32768x1024xf32, #tpu.memory_space<hbm>> -> memref<1x1024xf32, #tpu.memory_space<hbm>>
        %dma_start3A_1132 = tpu.memref_squeeze %dma_start3A_1131 : memref<1x1024xf32, #tpu.memory_space<hbm>> -> memref<1024xf32, #tpu.memory_space<hbm>>
        tpu.enqueue_dma source(%arg6 : memref<1024xf32, #tpu.memory_space<vmem>>) target(%dma_start3A_1132 : memref<1024xf32, #tpu.memory_space<hbm>>) target_semaphore(%arg7 : memref<!tpu.dma_semaphore, #tpu.memory_space<semaphore_mem>>)
      } else {
      }
      %slice3A_963 = vector.extract_strided_slice %get3A_872 {offsets = [6], sizes = [1], strides = [1]} : vector<16xf32> to vector<1xf32>
      %squeeze3A_964 = vector.extract %slice3A_963[0] : f32 from vector<1xf32>
      %mul3A_965 = arith.constant 16 : i32
      %mul3A_966 = arith.muli %scan3A_868, %mul3A_965 : i32
      %add3A_967 = arith.constant 6 : i32
      %add3A_968 = arith.addi %mul3A_966, %add3A_967 : i32
      %gt3A_969 = arith.constant 5.000000e-01 : f32
      %gt3A_970 = arith.cmpf ogt, %squeeze3A_964, %gt3A_969 : f32
      %convert_element_type3A_971 = arith.extui %gt3A_970 : i1 to i32
      %cond3A_972 = arith.constant 0 : i32
      %cond3A_973 = arith.cmpi ne, %convert_element_type3A_971, %cond3A_972 : i32
      scf.if %cond3A_973 {
        %add3A_1127 = arith.addi %mul3A_2, %add3A_968 : i32
        %dma_start3A = arith.constant 0 : i32
        %dma_start3A_1128 = tpu.memref_slice %arg3[%add3A_1127, %dma_start3A] : memref<32768x1024xf32, #tpu.memory_space<hbm>> -> memref<1x1024xf32, #tpu.memory_space<hbm>>
        %dma_start3A_1129 = tpu.memref_squeeze %dma_start3A_1128 : memref<1x1024xf32, #tpu.memory_space<hbm>> -> memref<1024xf32, #tpu.memory_space<hbm>>
        %dma_start3A_1130 = arith.constant 0 : i32
        %dma_start3A_1131 = tpu.memref_slice %arg3[%add3A_1127, %dma_start3A_1130] : memref<32768x1024xf32, #tpu.memory_space<hbm>> -> memref<1x1024xf32, #tpu.memory_space<hbm>>
        %dma_start3A_1132 = tpu.memref_squeeze %dma_start3A_1131 : memref<1x1024xf32, #tpu.memory_space<hbm>> -> memref<1024xf32, #tpu.memory_space<hbm>>
        tpu.enqueue_dma source(%arg5 : memref<1024xf32, #tpu.memory_space<vmem>>) target(%dma_start3A_1132 : memref<1024xf32, #tpu.memory_space<hbm>>) target_semaphore(%arg7 : memref<!tpu.dma_semaphore, #tpu.memory_space<semaphore_mem>>)
      } else {
      }
      %le3A_974 = arith.constant 5.000000e-01 : f32
      %le3A_975 = arith.cmpf ole, %squeeze3A_964, %le3A_974 : f32
      %convert_element_type3A_976 = arith.extui %le3A_975 : i1 to i32
      %cond3A_977 = arith.constant 0 : i32
      %cond3A_978 = arith.cmpi ne, %convert_element_type3A_976, %cond3A_977 : i32
      scf.if %cond3A_978 {
        %add3A_1127 = arith.addi %mul3A_2, %add3A_968 : i32
        %dma_start3A = arith.constant 0 : i32
        %dma_start3A_1128 = tpu.memref_slice %arg3[%add3A_1127, %dma_start3A] : memref<32768x1024xf32, #tpu.memory_space<hbm>> -> memref<1x1024xf32, #tpu.memory_space<hbm>>
        %dma_start3A_1129 = tpu.memref_squeeze %dma_start3A_1128 : memref<1x1024xf32, #tpu.memory_space<hbm>> -> memref<1024xf32, #tpu.memory_space<hbm>>
        %dma_start3A_1130 = arith.constant 0 : i32
        %dma_start3A_1131 = tpu.memref_slice %arg3[%add3A_1127, %dma_start3A_1130] : memref<32768x1024xf32, #tpu.memory_space<hbm>> -> memref<1x1024xf32, #tpu.memory_space<hbm>>
        %dma_start3A_1132 = tpu.memref_squeeze %dma_start3A_1131 : memref<1x1024xf32, #tpu.memory_space<hbm>> -> memref<1024xf32, #tpu.memory_space<hbm>>
        tpu.enqueue_dma source(%arg6 : memref<1024xf32, #tpu.memory_space<vmem>>) target(%dma_start3A_1132 : memref<1024xf32, #tpu.memory_space<hbm>>) target_semaphore(%arg7 : memref<!tpu.dma_semaphore, #tpu.memory_space<semaphore_mem>>)
      } else {
      }
      %slice3A_979 = vector.extract_strided_slice %get3A_872 {offsets = [7], sizes = [1], strides = [1]} : vector<16xf32> to vector<1xf32>
      %squeeze3A_980 = vector.extract %slice3A_979[0] : f32 from vector<1xf32>
      %mul3A_981 = arith.constant 16 : i32
      %mul3A_982 = arith.muli %scan3A_868, %mul3A_981 : i32
      %add3A_983 = arith.constant 7 : i32
      %add3A_984 = arith.addi %mul3A_982, %add3A_983 : i32
      %gt3A_985 = arith.constant 5.000000e-01 : f32
      %gt3A_986 = arith.cmpf ogt, %squeeze3A_980, %gt3A_985 : f32
      %convert_element_type3A_987 = arith.extui %gt3A_986 : i1 to i32
      %cond3A_988 = arith.constant 0 : i32
      %cond3A_989 = arith.cmpi ne, %convert_element_type3A_987, %cond3A_988 : i32
      scf.if %cond3A_989 {
        %add3A_1127 = arith.addi %mul3A_2, %add3A_984 : i32
        %dma_start3A = arith.constant 0 : i32
        %dma_start3A_1128 = tpu.memref_slice %arg3[%add3A_1127, %dma_start3A] : memref<32768x1024xf32, #tpu.memory_space<hbm>> -> memref<1x1024xf32, #tpu.memory_space<hbm>>
        %dma_start3A_1129 = tpu.memref_squeeze %dma_start3A_1128 : memref<1x1024xf32, #tpu.memory_space<hbm>> -> memref<1024xf32, #tpu.memory_space<hbm>>
        %dma_start3A_1130 = arith.constant 0 : i32
        %dma_start3A_1131 = tpu.memref_slice %arg3[%add3A_1127, %dma_start3A_1130] : memref<32768x1024xf32, #tpu.memory_space<hbm>> -> memref<1x1024xf32, #tpu.memory_space<hbm>>
        %dma_start3A_1132 = tpu.memref_squeeze %dma_start3A_1131 : memref<1x1024xf32, #tpu.memory_space<hbm>> -> memref<1024xf32, #tpu.memory_space<hbm>>
        tpu.enqueue_dma source(%arg5 : memref<1024xf32, #tpu.memory_space<vmem>>) target(%dma_start3A_1132 : memref<1024xf32, #tpu.memory_space<hbm>>) target_semaphore(%arg7 : memref<!tpu.dma_semaphore, #tpu.memory_space<semaphore_mem>>)
      } else {
      }
      %le3A_990 = arith.constant 5.000000e-01 : f32
      %le3A_991 = arith.cmpf ole, %squeeze3A_980, %le3A_990 : f32
      %convert_element_type3A_992 = arith.extui %le3A_991 : i1 to i32
      %cond3A_993 = arith.constant 0 : i32
      %cond3A_994 = arith.cmpi ne, %convert_element_type3A_992, %cond3A_993 : i32
      scf.if %cond3A_994 {
        %add3A_1127 = arith.addi %mul3A_2, %add3A_984 : i32
        %dma_start3A = arith.constant 0 : i32
        %dma_start3A_1128 = tpu.memref_slice %arg3[%add3A_1127, %dma_start3A] : memref<32768x1024xf32, #tpu.memory_space<hbm>> -> memref<1x1024xf32, #tpu.memory_space<hbm>>
        %dma_start3A_1129 = tpu.memref_squeeze %dma_start3A_1128 : memref<1x1024xf32, #tpu.memory_space<hbm>> -> memref<1024xf32, #tpu.memory_space<hbm>>
        %dma_start3A_1130 = arith.constant 0 : i32
        %dma_start3A_1131 = tpu.memref_slice %arg3[%add3A_1127, %dma_start3A_1130] : memref<32768x1024xf32, #tpu.memory_space<hbm>> -> memref<1x1024xf32, #tpu.memory_space<hbm>>
        %dma_start3A_1132 = tpu.memref_squeeze %dma_start3A_1131 : memref<1x1024xf32, #tpu.memory_space<hbm>> -> memref<1024xf32, #tpu.memory_space<hbm>>
        tpu.enqueue_dma source(%arg6 : memref<1024xf32, #tpu.memory_space<vmem>>) target(%dma_start3A_1132 : memref<1024xf32, #tpu.memory_space<hbm>>) target_semaphore(%arg7 : memref<!tpu.dma_semaphore, #tpu.memory_space<semaphore_mem>>)
      } else {
      }
      %slice3A_995 = vector.extract_strided_slice %get3A_872 {offsets = [8], sizes = [1], strides = [1]} : vector<16xf32> to vector<1xf32>
      %squeeze3A_996 = vector.extract %slice3A_995[0] : f32 from vector<1xf32>
      %mul3A_997 = arith.constant 16 : i32
      %mul3A_998 = arith.muli %scan3A_868, %mul3A_997 : i32
      %add3A_999 = arith.constant 8 : i32
      %add3A_1000 = arith.addi %mul3A_998, %add3A_999 : i32
      %gt3A_1001 = arith.constant 5.000000e-01 : f32
      %gt3A_1002 = arith.cmpf ogt, %squeeze3A_996, %gt3A_1001 : f32
      %convert_element_type3A_1003 = arith.extui %gt3A_1002 : i1 to i32
      %cond3A_1004 = arith.constant 0 : i32
      %cond3A_1005 = arith.cmpi ne, %convert_element_type3A_1003, %cond3A_1004 : i32
      scf.if %cond3A_1005 {
        %add3A_1127 = arith.addi %mul3A_2, %add3A_1000 : i32
        %dma_start3A = arith.constant 0 : i32
        %dma_start3A_1128 = tpu.memref_slice %arg3[%add3A_1127, %dma_start3A] : memref<32768x1024xf32, #tpu.memory_space<hbm>> -> memref<1x1024xf32, #tpu.memory_space<hbm>>
        %dma_start3A_1129 = tpu.memref_squeeze %dma_start3A_1128 : memref<1x1024xf32, #tpu.memory_space<hbm>> -> memref<1024xf32, #tpu.memory_space<hbm>>
        %dma_start3A_1130 = arith.constant 0 : i32
        %dma_start3A_1131 = tpu.memref_slice %arg3[%add3A_1127, %dma_start3A_1130] : memref<32768x1024xf32, #tpu.memory_space<hbm>> -> memref<1x1024xf32, #tpu.memory_space<hbm>>
        %dma_start3A_1132 = tpu.memref_squeeze %dma_start3A_1131 : memref<1x1024xf32, #tpu.memory_space<hbm>> -> memref<1024xf32, #tpu.memory_space<hbm>>
        tpu.enqueue_dma source(%arg5 : memref<1024xf32, #tpu.memory_space<vmem>>) target(%dma_start3A_1132 : memref<1024xf32, #tpu.memory_space<hbm>>) target_semaphore(%arg7 : memref<!tpu.dma_semaphore, #tpu.memory_space<semaphore_mem>>)
      } else {
      }
      %le3A_1006 = arith.constant 5.000000e-01 : f32
      %le3A_1007 = arith.cmpf ole, %squeeze3A_996, %le3A_1006 : f32
      %convert_element_type3A_1008 = arith.extui %le3A_1007 : i1 to i32
      %cond3A_1009 = arith.constant 0 : i32
      %cond3A_1010 = arith.cmpi ne, %convert_element_type3A_1008, %cond3A_1009 : i32
      scf.if %cond3A_1010 {
        %add3A_1127 = arith.addi %mul3A_2, %add3A_1000 : i32
        %dma_start3A = arith.constant 0 : i32
        %dma_start3A_1128 = tpu.memref_slice %arg3[%add3A_1127, %dma_start3A] : memref<32768x1024xf32, #tpu.memory_space<hbm>> -> memref<1x1024xf32, #tpu.memory_space<hbm>>
        %dma_start3A_1129 = tpu.memref_squeeze %dma_start3A_1128 : memref<1x1024xf32, #tpu.memory_space<hbm>> -> memref<1024xf32, #tpu.memory_space<hbm>>
        %dma_start3A_1130 = arith.constant 0 : i32
        %dma_start3A_1131 = tpu.memref_slice %arg3[%add3A_1127, %dma_start3A_1130] : memref<32768x1024xf32, #tpu.memory_space<hbm>> -> memref<1x1024xf32, #tpu.memory_space<hbm>>
        %dma_start3A_1132 = tpu.memref_squeeze %dma_start3A_1131 : memref<1x1024xf32, #tpu.memory_space<hbm>> -> memref<1024xf32, #tpu.memory_space<hbm>>
        tpu.enqueue_dma source(%arg6 : memref<1024xf32, #tpu.memory_space<vmem>>) target(%dma_start3A_1132 : memref<1024xf32, #tpu.memory_space<hbm>>) target_semaphore(%arg7 : memref<!tpu.dma_semaphore, #tpu.memory_space<semaphore_mem>>)
      } else {
      }
      %slice3A_1011 = vector.extract_strided_slice %get3A_872 {offsets = [9], sizes = [1], strides = [1]} : vector<16xf32> to vector<1xf32>
      %squeeze3A_1012 = vector.extract %slice3A_1011[0] : f32 from vector<1xf32>
      %mul3A_1013 = arith.constant 16 : i32
      %mul3A_1014 = arith.muli %scan3A_868, %mul3A_1013 : i32
      %add3A_1015 = arith.constant 9 : i32
      %add3A_1016 = arith.addi %mul3A_1014, %add3A_1015 : i32
      %gt3A_1017 = arith.constant 5.000000e-01 : f32
      %gt3A_1018 = arith.cmpf ogt, %squeeze3A_1012, %gt3A_1017 : f32
      %convert_element_type3A_1019 = arith.extui %gt3A_1018 : i1 to i32
      %cond3A_1020 = arith.constant 0 : i32
      %cond3A_1021 = arith.cmpi ne, %convert_element_type3A_1019, %cond3A_1020 : i32
      scf.if %cond3A_1021 {
        %add3A_1127 = arith.addi %mul3A_2, %add3A_1016 : i32
        %dma_start3A = arith.constant 0 : i32
        %dma_start3A_1128 = tpu.memref_slice %arg3[%add3A_1127, %dma_start3A] : memref<32768x1024xf32, #tpu.memory_space<hbm>> -> memref<1x1024xf32, #tpu.memory_space<hbm>>
        %dma_start3A_1129 = tpu.memref_squeeze %dma_start3A_1128 : memref<1x1024xf32, #tpu.memory_space<hbm>> -> memref<1024xf32, #tpu.memory_space<hbm>>
        %dma_start3A_1130 = arith.constant 0 : i32
        %dma_start3A_1131 = tpu.memref_slice %arg3[%add3A_1127, %dma_start3A_1130] : memref<32768x1024xf32, #tpu.memory_space<hbm>> -> memref<1x1024xf32, #tpu.memory_space<hbm>>
        %dma_start3A_1132 = tpu.memref_squeeze %dma_start3A_1131 : memref<1x1024xf32, #tpu.memory_space<hbm>> -> memref<1024xf32, #tpu.memory_space<hbm>>
        tpu.enqueue_dma source(%arg5 : memref<1024xf32, #tpu.memory_space<vmem>>) target(%dma_start3A_1132 : memref<1024xf32, #tpu.memory_space<hbm>>) target_semaphore(%arg7 : memref<!tpu.dma_semaphore, #tpu.memory_space<semaphore_mem>>)
      } else {
      }
      %le3A_1022 = arith.constant 5.000000e-01 : f32
      %le3A_1023 = arith.cmpf ole, %squeeze3A_1012, %le3A_1022 : f32
      %convert_element_type3A_1024 = arith.extui %le3A_1023 : i1 to i32
      %cond3A_1025 = arith.constant 0 : i32
      %cond3A_1026 = arith.cmpi ne, %convert_element_type3A_1024, %cond3A_1025 : i32
      scf.if %cond3A_1026 {
        %add3A_1127 = arith.addi %mul3A_2, %add3A_1016 : i32
        %dma_start3A = arith.constant 0 : i32
        %dma_start3A_1128 = tpu.memref_slice %arg3[%add3A_1127, %dma_start3A] : memref<32768x1024xf32, #tpu.memory_space<hbm>> -> memref<1x1024xf32, #tpu.memory_space<hbm>>
        %dma_start3A_1129 = tpu.memref_squeeze %dma_start3A_1128 : memref<1x1024xf32, #tpu.memory_space<hbm>> -> memref<1024xf32, #tpu.memory_space<hbm>>
        %dma_start3A_1130 = arith.constant 0 : i32
        %dma_start3A_1131 = tpu.memref_slice %arg3[%add3A_1127, %dma_start3A_1130] : memref<32768x1024xf32, #tpu.memory_space<hbm>> -> memref<1x1024xf32, #tpu.memory_space<hbm>>
        %dma_start3A_1132 = tpu.memref_squeeze %dma_start3A_1131 : memref<1x1024xf32, #tpu.memory_space<hbm>> -> memref<1024xf32, #tpu.memory_space<hbm>>
        tpu.enqueue_dma source(%arg6 : memref<1024xf32, #tpu.memory_space<vmem>>) target(%dma_start3A_1132 : memref<1024xf32, #tpu.memory_space<hbm>>) target_semaphore(%arg7 : memref<!tpu.dma_semaphore, #tpu.memory_space<semaphore_mem>>)
      } else {
      }
      %slice3A_1027 = vector.extract_strided_slice %get3A_872 {offsets = [10], sizes = [1], strides = [1]} : vector<16xf32> to vector<1xf32>
      %squeeze3A_1028 = vector.extract %slice3A_1027[0] : f32 from vector<1xf32>
      %mul3A_1029 = arith.constant 16 : i32
      %mul3A_1030 = arith.muli %scan3A_868, %mul3A_1029 : i32
      %add3A_1031 = arith.constant 10 : i32
      %add3A_1032 = arith.addi %mul3A_1030, %add3A_1031 : i32
      %gt3A_1033 = arith.constant 5.000000e-01 : f32
      %gt3A_1034 = arith.cmpf ogt, %squeeze3A_1028, %gt3A_1033 : f32
      %convert_element_type3A_1035 = arith.extui %gt3A_1034 : i1 to i32
      %cond3A_1036 = arith.constant 0 : i32
      %cond3A_1037 = arith.cmpi ne, %convert_element_type3A_1035, %cond3A_1036 : i32
      scf.if %cond3A_1037 {
        %add3A_1127 = arith.addi %mul3A_2, %add3A_1032 : i32
        %dma_start3A = arith.constant 0 : i32
        %dma_start3A_1128 = tpu.memref_slice %arg3[%add3A_1127, %dma_start3A] : memref<32768x1024xf32, #tpu.memory_space<hbm>> -> memref<1x1024xf32, #tpu.memory_space<hbm>>
        %dma_start3A_1129 = tpu.memref_squeeze %dma_start3A_1128 : memref<1x1024xf32, #tpu.memory_space<hbm>> -> memref<1024xf32, #tpu.memory_space<hbm>>
        %dma_start3A_1130 = arith.constant 0 : i32
        %dma_start3A_1131 = tpu.memref_slice %arg3[%add3A_1127, %dma_start3A_1130] : memref<32768x1024xf32, #tpu.memory_space<hbm>> -> memref<1x1024xf32, #tpu.memory_space<hbm>>
        %dma_start3A_1132 = tpu.memref_squeeze %dma_start3A_1131 : memref<1x1024xf32, #tpu.memory_space<hbm>> -> memref<1024xf32, #tpu.memory_space<hbm>>
        tpu.enqueue_dma source(%arg5 : memref<1024xf32, #tpu.memory_space<vmem>>) target(%dma_start3A_1132 : memref<1024xf32, #tpu.memory_space<hbm>>) target_semaphore(%arg7 : memref<!tpu.dma_semaphore, #tpu.memory_space<semaphore_mem>>)
      } else {
      }
      %le3A_1038 = arith.constant 5.000000e-01 : f32
      %le3A_1039 = arith.cmpf ole, %squeeze3A_1028, %le3A_1038 : f32
      %convert_element_type3A_1040 = arith.extui %le3A_1039 : i1 to i32
      %cond3A_1041 = arith.constant 0 : i32
      %cond3A_1042 = arith.cmpi ne, %convert_element_type3A_1040, %cond3A_1041 : i32
      scf.if %cond3A_1042 {
        %add3A_1127 = arith.addi %mul3A_2, %add3A_1032 : i32
        %dma_start3A = arith.constant 0 : i32
        %dma_start3A_1128 = tpu.memref_slice %arg3[%add3A_1127, %dma_start3A] : memref<32768x1024xf32, #tpu.memory_space<hbm>> -> memref<1x1024xf32, #tpu.memory_space<hbm>>
        %dma_start3A_1129 = tpu.memref_squeeze %dma_start3A_1128 : memref<1x1024xf32, #tpu.memory_space<hbm>> -> memref<1024xf32, #tpu.memory_space<hbm>>
        %dma_start3A_1130 = arith.constant 0 : i32
        %dma_start3A_1131 = tpu.memref_slice %arg3[%add3A_1127, %dma_start3A_1130] : memref<32768x1024xf32, #tpu.memory_space<hbm>> -> memref<1x1024xf32, #tpu.memory_space<hbm>>
        %dma_start3A_1132 = tpu.memref_squeeze %dma_start3A_1131 : memref<1x1024xf32, #tpu.memory_space<hbm>> -> memref<1024xf32, #tpu.memory_space<hbm>>
        tpu.enqueue_dma source(%arg6 : memref<1024xf32, #tpu.memory_space<vmem>>) target(%dma_start3A_1132 : memref<1024xf32, #tpu.memory_space<hbm>>) target_semaphore(%arg7 : memref<!tpu.dma_semaphore, #tpu.memory_space<semaphore_mem>>)
      } else {
      }
      %slice3A_1043 = vector.extract_strided_slice %get3A_872 {offsets = [11], sizes = [1], strides = [1]} : vector<16xf32> to vector<1xf32>
      %squeeze3A_1044 = vector.extract %slice3A_1043[0] : f32 from vector<1xf32>
      %mul3A_1045 = arith.constant 16 : i32
      %mul3A_1046 = arith.muli %scan3A_868, %mul3A_1045 : i32
      %add3A_1047 = arith.constant 11 : i32
      %add3A_1048 = arith.addi %mul3A_1046, %add3A_1047 : i32
      %gt3A_1049 = arith.constant 5.000000e-01 : f32
      %gt3A_1050 = arith.cmpf ogt, %squeeze3A_1044, %gt3A_1049 : f32
      %convert_element_type3A_1051 = arith.extui %gt3A_1050 : i1 to i32
      %cond3A_1052 = arith.constant 0 : i32
      %cond3A_1053 = arith.cmpi ne, %convert_element_type3A_1051, %cond3A_1052 : i32
      scf.if %cond3A_1053 {
        %add3A_1127 = arith.addi %mul3A_2, %add3A_1048 : i32
        %dma_start3A = arith.constant 0 : i32
        %dma_start3A_1128 = tpu.memref_slice %arg3[%add3A_1127, %dma_start3A] : memref<32768x1024xf32, #tpu.memory_space<hbm>> -> memref<1x1024xf32, #tpu.memory_space<hbm>>
        %dma_start3A_1129 = tpu.memref_squeeze %dma_start3A_1128 : memref<1x1024xf32, #tpu.memory_space<hbm>> -> memref<1024xf32, #tpu.memory_space<hbm>>
        %dma_start3A_1130 = arith.constant 0 : i32
        %dma_start3A_1131 = tpu.memref_slice %arg3[%add3A_1127, %dma_start3A_1130] : memref<32768x1024xf32, #tpu.memory_space<hbm>> -> memref<1x1024xf32, #tpu.memory_space<hbm>>
        %dma_start3A_1132 = tpu.memref_squeeze %dma_start3A_1131 : memref<1x1024xf32, #tpu.memory_space<hbm>> -> memref<1024xf32, #tpu.memory_space<hbm>>
        tpu.enqueue_dma source(%arg5 : memref<1024xf32, #tpu.memory_space<vmem>>) target(%dma_start3A_1132 : memref<1024xf32, #tpu.memory_space<hbm>>) target_semaphore(%arg7 : memref<!tpu.dma_semaphore, #tpu.memory_space<semaphore_mem>>)
      } else {
      }
      %le3A_1054 = arith.constant 5.000000e-01 : f32
      %le3A_1055 = arith.cmpf ole, %squeeze3A_1044, %le3A_1054 : f32
      %convert_element_type3A_1056 = arith.extui %le3A_1055 : i1 to i32
      %cond3A_1057 = arith.constant 0 : i32
      %cond3A_1058 = arith.cmpi ne, %convert_element_type3A_1056, %cond3A_1057 : i32
      scf.if %cond3A_1058 {
        %add3A_1127 = arith.addi %mul3A_2, %add3A_1048 : i32
        %dma_start3A = arith.constant 0 : i32
        %dma_start3A_1128 = tpu.memref_slice %arg3[%add3A_1127, %dma_start3A] : memref<32768x1024xf32, #tpu.memory_space<hbm>> -> memref<1x1024xf32, #tpu.memory_space<hbm>>
        %dma_start3A_1129 = tpu.memref_squeeze %dma_start3A_1128 : memref<1x1024xf32, #tpu.memory_space<hbm>> -> memref<1024xf32, #tpu.memory_space<hbm>>
        %dma_start3A_1130 = arith.constant 0 : i32
        %dma_start3A_1131 = tpu.memref_slice %arg3[%add3A_1127, %dma_start3A_1130] : memref<32768x1024xf32, #tpu.memory_space<hbm>> -> memref<1x1024xf32, #tpu.memory_space<hbm>>
        %dma_start3A_1132 = tpu.memref_squeeze %dma_start3A_1131 : memref<1x1024xf32, #tpu.memory_space<hbm>> -> memref<1024xf32, #tpu.memory_space<hbm>>
        tpu.enqueue_dma source(%arg6 : memref<1024xf32, #tpu.memory_space<vmem>>) target(%dma_start3A_1132 : memref<1024xf32, #tpu.memory_space<hbm>>) target_semaphore(%arg7 : memref<!tpu.dma_semaphore, #tpu.memory_space<semaphore_mem>>)
      } else {
      }
      %slice3A_1059 = vector.extract_strided_slice %get3A_872 {offsets = [12], sizes = [1], strides = [1]} : vector<16xf32> to vector<1xf32>
      %squeeze3A_1060 = vector.extract %slice3A_1059[0] : f32 from vector<1xf32>
      %mul3A_1061 = arith.constant 16 : i32
      %mul3A_1062 = arith.muli %scan3A_868, %mul3A_1061 : i32
      %add3A_1063 = arith.constant 12 : i32
      %add3A_1064 = arith.addi %mul3A_1062, %add3A_1063 : i32
      %gt3A_1065 = arith.constant 5.000000e-01 : f32
      %gt3A_1066 = arith.cmpf ogt, %squeeze3A_1060, %gt3A_1065 : f32
      %convert_element_type3A_1067 = arith.extui %gt3A_1066 : i1 to i32
      %cond3A_1068 = arith.constant 0 : i32
      %cond3A_1069 = arith.cmpi ne, %convert_element_type3A_1067, %cond3A_1068 : i32
      scf.if %cond3A_1069 {
        %add3A_1127 = arith.addi %mul3A_2, %add3A_1064 : i32
        %dma_start3A = arith.constant 0 : i32
        %dma_start3A_1128 = tpu.memref_slice %arg3[%add3A_1127, %dma_start3A] : memref<32768x1024xf32, #tpu.memory_space<hbm>> -> memref<1x1024xf32, #tpu.memory_space<hbm>>
        %dma_start3A_1129 = tpu.memref_squeeze %dma_start3A_1128 : memref<1x1024xf32, #tpu.memory_space<hbm>> -> memref<1024xf32, #tpu.memory_space<hbm>>
        %dma_start3A_1130 = arith.constant 0 : i32
        %dma_start3A_1131 = tpu.memref_slice %arg3[%add3A_1127, %dma_start3A_1130] : memref<32768x1024xf32, #tpu.memory_space<hbm>> -> memref<1x1024xf32, #tpu.memory_space<hbm>>
        %dma_start3A_1132 = tpu.memref_squeeze %dma_start3A_1131 : memref<1x1024xf32, #tpu.memory_space<hbm>> -> memref<1024xf32, #tpu.memory_space<hbm>>
        tpu.enqueue_dma source(%arg5 : memref<1024xf32, #tpu.memory_space<vmem>>) target(%dma_start3A_1132 : memref<1024xf32, #tpu.memory_space<hbm>>) target_semaphore(%arg7 : memref<!tpu.dma_semaphore, #tpu.memory_space<semaphore_mem>>)
      } else {
      }
      %le3A_1070 = arith.constant 5.000000e-01 : f32
      %le3A_1071 = arith.cmpf ole, %squeeze3A_1060, %le3A_1070 : f32
      %convert_element_type3A_1072 = arith.extui %le3A_1071 : i1 to i32
      %cond3A_1073 = arith.constant 0 : i32
      %cond3A_1074 = arith.cmpi ne, %convert_element_type3A_1072, %cond3A_1073 : i32
      scf.if %cond3A_1074 {
        %add3A_1127 = arith.addi %mul3A_2, %add3A_1064 : i32
        %dma_start3A = arith.constant 0 : i32
        %dma_start3A_1128 = tpu.memref_slice %arg3[%add3A_1127, %dma_start3A] : memref<32768x1024xf32, #tpu.memory_space<hbm>> -> memref<1x1024xf32, #tpu.memory_space<hbm>>
        %dma_start3A_1129 = tpu.memref_squeeze %dma_start3A_1128 : memref<1x1024xf32, #tpu.memory_space<hbm>> -> memref<1024xf32, #tpu.memory_space<hbm>>
        %dma_start3A_1130 = arith.constant 0 : i32
        %dma_start3A_1131 = tpu.memref_slice %arg3[%add3A_1127, %dma_start3A_1130] : memref<32768x1024xf32, #tpu.memory_space<hbm>> -> memref<1x1024xf32, #tpu.memory_space<hbm>>
        %dma_start3A_1132 = tpu.memref_squeeze %dma_start3A_1131 : memref<1x1024xf32, #tpu.memory_space<hbm>> -> memref<1024xf32, #tpu.memory_space<hbm>>
        tpu.enqueue_dma source(%arg6 : memref<1024xf32, #tpu.memory_space<vmem>>) target(%dma_start3A_1132 : memref<1024xf32, #tpu.memory_space<hbm>>) target_semaphore(%arg7 : memref<!tpu.dma_semaphore, #tpu.memory_space<semaphore_mem>>)
      } else {
      }
      %slice3A_1075 = vector.extract_strided_slice %get3A_872 {offsets = [13], sizes = [1], strides = [1]} : vector<16xf32> to vector<1xf32>
      %squeeze3A_1076 = vector.extract %slice3A_1075[0] : f32 from vector<1xf32>
      %mul3A_1077 = arith.constant 16 : i32
      %mul3A_1078 = arith.muli %scan3A_868, %mul3A_1077 : i32
      %add3A_1079 = arith.constant 13 : i32
      %add3A_1080 = arith.addi %mul3A_1078, %add3A_1079 : i32
      %gt3A_1081 = arith.constant 5.000000e-01 : f32
      %gt3A_1082 = arith.cmpf ogt, %squeeze3A_1076, %gt3A_1081 : f32
      %convert_element_type3A_1083 = arith.extui %gt3A_1082 : i1 to i32
      %cond3A_1084 = arith.constant 0 : i32
      %cond3A_1085 = arith.cmpi ne, %convert_element_type3A_1083, %cond3A_1084 : i32
      scf.if %cond3A_1085 {
        %add3A_1127 = arith.addi %mul3A_2, %add3A_1080 : i32
        %dma_start3A = arith.constant 0 : i32
        %dma_start3A_1128 = tpu.memref_slice %arg3[%add3A_1127, %dma_start3A] : memref<32768x1024xf32, #tpu.memory_space<hbm>> -> memref<1x1024xf32, #tpu.memory_space<hbm>>
        %dma_start3A_1129 = tpu.memref_squeeze %dma_start3A_1128 : memref<1x1024xf32, #tpu.memory_space<hbm>> -> memref<1024xf32, #tpu.memory_space<hbm>>
        %dma_start3A_1130 = arith.constant 0 : i32
        %dma_start3A_1131 = tpu.memref_slice %arg3[%add3A_1127, %dma_start3A_1130] : memref<32768x1024xf32, #tpu.memory_space<hbm>> -> memref<1x1024xf32, #tpu.memory_space<hbm>>
        %dma_start3A_1132 = tpu.memref_squeeze %dma_start3A_1131 : memref<1x1024xf32, #tpu.memory_space<hbm>> -> memref<1024xf32, #tpu.memory_space<hbm>>
        tpu.enqueue_dma source(%arg5 : memref<1024xf32, #tpu.memory_space<vmem>>) target(%dma_start3A_1132 : memref<1024xf32, #tpu.memory_space<hbm>>) target_semaphore(%arg7 : memref<!tpu.dma_semaphore, #tpu.memory_space<semaphore_mem>>)
      } else {
      }
      %le3A_1086 = arith.constant 5.000000e-01 : f32
      %le3A_1087 = arith.cmpf ole, %squeeze3A_1076, %le3A_1086 : f32
      %convert_element_type3A_1088 = arith.extui %le3A_1087 : i1 to i32
      %cond3A_1089 = arith.constant 0 : i32
      %cond3A_1090 = arith.cmpi ne, %convert_element_type3A_1088, %cond3A_1089 : i32
      scf.if %cond3A_1090 {
        %add3A_1127 = arith.addi %mul3A_2, %add3A_1080 : i32
        %dma_start3A = arith.constant 0 : i32
        %dma_start3A_1128 = tpu.memref_slice %arg3[%add3A_1127, %dma_start3A] : memref<32768x1024xf32, #tpu.memory_space<hbm>> -> memref<1x1024xf32, #tpu.memory_space<hbm>>
        %dma_start3A_1129 = tpu.memref_squeeze %dma_start3A_1128 : memref<1x1024xf32, #tpu.memory_space<hbm>> -> memref<1024xf32, #tpu.memory_space<hbm>>
        %dma_start3A_1130 = arith.constant 0 : i32
        %dma_start3A_1131 = tpu.memref_slice %arg3[%add3A_1127, %dma_start3A_1130] : memref<32768x1024xf32, #tpu.memory_space<hbm>> -> memref<1x1024xf32, #tpu.memory_space<hbm>>
        %dma_start3A_1132 = tpu.memref_squeeze %dma_start3A_1131 : memref<1x1024xf32, #tpu.memory_space<hbm>> -> memref<1024xf32, #tpu.memory_space<hbm>>
        tpu.enqueue_dma source(%arg6 : memref<1024xf32, #tpu.memory_space<vmem>>) target(%dma_start3A_1132 : memref<1024xf32, #tpu.memory_space<hbm>>) target_semaphore(%arg7 : memref<!tpu.dma_semaphore, #tpu.memory_space<semaphore_mem>>)
      } else {
      }
      %slice3A_1091 = vector.extract_strided_slice %get3A_872 {offsets = [14], sizes = [1], strides = [1]} : vector<16xf32> to vector<1xf32>
      %squeeze3A_1092 = vector.extract %slice3A_1091[0] : f32 from vector<1xf32>
      %mul3A_1093 = arith.constant 16 : i32
      %mul3A_1094 = arith.muli %scan3A_868, %mul3A_1093 : i32
      %add3A_1095 = arith.constant 14 : i32
      %add3A_1096 = arith.addi %mul3A_1094, %add3A_1095 : i32
      %gt3A_1097 = arith.constant 5.000000e-01 : f32
      %gt3A_1098 = arith.cmpf ogt, %squeeze3A_1092, %gt3A_1097 : f32
      %convert_element_type3A_1099 = arith.extui %gt3A_1098 : i1 to i32
      %cond3A_1100 = arith.constant 0 : i32
      %cond3A_1101 = arith.cmpi ne, %convert_element_type3A_1099, %cond3A_1100 : i32
      scf.if %cond3A_1101 {
        %add3A_1127 = arith.addi %mul3A_2, %add3A_1096 : i32
        %dma_start3A = arith.constant 0 : i32
        %dma_start3A_1128 = tpu.memref_slice %arg3[%add3A_1127, %dma_start3A] : memref<32768x1024xf32, #tpu.memory_space<hbm>> -> memref<1x1024xf32, #tpu.memory_space<hbm>>
        %dma_start3A_1129 = tpu.memref_squeeze %dma_start3A_1128 : memref<1x1024xf32, #tpu.memory_space<hbm>> -> memref<1024xf32, #tpu.memory_space<hbm>>
        %dma_start3A_1130 = arith.constant 0 : i32
        %dma_start3A_1131 = tpu.memref_slice %arg3[%add3A_1127, %dma_start3A_1130] : memref<32768x1024xf32, #tpu.memory_space<hbm>> -> memref<1x1024xf32, #tpu.memory_space<hbm>>
        %dma_start3A_1132 = tpu.memref_squeeze %dma_start3A_1131 : memref<1x1024xf32, #tpu.memory_space<hbm>> -> memref<1024xf32, #tpu.memory_space<hbm>>
        tpu.enqueue_dma source(%arg5 : memref<1024xf32, #tpu.memory_space<vmem>>) target(%dma_start3A_1132 : memref<1024xf32, #tpu.memory_space<hbm>>) target_semaphore(%arg7 : memref<!tpu.dma_semaphore, #tpu.memory_space<semaphore_mem>>)
      } else {
      }
      %le3A_1102 = arith.constant 5.000000e-01 : f32
      %le3A_1103 = arith.cmpf ole, %squeeze3A_1092, %le3A_1102 : f32
      %convert_element_type3A_1104 = arith.extui %le3A_1103 : i1 to i32
      %cond3A_1105 = arith.constant 0 : i32
      %cond3A_1106 = arith.cmpi ne, %convert_element_type3A_1104, %cond3A_1105 : i32
      scf.if %cond3A_1106 {
        %add3A_1127 = arith.addi %mul3A_2, %add3A_1096 : i32
        %dma_start3A = arith.constant 0 : i32
        %dma_start3A_1128 = tpu.memref_slice %arg3[%add3A_1127, %dma_start3A] : memref<32768x1024xf32, #tpu.memory_space<hbm>> -> memref<1x1024xf32, #tpu.memory_space<hbm>>
        %dma_start3A_1129 = tpu.memref_squeeze %dma_start3A_1128 : memref<1x1024xf32, #tpu.memory_space<hbm>> -> memref<1024xf32, #tpu.memory_space<hbm>>
        %dma_start3A_1130 = arith.constant 0 : i32
        %dma_start3A_1131 = tpu.memref_slice %arg3[%add3A_1127, %dma_start3A_1130] : memref<32768x1024xf32, #tpu.memory_space<hbm>> -> memref<1x1024xf32, #tpu.memory_space<hbm>>
        %dma_start3A_1132 = tpu.memref_squeeze %dma_start3A_1131 : memref<1x1024xf32, #tpu.memory_space<hbm>> -> memref<1024xf32, #tpu.memory_space<hbm>>
        tpu.enqueue_dma source(%arg6 : memref<1024xf32, #tpu.memory_space<vmem>>) target(%dma_start3A_1132 : memref<1024xf32, #tpu.memory_space<hbm>>) target_semaphore(%arg7 : memref<!tpu.dma_semaphore, #tpu.memory_space<semaphore_mem>>)
      } else {
      }
      %slice3A_1107 = vector.extract_strided_slice %get3A_872 {offsets = [15], sizes = [1], strides = [1]} : vector<16xf32> to vector<1xf32>
      %squeeze3A_1108 = vector.extract %slice3A_1107[0] : f32 from vector<1xf32>
      %mul3A_1109 = arith.constant 16 : i32
      %mul3A_1110 = arith.muli %scan3A_868, %mul3A_1109 : i32
      %add3A_1111 = arith.constant 15 : i32
      %add3A_1112 = arith.addi %mul3A_1110, %add3A_1111 : i32
      %gt3A_1113 = arith.constant 5.000000e-01 : f32
      %gt3A_1114 = arith.cmpf ogt, %squeeze3A_1108, %gt3A_1113 : f32
      %convert_element_type3A_1115 = arith.extui %gt3A_1114 : i1 to i32
      %cond3A_1116 = arith.constant 0 : i32
      %cond3A_1117 = arith.cmpi ne, %convert_element_type3A_1115, %cond3A_1116 : i32
      scf.if %cond3A_1117 {
        %add3A_1127 = arith.addi %mul3A_2, %add3A_1112 : i32
        %dma_start3A = arith.constant 0 : i32
        %dma_start3A_1128 = tpu.memref_slice %arg3[%add3A_1127, %dma_start3A] : memref<32768x1024xf32, #tpu.memory_space<hbm>> -> memref<1x1024xf32, #tpu.memory_space<hbm>>
        %dma_start3A_1129 = tpu.memref_squeeze %dma_start3A_1128 : memref<1x1024xf32, #tpu.memory_space<hbm>> -> memref<1024xf32, #tpu.memory_space<hbm>>
        %dma_start3A_1130 = arith.constant 0 : i32
        %dma_start3A_1131 = tpu.memref_slice %arg3[%add3A_1127, %dma_start3A_1130] : memref<32768x1024xf32, #tpu.memory_space<hbm>> -> memref<1x1024xf32, #tpu.memory_space<hbm>>
        %dma_start3A_1132 = tpu.memref_squeeze %dma_start3A_1131 : memref<1x1024xf32, #tpu.memory_space<hbm>> -> memref<1024xf32, #tpu.memory_space<hbm>>
        tpu.enqueue_dma source(%arg5 : memref<1024xf32, #tpu.memory_space<vmem>>) target(%dma_start3A_1132 : memref<1024xf32, #tpu.memory_space<hbm>>) target_semaphore(%arg7 : memref<!tpu.dma_semaphore, #tpu.memory_space<semaphore_mem>>)
      } else {
      }
      %le3A_1118 = arith.constant 5.000000e-01 : f32
      %le3A_1119 = arith.cmpf ole, %squeeze3A_1108, %le3A_1118 : f32
      %convert_element_type3A_1120 = arith.extui %le3A_1119 : i1 to i32
      %cond3A_1121 = arith.constant 0 : i32
      %cond3A_1122 = arith.cmpi ne, %convert_element_type3A_1120, %cond3A_1121 : i32
      scf.if %cond3A_1122 {
        %add3A_1127 = arith.addi %mul3A_2, %add3A_1112 : i32
        %dma_start3A = arith.constant 0 : i32
        %dma_start3A_1128 = tpu.memref_slice %arg3[%add3A_1127, %dma_start3A] : memref<32768x1024xf32, #tpu.memory_space<hbm>> -> memref<1x1024xf32, #tpu.memory_space<hbm>>
        %dma_start3A_1129 = tpu.memref_squeeze %dma_start3A_1128 : memref<1x1024xf32, #tpu.memory_space<hbm>> -> memref<1024xf32, #tpu.memory_space<hbm>>
        %dma_start3A_1130 = arith.constant 0 : i32
        %dma_start3A_1131 = tpu.memref_slice %arg3[%add3A_1127, %dma_start3A_1130] : memref<32768x1024xf32, #tpu.memory_space<hbm>> -> memref<1x1024xf32, #tpu.memory_space<hbm>>
        %dma_start3A_1132 = tpu.memref_squeeze %dma_start3A_1131 : memref<1x1024xf32, #tpu.memory_space<hbm>> -> memref<1024xf32, #tpu.memory_space<hbm>>
        tpu.enqueue_dma source(%arg6 : memref<1024xf32, #tpu.memory_space<vmem>>) target(%dma_start3A_1132 : memref<1024xf32, #tpu.memory_space<hbm>>) target_semaphore(%arg7 : memref<!tpu.dma_semaphore, #tpu.memory_space<semaphore_mem>>)
      } else {
      }
      %ge3A = arith.constant 1 : i32
      %ge3A_1123 = arith.cmpi sge, %scan3A_868, %ge3A : i32
      %convert_element_type3A_1124 = arith.extui %ge3A_1123 : i1 to i32
      %cond3A_1125 = arith.constant 0 : i32
      %cond3A_1126 = arith.cmpi ne, %convert_element_type3A_1124, %cond3A_1125 : i32
      scf.if %cond3A_1126 {
        %dma_wait3A_1127 = arith.constant 0 : i32
        %dma_wait3A_1128 = tpu.memref_slice %arg3[%mul3A_2, %dma_wait3A_1127] : memref<32768x1024xf32, #tpu.memory_space<hbm>> -> memref<1x1024xf32, #tpu.memory_space<hbm>>
        %dma_wait3A_1129 = tpu.memref_squeeze %dma_wait3A_1128 : memref<1x1024xf32, #tpu.memory_space<hbm>> -> memref<1024xf32, #tpu.memory_space<hbm>>
        %dma_wait3A_1130 = arith.constant 0 : i32
        %dma_wait3A_1131 = tpu.memref_slice %arg3[%mul3A_2, %dma_wait3A_1130] : memref<32768x1024xf32, #tpu.memory_space<hbm>> -> memref<1x1024xf32, #tpu.memory_space<hbm>>
        %dma_wait3A_1132 = tpu.memref_squeeze %dma_wait3A_1131 : memref<1x1024xf32, #tpu.memory_space<hbm>> -> memref<1024xf32, #tpu.memory_space<hbm>>
        tpu.wait_dma2 semaphore(%arg7 : memref<!tpu.dma_semaphore, #tpu.memory_space<semaphore_mem>>) src(%arg5 : memref<1024xf32, #tpu.memory_space<vmem>>) dst(%dma_wait3A_1132 : memref<1024xf32, #tpu.memory_space<hbm>>)
        %dma_wait3A_1133 = arith.constant 0 : i32
        %dma_wait3A_1134 = tpu.memref_slice %arg3[%mul3A_2, %dma_wait3A_1133] : memref<32768x1024xf32, #tpu.memory_space<hbm>> -> memref<1x1024xf32, #tpu.memory_space<hbm>>
        %dma_wait3A_1135 = tpu.memref_squeeze %dma_wait3A_1134 : memref<1x1024xf32, #tpu.memory_space<hbm>> -> memref<1024xf32, #tpu.memory_space<hbm>>
        %dma_wait3A_1136 = arith.constant 0 : i32
        %dma_wait3A_1137 = tpu.memref_slice %arg3[%mul3A_2, %dma_wait3A_1136] : memref<32768x1024xf32, #tpu.memory_space<hbm>> -> memref<1x1024xf32, #tpu.memory_space<hbm>>
        %dma_wait3A_1138 = tpu.memref_squeeze %dma_wait3A_1137 : memref<1x1024xf32, #tpu.memory_space<hbm>> -> memref<1024xf32, #tpu.memory_space<hbm>>
        tpu.wait_dma2 semaphore(%arg7 : memref<!tpu.dma_semaphore, #tpu.memory_space<semaphore_mem>>) src(%arg5 : memref<1024xf32, #tpu.memory_space<vmem>>) dst(%dma_wait3A_1138 : memref<1024xf32, #tpu.memory_space<hbm>>)
        %dma_wait3A_1139 = arith.constant 0 : i32
        %dma_wait3A_1140 = tpu.memref_slice %arg3[%mul3A_2, %dma_wait3A_1139] : memref<32768x1024xf32, #tpu.memory_space<hbm>> -> memref<1x1024xf32, #tpu.memory_space<hbm>>
        %dma_wait3A_1141 = tpu.memref_squeeze %dma_wait3A_1140 : memref<1x1024xf32, #tpu.memory_space<hbm>> -> memref<1024xf32, #tpu.memory_space<hbm>>
        %dma_wait3A_1142 = arith.constant 0 : i32
        %dma_wait3A_1143 = tpu.memref_slice %arg3[%mul3A_2, %dma_wait3A_1142] : memref<32768x1024xf32, #tpu.memory_space<hbm>> -> memref<1x1024xf32, #tpu.memory_space<hbm>>
        %dma_wait3A_1144 = tpu.memref_squeeze %dma_wait3A_1143 : memref<1x1024xf32, #tpu.memory_space<hbm>> -> memref<1024xf32, #tpu.memory_space<hbm>>
        tpu.wait_dma2 semaphore(%arg7 : memref<!tpu.dma_semaphore, #tpu.memory_space<semaphore_mem>>) src(%arg5 : memref<1024xf32, #tpu.memory_space<vmem>>) dst(%dma_wait3A_1144 : memref<1024xf32, #tpu.memory_space<hbm>>)
        %dma_wait3A_1145 = arith.constant 0 : i32
        %dma_wait3A_1146 = tpu.memref_slice %arg3[%mul3A_2, %dma_wait3A_1145] : memref<32768x1024xf32, #tpu.memory_space<hbm>> -> memref<1x1024xf32, #tpu.memory_space<hbm>>
        %dma_wait3A_1147 = tpu.memref_squeeze %dma_wait3A_1146 : memref<1x1024xf32, #tpu.memory_space<hbm>> -> memref<1024xf32, #tpu.memory_space<hbm>>
        %dma_wait3A_1148 = arith.constant 0 : i32
        %dma_wait3A_1149 = tpu.memref_slice %arg3[%mul3A_2, %dma_wait3A_1148] : memref<32768x1024xf32, #tpu.memory_space<hbm>> -> memref<1x1024xf32, #tpu.memory_space<hbm>>
        %dma_wait3A_1150 = tpu.memref_squeeze %dma_wait3A_1149 : memref<1x1024xf32, #tpu.memory_space<hbm>> -> memref<1024xf32, #tpu.memory_space<hbm>>
        tpu.wait_dma2 semaphore(%arg7 : memref<!tpu.dma_semaphore, #tpu.memory_space<semaphore_mem>>) src(%arg5 : memref<1024xf32, #tpu.memory_space<vmem>>) dst(%dma_wait3A_1150 : memref<1024xf32, #tpu.memory_space<hbm>>)
        %dma_wait3A_1151 = arith.constant 0 : i32
        %dma_wait3A_1152 = tpu.memref_slice %arg3[%mul3A_2, %dma_wait3A_1151] : memref<32768x1024xf32, #tpu.memory_space<hbm>> -> memref<1x1024xf32, #tpu.memory_space<hbm>>
        %dma_wait3A_1153 = tpu.memref_squeeze %dma_wait3A_1152 : memref<1x1024xf32, #tpu.memory_space<hbm>> -> memref<1024xf32, #tpu.memory_space<hbm>>
        %dma_wait3A_1154 = arith.constant 0 : i32
        %dma_wait3A_1155 = tpu.memref_slice %arg3[%mul3A_2, %dma_wait3A_1154] : memref<32768x1024xf32, #tpu.memory_space<hbm>> -> memref<1x1024xf32, #tpu.memory_space<hbm>>
        %dma_wait3A_1156 = tpu.memref_squeeze %dma_wait3A_1155 : memref<1x1024xf32, #tpu.memory_space<hbm>> -> memref<1024xf32, #tpu.memory_space<hbm>>
        tpu.wait_dma2 semaphore(%arg7 : memref<!tpu.dma_semaphore, #tpu.memory_space<semaphore_mem>>) src(%arg5 : memref<1024xf32, #tpu.memory_space<vmem>>) dst(%dma_wait3A_1156 : memref<1024xf32, #tpu.memory_space<hbm>>)
        %dma_wait3A_1157 = arith.constant 0 : i32
        %dma_wait3A_1158 = tpu.memref_slice %arg3[%mul3A_2, %dma_wait3A_1157] : memref<32768x1024xf32, #tpu.memory_space<hbm>> -> memref<1x1024xf32, #tpu.memory_space<hbm>>
        %dma_wait3A_1159 = tpu.memref_squeeze %dma_wait3A_1158 : memref<1x1024xf32, #tpu.memory_space<hbm>> -> memref<1024xf32, #tpu.memory_space<hbm>>
        %dma_wait3A_1160 = arith.constant 0 : i32
        %dma_wait3A_1161 = tpu.memref_slice %arg3[%mul3A_2, %dma_wait3A_1160] : memref<32768x1024xf32, #tpu.memory_space<hbm>> -> memref<1x1024xf32, #tpu.memory_space<hbm>>
        %dma_wait3A_1162 = tpu.memref_squeeze %dma_wait3A_1161 : memref<1x1024xf32, #tpu.memory_space<hbm>> -> memref<1024xf32, #tpu.memory_space<hbm>>
        tpu.wait_dma2 semaphore(%arg7 : memref<!tpu.dma_semaphore, #tpu.memory_space<semaphore_mem>>) src(%arg5 : memref<1024xf32, #tpu.memory_space<vmem>>) dst(%dma_wait3A_1162 : memref<1024xf32, #tpu.memory_space<hbm>>)
        %dma_wait3A_1163 = arith.constant 0 : i32
        %dma_wait3A_1164 = tpu.memref_slice %arg3[%mul3A_2, %dma_wait3A_1163] : memref<32768x1024xf32, #tpu.memory_space<hbm>> -> memref<1x1024xf32, #tpu.memory_space<hbm>>
        %dma_wait3A_1165 = tpu.memref_squeeze %dma_wait3A_1164 : memref<1x1024xf32, #tpu.memory_space<hbm>> -> memref<1024xf32, #tpu.memory_space<hbm>>
        %dma_wait3A_1166 = arith.constant 0 : i32
        %dma_wait3A_1167 = tpu.memref_slice %arg3[%mul3A_2, %dma_wait3A_1166] : memref<32768x1024xf32, #tpu.memory_space<hbm>> -> memref<1x1024xf32, #tpu.memory_space<hbm>>
        %dma_wait3A_1168 = tpu.memref_squeeze %dma_wait3A_1167 : memref<1x1024xf32, #tpu.memory_space<hbm>> -> memref<1024xf32, #tpu.memory_space<hbm>>
        tpu.wait_dma2 semaphore(%arg7 : memref<!tpu.dma_semaphore, #tpu.memory_space<semaphore_mem>>) src(%arg5 : memref<1024xf32, #tpu.memory_space<vmem>>) dst(%dma_wait3A_1168 : memref<1024xf32, #tpu.memory_space<hbm>>)
        %dma_wait3A_1169 = arith.constant 0 : i32
        %dma_wait3A_1170 = tpu.memref_slice %arg3[%mul3A_2, %dma_wait3A_1169] : memref<32768x1024xf32, #tpu.memory_space<hbm>> -> memref<1x1024xf32, #tpu.memory_space<hbm>>
        %dma_wait3A_1171 = tpu.memref_squeeze %dma_wait3A_1170 : memref<1x1024xf32, #tpu.memory_space<hbm>> -> memref<1024xf32, #tpu.memory_space<hbm>>
        %dma_wait3A_1172 = arith.constant 0 : i32
        %dma_wait3A_1173 = tpu.memref_slice %arg3[%mul3A_2, %dma_wait3A_1172] : memref<32768x1024xf32, #tpu.memory_space<hbm>> -> memref<1x1024xf32, #tpu.memory_space<hbm>>
        %dma_wait3A_1174 = tpu.memref_squeeze %dma_wait3A_1173 : memref<1x1024xf32, #tpu.memory_space<hbm>> -> memref<1024xf32, #tpu.memory_space<hbm>>
        tpu.wait_dma2 semaphore(%arg7 : memref<!tpu.dma_semaphore, #tpu.memory_space<semaphore_mem>>) src(%arg5 : memref<1024xf32, #tpu.memory_space<vmem>>) dst(%dma_wait3A_1174 : memref<1024xf32, #tpu.memory_space<hbm>>)
        %dma_wait3A_1175 = arith.constant 0 : i32
        %dma_wait3A_1176 = tpu.memref_slice %arg3[%mul3A_2, %dma_wait3A_1175] : memref<32768x1024xf32, #tpu.memory_space<hbm>> -> memref<1x1024xf32, #tpu.memory_space<hbm>>
        %dma_wait3A_1177 = tpu.memref_squeeze %dma_wait3A_1176 : memref<1x1024xf32, #tpu.memory_space<hbm>> -> memref<1024xf32, #tpu.memory_space<hbm>>
        %dma_wait3A_1178 = arith.constant 0 : i32
        %dma_wait3A_1179 = tpu.memref_slice %arg3[%mul3A_2, %dma_wait3A_1178] : memref<32768x1024xf32, #tpu.memory_space<hbm>> -> memref<1x1024xf32, #tpu.memory_space<hbm>>
        %dma_wait3A_1180 = tpu.memref_squeeze %dma_wait3A_1179 : memref<1x1024xf32, #tpu.memory_space<hbm>> -> memref<1024xf32, #tpu.memory_space<hbm>>
        tpu.wait_dma2 semaphore(%arg7 : memref<!tpu.dma_semaphore, #tpu.memory_space<semaphore_mem>>) src(%arg5 : memref<1024xf32, #tpu.memory_space<vmem>>) dst(%dma_wait3A_1180 : memref<1024xf32, #tpu.memory_space<hbm>>)
        %dma_wait3A_1181 = arith.constant 0 : i32
        %dma_wait3A_1182 = tpu.memref_slice %arg3[%mul3A_2, %dma_wait3A_1181] : memref<32768x1024xf32, #tpu.memory_space<hbm>> -> memref<1x1024xf32, #tpu.memory_space<hbm>>
        %dma_wait3A_1183 = tpu.memref_squeeze %dma_wait3A_1182 : memref<1x1024xf32, #tpu.memory_space<hbm>> -> memref<1024xf32, #tpu.memory_space<hbm>>
        %dma_wait3A_1184 = arith.constant 0 : i32
        %dma_wait3A_1185 = tpu.memref_slice %arg3[%mul3A_2, %dma_wait3A_1184] : memref<32768x1024xf32, #tpu.memory_space<hbm>> -> memref<1x1024xf32, #tpu.memory_space<hbm>>
        %dma_wait3A_1186 = tpu.memref_squeeze %dma_wait3A_1185 : memref<1x1024xf32, #tpu.memory_space<hbm>> -> memref<1024xf32, #tpu.memory_space<hbm>>
        tpu.wait_dma2 semaphore(%arg7 : memref<!tpu.dma_semaphore, #tpu.memory_space<semaphore_mem>>) src(%arg5 : memref<1024xf32, #tpu.memory_space<vmem>>) dst(%dma_wait3A_1186 : memref<1024xf32, #tpu.memory_space<hbm>>)
        %dma_wait3A_1187 = arith.constant 0 : i32
        %dma_wait3A_1188 = tpu.memref_slice %arg3[%mul3A_2, %dma_wait3A_1187] : memref<32768x1024xf32, #tpu.memory_space<hbm>> -> memref<1x1024xf32, #tpu.memory_space<hbm>>
        %dma_wait3A_1189 = tpu.memref_squeeze %dma_wait3A_1188 : memref<1x1024xf32, #tpu.memory_space<hbm>> -> memref<1024xf32, #tpu.memory_space<hbm>>
        %dma_wait3A_1190 = arith.constant 0 : i32
        %dma_wait3A_1191 = tpu.memref_slice %arg3[%mul3A_2, %dma_wait3A_1190] : memref<32768x1024xf32, #tpu.memory_space<hbm>> -> memref<1x1024xf32, #tpu.memory_space<hbm>>
        %dma_wait3A_1192 = tpu.memref_squeeze %dma_wait3A_1191 : memref<1x1024xf32, #tpu.memory_space<hbm>> -> memref<1024xf32, #tpu.memory_space<hbm>>
        tpu.wait_dma2 semaphore(%arg7 : memref<!tpu.dma_semaphore, #tpu.memory_space<semaphore_mem>>) src(%arg5 : memref<1024xf32, #tpu.memory_space<vmem>>) dst(%dma_wait3A_1192 : memref<1024xf32, #tpu.memory_space<hbm>>)
        %dma_wait3A_1193 = arith.constant 0 : i32
        %dma_wait3A_1194 = tpu.memref_slice %arg3[%mul3A_2, %dma_wait3A_1193] : memref<32768x1024xf32, #tpu.memory_space<hbm>> -> memref<1x1024xf32, #tpu.memory_space<hbm>>
        %dma_wait3A_1195 = tpu.memref_squeeze %dma_wait3A_1194 : memref<1x1024xf32, #tpu.memory_space<hbm>> -> memref<1024xf32, #tpu.memory_space<hbm>>
        %dma_wait3A_1196 = arith.constant 0 : i32
        %dma_wait3A_1197 = tpu.memref_slice %arg3[%mul3A_2, %dma_wait3A_1196] : memref<32768x1024xf32, #tpu.memory_space<hbm>> -> memref<1x1024xf32, #tpu.memory_space<hbm>>
        %dma_wait3A_1198 = tpu.memref_squeeze %dma_wait3A_1197 : memref<1x1024xf32, #tpu.memory_space<hbm>> -> memref<1024xf32, #tpu.memory_space<hbm>>
        tpu.wait_dma2 semaphore(%arg7 : memref<!tpu.dma_semaphore, #tpu.memory_space<semaphore_mem>>) src(%arg5 : memref<1024xf32, #tpu.memory_space<vmem>>) dst(%dma_wait3A_1198 : memref<1024xf32, #tpu.memory_space<hbm>>)
        %dma_wait3A_1199 = arith.constant 0 : i32
        %dma_wait3A_1200 = tpu.memref_slice %arg3[%mul3A_2, %dma_wait3A_1199] : memref<32768x1024xf32, #tpu.memory_space<hbm>> -> memref<1x1024xf32, #tpu.memory_space<hbm>>
        %dma_wait3A_1201 = tpu.memref_squeeze %dma_wait3A_1200 : memref<1x1024xf32, #tpu.memory_space<hbm>> -> memref<1024xf32, #tpu.memory_space<hbm>>
        %dma_wait3A_1202 = arith.constant 0 : i32
        %dma_wait3A_1203 = tpu.memref_slice %arg3[%mul3A_2, %dma_wait3A_1202] : memref<32768x1024xf32, #tpu.memory_space<hbm>> -> memref<1x1024xf32, #tpu.memory_space<hbm>>
        %dma_wait3A_1204 = tpu.memref_squeeze %dma_wait3A_1203 : memref<1x1024xf32, #tpu.memory_space<hbm>> -> memref<1024xf32, #tpu.memory_space<hbm>>
        tpu.wait_dma2 semaphore(%arg7 : memref<!tpu.dma_semaphore, #tpu.memory_space<semaphore_mem>>) src(%arg5 : memref<1024xf32, #tpu.memory_space<vmem>>) dst(%dma_wait3A_1204 : memref<1024xf32, #tpu.memory_space<hbm>>)
        %dma_wait3A_1205 = arith.constant 0 : i32
        %dma_wait3A_1206 = tpu.memref_slice %arg3[%mul3A_2, %dma_wait3A_1205] : memref<32768x1024xf32, #tpu.memory_space<hbm>> -> memref<1x1024xf32, #tpu.memory_space<hbm>>
        %dma_wait3A_1207 = tpu.memref_squeeze %dma_wait3A_1206 : memref<1x1024xf32, #tpu.memory_space<hbm>> -> memref<1024xf32, #tpu.memory_space<hbm>>
        %dma_wait3A_1208 = arith.constant 0 : i32
        %dma_wait3A_1209 = tpu.memref_slice %arg3[%mul3A_2, %dma_wait3A_1208] : memref<32768x1024xf32, #tpu.memory_space<hbm>> -> memref<1x1024xf32, #tpu.memory_space<hbm>>
        %dma_wait3A_1210 = tpu.memref_squeeze %dma_wait3A_1209 : memref<1x1024xf32, #tpu.memory_space<hbm>> -> memref<1024xf32, #tpu.memory_space<hbm>>
        tpu.wait_dma2 semaphore(%arg7 : memref<!tpu.dma_semaphore, #tpu.memory_space<semaphore_mem>>) src(%arg5 : memref<1024xf32, #tpu.memory_space<vmem>>) dst(%dma_wait3A_1210 : memref<1024xf32, #tpu.memory_space<hbm>>)
        %dma_wait3A_1211 = arith.constant 0 : i32
        %dma_wait3A_1212 = tpu.memref_slice %arg3[%mul3A_2, %dma_wait3A_1211] : memref<32768x1024xf32, #tpu.memory_space<hbm>> -> memref<1x1024xf32, #tpu.memory_space<hbm>>
        %dma_wait3A_1213 = tpu.memref_squeeze %dma_wait3A_1212 : memref<1x1024xf32, #tpu.memory_space<hbm>> -> memref<1024xf32, #tpu.memory_space<hbm>>
        %dma_wait3A_1214 = arith.constant 0 : i32
        %dma_wait3A_1215 = tpu.memref_slice %arg3[%mul3A_2, %dma_wait3A_1214] : memref<32768x1024xf32, #tpu.memory_space<hbm>> -> memref<1x1024xf32, #tpu.memory_space<hbm>>
        %dma_wait3A_1216 = tpu.memref_squeeze %dma_wait3A_1215 : memref<1x1024xf32, #tpu.memory_space<hbm>> -> memref<1024xf32, #tpu.memory_space<hbm>>
        tpu.wait_dma2 semaphore(%arg7 : memref<!tpu.dma_semaphore, #tpu.memory_space<semaphore_mem>>) src(%arg5 : memref<1024xf32, #tpu.memory_space<vmem>>) dst(%dma_wait3A_1216 : memref<1024xf32, #tpu.memory_space<hbm>>)
        %dma_wait3A_1217 = arith.constant 0 : i32
        %dma_wait3A_1218 = tpu.memref_slice %arg3[%mul3A_2, %dma_wait3A_1217] : memref<32768x1024xf32, #tpu.memory_space<hbm>> -> memref<1x1024xf32, #tpu.memory_space<hbm>>
        %dma_wait3A_1219 = tpu.memref_squeeze %dma_wait3A_1218 : memref<1x1024xf32, #tpu.memory_space<hbm>> -> memref<1024xf32, #tpu.memory_space<hbm>>
        %dma_wait3A_1220 = arith.constant 0 : i32
        %dma_wait3A_1221 = tpu.memref_slice %arg3[%mul3A_2, %dma_wait3A_1220] : memref<32768x1024xf32, #tpu.memory_space<hbm>> -> memref<1x1024xf32, #tpu.memory_space<hbm>>
        %dma_wait3A_1222 = tpu.memref_squeeze %dma_wait3A_1221 : memref<1x1024xf32, #tpu.memory_space<hbm>> -> memref<1024xf32, #tpu.memory_space<hbm>>
        tpu.wait_dma2 semaphore(%arg7 : memref<!tpu.dma_semaphore, #tpu.memory_space<semaphore_mem>>) src(%arg5 : memref<1024xf32, #tpu.memory_space<vmem>>) dst(%dma_wait3A_1222 : memref<1024xf32, #tpu.memory_space<hbm>>)
      } else {
      }
    }
    %scan3A_772 = arith.constant 64 : i32
    %dma_wait3A = arith.constant 0 : i32
    %dma_wait3A_773 = tpu.memref_slice %arg3[%mul3A_2, %dma_wait3A] : memref<32768x1024xf32, #tpu.memory_space<hbm>> -> memref<1x1024xf32, #tpu.memory_space<hbm>>
    %dma_wait3A_774 = tpu.memref_squeeze %dma_wait3A_773 : memref<1x1024xf32, #tpu.memory_space<hbm>> -> memref<1024xf32, #tpu.memory_space<hbm>>
    %dma_wait3A_775 = arith.constant 0 : i32
    %dma_wait3A_776 = tpu.memref_slice %arg3[%mul3A_2, %dma_wait3A_775] : memref<32768x1024xf32, #tpu.memory_space<hbm>> -> memref<1x1024xf32, #tpu.memory_space<hbm>>
    %dma_wait3A_777 = tpu.memref_squeeze %dma_wait3A_776 : memref<1x1024xf32, #tpu.memory_space<hbm>> -> memref<1024xf32, #tpu.memory_space<hbm>>
    tpu.wait_dma2 semaphore(%arg7 : memref<!tpu.dma_semaphore, #tpu.memory_space<semaphore_mem>>) src(%arg5 : memref<1024xf32, #tpu.memory_space<vmem>>) dst(%dma_wait3A_777 : memref<1024xf32, #tpu.memory_space<hbm>>)
    %dma_wait3A_778 = arith.constant 0 : i32
    %dma_wait3A_779 = tpu.memref_slice %arg3[%mul3A_2, %dma_wait3A_778] : memref<32768x1024xf32, #tpu.memory_space<hbm>> -> memref<1x1024xf32, #tpu.memory_space<hbm>>
    %dma_wait3A_780 = tpu.memref_squeeze %dma_wait3A_779 : memref<1x1024xf32, #tpu.memory_space<hbm>> -> memref<1024xf32, #tpu.memory_space<hbm>>
    %dma_wait3A_781 = arith.constant 0 : i32
    %dma_wait3A_782 = tpu.memref_slice %arg3[%mul3A_2, %dma_wait3A_781] : memref<32768x1024xf32, #tpu.memory_space<hbm>> -> memref<1x1024xf32, #tpu.memory_space<hbm>>
    %dma_wait3A_783 = tpu.memref_squeeze %dma_wait3A_782 : memref<1x1024xf32, #tpu.memory_space<hbm>> -> memref<1024xf32, #tpu.memory_space<hbm>>
    tpu.wait_dma2 semaphore(%arg7 : memref<!tpu.dma_semaphore, #tpu.memory_space<semaphore_mem>>) src(%arg5 : memref<1024xf32, #tpu.memory_space<vmem>>) dst(%dma_wait3A_783 : memref<1024xf32, #tpu.memory_space<hbm>>)
    %dma_wait3A_784 = arith.constant 0 : i32
    %dma_wait3A_785 = tpu.memref_slice %arg3[%mul3A_2, %dma_wait3A_784] : memref<32768x1024xf32, #tpu.memory_space<hbm>> -> memref<1x1024xf32, #tpu.memory_space<hbm>>
    %dma_wait3A_786 = tpu.memref_squeeze %dma_wait3A_785 : memref<1x1024xf32, #tpu.memory_space<hbm>> -> memref<1024xf32, #tpu.memory_space<hbm>>
    %dma_wait3A_787 = arith.constant 0 : i32
    %dma_wait3A_788 = tpu.memref_slice %arg3[%mul3A_2, %dma_wait3A_787] : memref<32768x1024xf32, #tpu.memory_space<hbm>> -> memref<1x1024xf32, #tpu.memory_space<hbm>>
    %dma_wait3A_789 = tpu.memref_squeeze %dma_wait3A_788 : memref<1x1024xf32, #tpu.memory_space<hbm>> -> memref<1024xf32, #tpu.memory_space<hbm>>
    tpu.wait_dma2 semaphore(%arg7 : memref<!tpu.dma_semaphore, #tpu.memory_space<semaphore_mem>>) src(%arg5 : memref<1024xf32, #tpu.memory_space<vmem>>) dst(%dma_wait3A_789 : memref<1024xf32, #tpu.memory_space<hbm>>)
    %dma_wait3A_790 = arith.constant 0 : i32
    %dma_wait3A_791 = tpu.memref_slice %arg3[%mul3A_2, %dma_wait3A_790] : memref<32768x1024xf32, #tpu.memory_space<hbm>> -> memref<1x1024xf32, #tpu.memory_space<hbm>>
    %dma_wait3A_792 = tpu.memref_squeeze %dma_wait3A_791 : memref<1x1024xf32, #tpu.memory_space<hbm>> -> memref<1024xf32, #tpu.memory_space<hbm>>
    %dma_wait3A_793 = arith.constant 0 : i32
    %dma_wait3A_794 = tpu.memref_slice %arg3[%mul3A_2, %dma_wait3A_793] : memref<32768x1024xf32, #tpu.memory_space<hbm>> -> memref<1x1024xf32, #tpu.memory_space<hbm>>
    %dma_wait3A_795 = tpu.memref_squeeze %dma_wait3A_794 : memref<1x1024xf32, #tpu.memory_space<hbm>> -> memref<1024xf32, #tpu.memory_space<hbm>>
    tpu.wait_dma2 semaphore(%arg7 : memref<!tpu.dma_semaphore, #tpu.memory_space<semaphore_mem>>) src(%arg5 : memref<1024xf32, #tpu.memory_space<vmem>>) dst(%dma_wait3A_795 : memref<1024xf32, #tpu.memory_space<hbm>>)
    %dma_wait3A_796 = arith.constant 0 : i32
    %dma_wait3A_797 = tpu.memref_slice %arg3[%mul3A_2, %dma_wait3A_796] : memref<32768x1024xf32, #tpu.memory_space<hbm>> -> memref<1x1024xf32, #tpu.memory_space<hbm>>
    %dma_wait3A_798 = tpu.memref_squeeze %dma_wait3A_797 : memref<1x1024xf32, #tpu.memory_space<hbm>> -> memref<1024xf32, #tpu.memory_space<hbm>>
    %dma_wait3A_799 = arith.constant 0 : i32
    %dma_wait3A_800 = tpu.memref_slice %arg3[%mul3A_2, %dma_wait3A_799] : memref<32768x1024xf32, #tpu.memory_space<hbm>> -> memref<1x1024xf32, #tpu.memory_space<hbm>>
    %dma_wait3A_801 = tpu.memref_squeeze %dma_wait3A_800 : memref<1x1024xf32, #tpu.memory_space<hbm>> -> memref<1024xf32, #tpu.memory_space<hbm>>
    tpu.wait_dma2 semaphore(%arg7 : memref<!tpu.dma_semaphore, #tpu.memory_space<semaphore_mem>>) src(%arg5 : memref<1024xf32, #tpu.memory_space<vmem>>) dst(%dma_wait3A_801 : memref<1024xf32, #tpu.memory_space<hbm>>)
    %dma_wait3A_802 = arith.constant 0 : i32
    %dma_wait3A_803 = tpu.memref_slice %arg3[%mul3A_2, %dma_wait3A_802] : memref<32768x1024xf32, #tpu.memory_space<hbm>> -> memref<1x1024xf32, #tpu.memory_space<hbm>>
    %dma_wait3A_804 = tpu.memref_squeeze %dma_wait3A_803 : memref<1x1024xf32, #tpu.memory_space<hbm>> -> memref<1024xf32, #tpu.memory_space<hbm>>
    %dma_wait3A_805 = arith.constant 0 : i32
    %dma_wait3A_806 = tpu.memref_slice %arg3[%mul3A_2, %dma_wait3A_805] : memref<32768x1024xf32, #tpu.memory_space<hbm>> -> memref<1x1024xf32, #tpu.memory_space<hbm>>
    %dma_wait3A_807 = tpu.memref_squeeze %dma_wait3A_806 : memref<1x1024xf32, #tpu.memory_space<hbm>> -> memref<1024xf32, #tpu.memory_space<hbm>>
    tpu.wait_dma2 semaphore(%arg7 : memref<!tpu.dma_semaphore, #tpu.memory_space<semaphore_mem>>) src(%arg5 : memref<1024xf32, #tpu.memory_space<vmem>>) dst(%dma_wait3A_807 : memref<1024xf32, #tpu.memory_space<hbm>>)
    %dma_wait3A_808 = arith.constant 0 : i32
    %dma_wait3A_809 = tpu.memref_slice %arg3[%mul3A_2, %dma_wait3A_808] : memref<32768x1024xf32, #tpu.memory_space<hbm>> -> memref<1x1024xf32, #tpu.memory_space<hbm>>
    %dma_wait3A_810 = tpu.memref_squeeze %dma_wait3A_809 : memref<1x1024xf32, #tpu.memory_space<hbm>> -> memref<1024xf32, #tpu.memory_space<hbm>>
    %dma_wait3A_811 = arith.constant 0 : i32
    %dma_wait3A_812 = tpu.memref_slice %arg3[%mul3A_2, %dma_wait3A_811] : memref<32768x1024xf32, #tpu.memory_space<hbm>> -> memref<1x1024xf32, #tpu.memory_space<hbm>>
    %dma_wait3A_813 = tpu.memref_squeeze %dma_wait3A_812 : memref<1x1024xf32, #tpu.memory_space<hbm>> -> memref<1024xf32, #tpu.memory_space<hbm>>
    tpu.wait_dma2 semaphore(%arg7 : memref<!tpu.dma_semaphore, #tpu.memory_space<semaphore_mem>>) src(%arg5 : memref<1024xf32, #tpu.memory_space<vmem>>) dst(%dma_wait3A_813 : memref<1024xf32, #tpu.memory_space<hbm>>)
    %dma_wait3A_814 = arith.constant 0 : i32
    %dma_wait3A_815 = tpu.memref_slice %arg3[%mul3A_2, %dma_wait3A_814] : memref<32768x1024xf32, #tpu.memory_space<hbm>> -> memref<1x1024xf32, #tpu.memory_space<hbm>>
    %dma_wait3A_816 = tpu.memref_squeeze %dma_wait3A_815 : memref<1x1024xf32, #tpu.memory_space<hbm>> -> memref<1024xf32, #tpu.memory_space<hbm>>
    %dma_wait3A_817 = arith.constant 0 : i32
    %dma_wait3A_818 = tpu.memref_slice %arg3[%mul3A_2, %dma_wait3A_817] : memref<32768x1024xf32, #tpu.memory_space<hbm>> -> memref<1x1024xf32, #tpu.memory_space<hbm>>
    %dma_wait3A_819 = tpu.memref_squeeze %dma_wait3A_818 : memref<1x1024xf32, #tpu.memory_space<hbm>> -> memref<1024xf32, #tpu.memory_space<hbm>>
    tpu.wait_dma2 semaphore(%arg7 : memref<!tpu.dma_semaphore, #tpu.memory_space<semaphore_mem>>) src(%arg5 : memref<1024xf32, #tpu.memory_space<vmem>>) dst(%dma_wait3A_819 : memref<1024xf32, #tpu.memory_space<hbm>>)
    %dma_wait3A_820 = arith.constant 0 : i32
    %dma_wait3A_821 = tpu.memref_slice %arg3[%mul3A_2, %dma_wait3A_820] : memref<32768x1024xf32, #tpu.memory_space<hbm>> -> memref<1x1024xf32, #tpu.memory_space<hbm>>
    %dma_wait3A_822 = tpu.memref_squeeze %dma_wait3A_821 : memref<1x1024xf32, #tpu.memory_space<hbm>> -> memref<1024xf32, #tpu.memory_space<hbm>>
    %dma_wait3A_823 = arith.constant 0 : i32
    %dma_wait3A_824 = tpu.memref_slice %arg3[%mul3A_2, %dma_wait3A_823] : memref<32768x1024xf32, #tpu.memory_space<hbm>> -> memref<1x1024xf32, #tpu.memory_space<hbm>>
    %dma_wait3A_825 = tpu.memref_squeeze %dma_wait3A_824 : memref<1x1024xf32, #tpu.memory_space<hbm>> -> memref<1024xf32, #tpu.memory_space<hbm>>
    tpu.wait_dma2 semaphore(%arg7 : memref<!tpu.dma_semaphore, #tpu.memory_space<semaphore_mem>>) src(%arg5 : memref<1024xf32, #tpu.memory_space<vmem>>) dst(%dma_wait3A_825 : memref<1024xf32, #tpu.memory_space<hbm>>)
    %dma_wait3A_826 = arith.constant 0 : i32
    %dma_wait3A_827 = tpu.memref_slice %arg3[%mul3A_2, %dma_wait3A_826] : memref<32768x1024xf32, #tpu.memory_space<hbm>> -> memref<1x1024xf32, #tpu.memory_space<hbm>>
    %dma_wait3A_828 = tpu.memref_squeeze %dma_wait3A_827 : memref<1x1024xf32, #tpu.memory_space<hbm>> -> memref<1024xf32, #tpu.memory_space<hbm>>
    %dma_wait3A_829 = arith.constant 0 : i32
    %dma_wait3A_830 = tpu.memref_slice %arg3[%mul3A_2, %dma_wait3A_829] : memref<32768x1024xf32, #tpu.memory_space<hbm>> -> memref<1x1024xf32, #tpu.memory_space<hbm>>
    %dma_wait3A_831 = tpu.memref_squeeze %dma_wait3A_830 : memref<1x1024xf32, #tpu.memory_space<hbm>> -> memref<1024xf32, #tpu.memory_space<hbm>>
    tpu.wait_dma2 semaphore(%arg7 : memref<!tpu.dma_semaphore, #tpu.memory_space<semaphore_mem>>) src(%arg5 : memref<1024xf32, #tpu.memory_space<vmem>>) dst(%dma_wait3A_831 : memref<1024xf32, #tpu.memory_space<hbm>>)
    %dma_wait3A_832 = arith.constant 0 : i32
    %dma_wait3A_833 = tpu.memref_slice %arg3[%mul3A_2, %dma_wait3A_832] : memref<32768x1024xf32, #tpu.memory_space<hbm>> -> memref<1x1024xf32, #tpu.memory_space<hbm>>
    %dma_wait3A_834 = tpu.memref_squeeze %dma_wait3A_833 : memref<1x1024xf32, #tpu.memory_space<hbm>> -> memref<1024xf32, #tpu.memory_space<hbm>>
    %dma_wait3A_835 = arith.constant 0 : i32
    %dma_wait3A_836 = tpu.memref_slice %arg3[%mul3A_2, %dma_wait3A_835] : memref<32768x1024xf32, #tpu.memory_space<hbm>> -> memref<1x1024xf32, #tpu.memory_space<hbm>>
    %dma_wait3A_837 = tpu.memref_squeeze %dma_wait3A_836 : memref<1x1024xf32, #tpu.memory_space<hbm>> -> memref<1024xf32, #tpu.memory_space<hbm>>
    tpu.wait_dma2 semaphore(%arg7 : memref<!tpu.dma_semaphore, #tpu.memory_space<semaphore_mem>>) src(%arg5 : memref<1024xf32, #tpu.memory_space<vmem>>) dst(%dma_wait3A_837 : memref<1024xf32, #tpu.memory_space<hbm>>)
    %dma_wait3A_838 = arith.constant 0 : i32
    %dma_wait3A_839 = tpu.memref_slice %arg3[%mul3A_2, %dma_wait3A_838] : memref<32768x1024xf32, #tpu.memory_space<hbm>> -> memref<1x1024xf32, #tpu.memory_space<hbm>>
    %dma_wait3A_840 = tpu.memref_squeeze %dma_wait3A_839 : memref<1x1024xf32, #tpu.memory_space<hbm>> -> memref<1024xf32, #tpu.memory_space<hbm>>
    %dma_wait3A_841 = arith.constant 0 : i32
    %dma_wait3A_842 = tpu.memref_slice %arg3[%mul3A_2, %dma_wait3A_841] : memref<32768x1024xf32, #tpu.memory_space<hbm>> -> memref<1x1024xf32, #tpu.memory_space<hbm>>
    %dma_wait3A_843 = tpu.memref_squeeze %dma_wait3A_842 : memref<1x1024xf32, #tpu.memory_space<hbm>> -> memref<1024xf32, #tpu.memory_space<hbm>>
    tpu.wait_dma2 semaphore(%arg7 : memref<!tpu.dma_semaphore, #tpu.memory_space<semaphore_mem>>) src(%arg5 : memref<1024xf32, #tpu.memory_space<vmem>>) dst(%dma_wait3A_843 : memref<1024xf32, #tpu.memory_space<hbm>>)
    %dma_wait3A_844 = arith.constant 0 : i32
    %dma_wait3A_845 = tpu.memref_slice %arg3[%mul3A_2, %dma_wait3A_844] : memref<32768x1024xf32, #tpu.memory_space<hbm>> -> memref<1x1024xf32, #tpu.memory_space<hbm>>
    %dma_wait3A_846 = tpu.memref_squeeze %dma_wait3A_845 : memref<1x1024xf32, #tpu.memory_space<hbm>> -> memref<1024xf32, #tpu.memory_space<hbm>>
    %dma_wait3A_847 = arith.constant 0 : i32
    %dma_wait3A_848 = tpu.memref_slice %arg3[%mul3A_2, %dma_wait3A_847] : memref<32768x1024xf32, #tpu.memory_space<hbm>> -> memref<1x1024xf32, #tpu.memory_space<hbm>>
    %dma_wait3A_849 = tpu.memref_squeeze %dma_wait3A_848 : memref<1x1024xf32, #tpu.memory_space<hbm>> -> memref<1024xf32, #tpu.memory_space<hbm>>
    tpu.wait_dma2 semaphore(%arg7 : memref<!tpu.dma_semaphore, #tpu.memory_space<semaphore_mem>>) src(%arg5 : memref<1024xf32, #tpu.memory_space<vmem>>) dst(%dma_wait3A_849 : memref<1024xf32, #tpu.memory_space<hbm>>)
    %dma_wait3A_850 = arith.constant 0 : i32
    %dma_wait3A_851 = tpu.memref_slice %arg3[%mul3A_2, %dma_wait3A_850] : memref<32768x1024xf32, #tpu.memory_space<hbm>> -> memref<1x1024xf32, #tpu.memory_space<hbm>>
    %dma_wait3A_852 = tpu.memref_squeeze %dma_wait3A_851 : memref<1x1024xf32, #tpu.memory_space<hbm>> -> memref<1024xf32, #tpu.memory_space<hbm>>
    %dma_wait3A_853 = arith.constant 0 : i32
    %dma_wait3A_854 = tpu.memref_slice %arg3[%mul3A_2, %dma_wait3A_853] : memref<32768x1024xf32, #tpu.memory_space<hbm>> -> memref<1x1024xf32, #tpu.memory_space<hbm>>
    %dma_wait3A_855 = tpu.memref_squeeze %dma_wait3A_854 : memref<1x1024xf32, #tpu.memory_space<hbm>> -> memref<1024xf32, #tpu.memory_space<hbm>>
    tpu.wait_dma2 semaphore(%arg7 : memref<!tpu.dma_semaphore, #tpu.memory_space<semaphore_mem>>) src(%arg5 : memref<1024xf32, #tpu.memory_space<vmem>>) dst(%dma_wait3A_855 : memref<1024xf32, #tpu.memory_space<hbm>>)
    %dma_wait3A_856 = arith.constant 0 : i32
    %dma_wait3A_857 = tpu.memref_slice %arg3[%mul3A_2, %dma_wait3A_856] : memref<32768x1024xf32, #tpu.memory_space<hbm>> -> memref<1x1024xf32, #tpu.memory_space<hbm>>
    %dma_wait3A_858 = tpu.memref_squeeze %dma_wait3A_857 : memref<1x1024xf32, #tpu.memory_space<hbm>> -> memref<1024xf32, #tpu.memory_space<hbm>>
    %dma_wait3A_859 = arith.constant 0 : i32
    %dma_wait3A_860 = tpu.memref_slice %arg3[%mul3A_2, %dma_wait3A_859] : memref<32768x1024xf32, #tpu.memory_space<hbm>> -> memref<1x1024xf32, #tpu.memory_space<hbm>>
    %dma_wait3A_861 = tpu.memref_squeeze %dma_wait3A_860 : memref<1x1024xf32, #tpu.memory_space<hbm>> -> memref<1024xf32, #tpu.memory_space<hbm>>
    tpu.wait_dma2 semaphore(%arg7 : memref<!tpu.dma_semaphore, #tpu.memory_space<semaphore_mem>>) src(%arg5 : memref<1024xf32, #tpu.memory_space<vmem>>) dst(%dma_wait3A_861 : memref<1024xf32, #tpu.memory_space<hbm>>)
    %dma_wait3A_862 = arith.constant 0 : i32
    %dma_wait3A_863 = tpu.memref_slice %arg3[%mul3A_2, %dma_wait3A_862] : memref<32768x1024xf32, #tpu.memory_space<hbm>> -> memref<1x1024xf32, #tpu.memory_space<hbm>>
    %dma_wait3A_864 = tpu.memref_squeeze %dma_wait3A_863 : memref<1x1024xf32, #tpu.memory_space<hbm>> -> memref<1024xf32, #tpu.memory_space<hbm>>
    %dma_wait3A_865 = arith.constant 0 : i32
    %dma_wait3A_866 = tpu.memref_slice %arg3[%mul3A_2, %dma_wait3A_865] : memref<32768x1024xf32, #tpu.memory_space<hbm>> -> memref<1x1024xf32, #tpu.memory_space<hbm>>
    %dma_wait3A_867 = tpu.memref_squeeze %dma_wait3A_866 : memref<1x1024xf32, #tpu.memory_space<hbm>> -> memref<1024xf32, #tpu.memory_space<hbm>>
    tpu.wait_dma2 semaphore(%arg7 : memref<!tpu.dma_semaphore, #tpu.memory_space<semaphore_mem>>) src(%arg5 : memref<1024xf32, #tpu.memory_space<vmem>>) dst(%dma_wait3A_867 : memref<1024xf32, #tpu.memory_space<hbm>>)
    return
  }
}

module attributes {stable_mosaic.version = 14 : i64} {
  func.func @_masked_reps_body(%arg0: i32, %arg1: memref<64xi32, #tpu.memory_space<smem>>, %arg2: memref<4x128xf32, #tpu.memory_space<vmem>>, %arg3: memref<4x8192x1024xf32, #tpu.memory_space<any>>, %arg4: memref<1x1024xf32, #tpu.memory_space<vmem>>, %arg5: memref<4x128x1024xf32, #tpu.memory_space<vmem>>, %arg6: memref<2x4x128x1024xf32, #tpu.memory_space<vmem>>, %arg7: memref<2x!tpu.dma_semaphore, #tpu.memory_space<semaphore_mem>>) attributes {dimension_semantics = [#tpu.dimension_semantics<arbitrary>], iteration_bounds = array<i64: 64>, scalar_prefetch = 1 : i64, scratch_operands = 2 : i64, tpu.core_type = #tpu.core_type<tc>, window_params = [{transform_indices = @transform_0, window_bounds = array<i64: 4, 128>}, {}, {pipeline_mode = #tpu.pipeline_mode<synchronous>, transform_indices = @transform_2, window_bounds = array<i64: 1, 1024>}, {transform_indices = @transform_3, window_bounds = array<i64: 4, 128, 1024>}]} {
    %eq3A = arith.constant 0 : i32
    %eq3A_0 = arith.cmpi eq, %arg0, %eq3A : i32
    %get3A = arith.constant 0 : index
    %get3A_1 = memref.load %arg1[%get3A] : memref<64xi32, #tpu.memory_space<smem>>
    %eq3A_2 = arith.constant 1 : i32
    %eq3A_3 = arith.cmpi eq, %get3A_1, %eq3A_2 : i32
    %and3A = arith.andi %eq3A_0, %eq3A_3 : i1
    %convert_element_type3A = arith.extui %and3A : i1 to i32
    %cond3A = arith.constant 0 : i32
    %cond3A_4 = arith.cmpi ne, %convert_element_type3A, %cond3A : i32
    scf.if %cond3A_4 {
      %dma_start3A = arith.constant 0 : i32
      %dma_start3A_48 = arith.constant 0 : i32
      %dma_start3A_49 = tpu.memref_slice %arg7[%dma_start3A_48] : memref<2x!tpu.dma_semaphore, #tpu.memory_space<semaphore_mem>> -> memref<1x!tpu.dma_semaphore, #tpu.memory_space<semaphore_mem>>
      %dma_start3A_50 = tpu.memref_squeeze %dma_start3A_49 : memref<1x!tpu.dma_semaphore, #tpu.memory_space<semaphore_mem>> -> memref<!tpu.dma_semaphore, #tpu.memory_space<semaphore_mem>>
      %dma_start3A_51 = arith.constant 0 : i32
      %dma_start3A_52 = arith.constant 0 : i32
      %dma_start3A_53 = arith.constant 0 : i32
      %dma_start3A_54 = tpu.memref_slice %arg6[%dma_start3A, %dma_start3A_51, %dma_start3A_52, %dma_start3A_53] : memref<2x4x128x1024xf32, #tpu.memory_space<vmem>> -> memref<1x4x128x1024xf32, #tpu.memory_space<vmem>>
      %dma_start3A_55 = tpu.memref_squeeze %dma_start3A_54 : memref<1x4x128x1024xf32, #tpu.memory_space<vmem>> -> memref<4x128x1024xf32, #tpu.memory_space<vmem>>
      %dma_start3A_56 = arith.constant 0 : i32
      %dma_start3A_57 = arith.constant 0 : i32
      %dma_start3A_58 = arith.constant 0 : i32
      %dma_start3A_59 = tpu.memref_slice %arg3[%dma_start3A_56, %dma_start3A_57, %dma_start3A_58] : memref<4x8192x1024xf32, #tpu.memory_space<any>> -> memref<4x128x1024xf32, #tpu.memory_space<any>>
      tpu.enqueue_dma source(%dma_start3A_59 : memref<4x128x1024xf32, #tpu.memory_space<any>>) target(%dma_start3A_55 : memref<4x128x1024xf32, #tpu.memory_space<vmem>>) target_semaphore(%dma_start3A_50 : memref<!tpu.dma_semaphore, #tpu.memory_space<semaphore_mem>>)
    } else {
    }
    %add3A = arith.constant 1 : i32
    %add3A_5 = arith.addi %arg0, %add3A : i32
    %min3A = arith.constant 63 : i32
    %min3A_6 = arith.minsi %add3A_5, %min3A : i32
    %add3A_7 = arith.constant 1 : i32
    %add3A_8 = arith.addi %arg0, %add3A_7 : i32
    %lt3A = arith.constant 64 : i32
    %lt3A_9 = arith.cmpi slt, %add3A_8, %lt3A : i32
    %get3A_10 = arith.index_cast %min3A_6 : i32 to index
    %get3A_11 = memref.load %arg1[%get3A_10] : memref<64xi32, #tpu.memory_space<smem>>
    %eq3A_12 = arith.constant 1 : i32
    %eq3A_13 = arith.cmpi eq, %get3A_11, %eq3A_12 : i32
    %and3A_14 = arith.andi %lt3A_9, %eq3A_13 : i1
    %convert_element_type3A_15 = arith.extui %and3A_14 : i1 to i32
    %cond3A_16 = arith.constant 0 : i32
    %cond3A_17 = arith.cmpi ne, %convert_element_type3A_15, %cond3A_16 : i32
    scf.if %cond3A_17 {
      %rem3A_48 = arith.constant 2 : i32
      %rem3A_49 = arith.remsi %min3A_6, %rem3A_48 : i32
      %mul3A = arith.constant 128 : i32
      %mul3A_50 = arith.muli %min3A_6, %mul3A : i32
      %dma_start3A = tpu.memref_slice %arg7[%rem3A_49] : memref<2x!tpu.dma_semaphore, #tpu.memory_space<semaphore_mem>> -> memref<1x!tpu.dma_semaphore, #tpu.memory_space<semaphore_mem>>
      %dma_start3A_51 = tpu.memref_squeeze %dma_start3A : memref<1x!tpu.dma_semaphore, #tpu.memory_space<semaphore_mem>> -> memref<!tpu.dma_semaphore, #tpu.memory_space<semaphore_mem>>
      %dma_start3A_52 = arith.constant 0 : i32
      %dma_start3A_53 = arith.constant 0 : i32
      %dma_start3A_54 = arith.constant 0 : i32
      %dma_start3A_55 = tpu.memref_slice %arg6[%rem3A_49, %dma_start3A_52, %dma_start3A_53, %dma_start3A_54] : memref<2x4x128x1024xf32, #tpu.memory_space<vmem>> -> memref<1x4x128x1024xf32, #tpu.memory_space<vmem>>
      %dma_start3A_56 = tpu.memref_squeeze %dma_start3A_55 : memref<1x4x128x1024xf32, #tpu.memory_space<vmem>> -> memref<4x128x1024xf32, #tpu.memory_space<vmem>>
      %dma_start3A_57 = arith.constant 0 : i32
      %dma_start3A_58 = arith.constant 0 : i32
      %dma_start3A_59 = tpu.memref_slice %arg3[%dma_start3A_57, %mul3A_50, %dma_start3A_58] : memref<4x8192x1024xf32, #tpu.memory_space<any>> -> memref<4x128x1024xf32, #tpu.memory_space<any>>
      tpu.enqueue_dma source(%dma_start3A_59 : memref<4x128x1024xf32, #tpu.memory_space<any>>) target(%dma_start3A_56 : memref<4x128x1024xf32, #tpu.memory_space<vmem>>) target_semaphore(%dma_start3A_51 : memref<!tpu.dma_semaphore, #tpu.memory_space<semaphore_mem>>)
    } else {
    }
    %rem3A = arith.constant 2 : i32
    %rem3A_18 = arith.remsi %arg0, %rem3A : i32
    %get3A_19 = arith.index_cast %arg0 : i32 to index
    %get3A_20 = memref.load %arg1[%get3A_19] : memref<64xi32, #tpu.memory_space<smem>>
    %eq3A_21 = arith.constant 1 : i32
    %eq3A_22 = arith.cmpi eq, %get3A_20, %eq3A_21 : i32
    %convert_element_type3A_23 = arith.extui %eq3A_22 : i1 to i32
    %cond3A_24 = arith.constant 0 : i32
    %cond3A_25 = arith.cmpi ne, %convert_element_type3A_23, %cond3A_24 : i32
    scf.if %cond3A_25 {
      %mul3A = arith.constant 128 : i32
      %mul3A_48 = arith.muli %arg0, %mul3A : i32
      %dma_wait3A = tpu.memref_slice %arg7[%rem3A_18] : memref<2x!tpu.dma_semaphore, #tpu.memory_space<semaphore_mem>> -> memref<1x!tpu.dma_semaphore, #tpu.memory_space<semaphore_mem>>
      %dma_wait3A_49 = tpu.memref_squeeze %dma_wait3A : memref<1x!tpu.dma_semaphore, #tpu.memory_space<semaphore_mem>> -> memref<!tpu.dma_semaphore, #tpu.memory_space<semaphore_mem>>
      %dma_wait3A_50 = arith.constant 0 : i32
      %dma_wait3A_51 = arith.constant 0 : i32
      %dma_wait3A_52 = arith.constant 0 : i32
      %dma_wait3A_53 = tpu.memref_slice %arg6[%rem3A_18, %dma_wait3A_50, %dma_wait3A_51, %dma_wait3A_52] : memref<2x4x128x1024xf32, #tpu.memory_space<vmem>> -> memref<1x4x128x1024xf32, #tpu.memory_space<vmem>>
      %dma_wait3A_54 = tpu.memref_squeeze %dma_wait3A_53 : memref<1x4x128x1024xf32, #tpu.memory_space<vmem>> -> memref<4x128x1024xf32, #tpu.memory_space<vmem>>
      %dma_wait3A_55 = arith.constant 0 : i32
      %dma_wait3A_56 = arith.constant 0 : i32
      %dma_wait3A_57 = tpu.memref_slice %arg3[%dma_wait3A_55, %mul3A_48, %dma_wait3A_56] : memref<4x8192x1024xf32, #tpu.memory_space<any>> -> memref<4x128x1024xf32, #tpu.memory_space<any>>
      tpu.wait_dma2 semaphore(%dma_wait3A_49 : memref<!tpu.dma_semaphore, #tpu.memory_space<semaphore_mem>>) src(%dma_wait3A_57 : memref<4x128x1024xf32, #tpu.memory_space<any>>) dst(%dma_wait3A_54 : memref<4x128x1024xf32, #tpu.memory_space<vmem>>)
    } else {
    }
    %get3A_26 = arith.constant 0 : index
    %get3A_27 = arith.constant 0 : index
    %get3A_28 = vector.load %arg2[%get3A_26, %get3A_27] : memref<4x128xf32, #tpu.memory_space<vmem>>, vector<4x128xf32>
    %get3A_29 = arith.constant 0 : index
    %get3A_30 = arith.constant 0 : index
    %get3A_31 = vector.load %arg4[%get3A_29, %get3A_30] : memref<1x1024xf32, #tpu.memory_space<vmem>>, vector<1x1024xf32>
    %get3A_32 = arith.index_cast %rem3A_18 : i32 to index
    %get3A_33 = arith.constant 0 : index
    %get3A_34 = arith.constant 0 : index
    %get3A_35 = arith.constant 0 : index
    %get3A_36 = vector.load %arg6[%get3A_32, %get3A_33, %get3A_34, %get3A_35] : memref<2x4x128x1024xf32, #tpu.memory_space<vmem>>, vector<1x4x128x1024xf32>
    %get3A_37 = vector.shape_cast %get3A_36 : vector<1x4x128x1024xf32> to vector<4x128x1024xf32>
    %broadcast_in_dim3A = vector.shape_cast %get3A_28 : vector<4x128xf32> to vector<4x128x1xf32>
    %gt3A = arith.constant 5.000000e-01 : f32
    %gt3A_38 = vector.broadcast %gt3A : f32 to vector<4x128x1xf32>
    %gt3A_39 = arith.cmpf ogt, %broadcast_in_dim3A, %gt3A_38 : vector<4x128x1xf32>
    %broadcast_in_dim3A_40 = vector.shape_cast %get3A_31 : vector<1x1024xf32> to vector<1x1x1024xf32>
    %broadcast_in_dim3A_41 = vector.shape_cast %broadcast_in_dim3A_40 : vector<1x1x1024xf32> to vector<1x1x1024xf32>
    %broadcast_in_dim3A_42 = vector.broadcast %broadcast_in_dim3A_41 : vector<1x1x1024xf32> to vector<4x128x1024xf32>
    %broadcast_in_dim3A_43 = vector.shape_cast %gt3A_39 : vector<4x128x1xi1> to vector<4x128x1xi1>
    %broadcast_in_dim3A_44 = vector.broadcast %broadcast_in_dim3A_43 : vector<4x128x1xi1> to vector<4x128x1024xi1>
    %select_n3A = arith.select %broadcast_in_dim3A_44, %broadcast_in_dim3A_42, %get3A_37 : vector<4x128x1024xi1>, vector<4x128x1024xf32>
    %swap3A = arith.constant 0 : index
    %swap3A_45 = arith.constant 0 : index
    %swap3A_46 = arith.constant 0 : index
    %swap3A_47 = vector.load %arg5[%swap3A, %swap3A_45, %swap3A_46] : memref<4x128x1024xf32, #tpu.memory_space<vmem>>, vector<4x128x1024xf32>
    tpu.vector_store %arg5[%swap3A, %swap3A_45, %swap3A_46], %select_n3A {strides = array<i32>} : memref<4x128x1024xf32, #tpu.memory_space<vmem>>, vector<4x128x1024xf32>,
    return
  }
  func.func @transform_0(%arg0: i32, %arg1: memref<64xi32, #tpu.memory_space<smem>>) -> (i32, i32) {
    %c0_i32 = arith.constant 0 : i32
    %c0_i32_0 = arith.constant 0 : i32
    return %c0_i32, %arg0 : i32, i32
  }
  func.func @transform_2(%arg0: i32, %arg1: memref<64xi32, #tpu.memory_space<smem>>) -> (i32, i32) {
    %c0_i32 = arith.constant 0 : i32
    %c0_i32_0 = arith.constant 0 : i32
    %c0_i32_1 = arith.constant 0 : i32
    return %c0_i32, %c0_i32_0 : i32, i32
  }
  func.func @transform_3(%arg0: i32, %arg1: memref<64xi32, #tpu.memory_space<smem>>) -> (i32, i32, i32) {
    %c0_i32 = arith.constant 0 : i32
    %c0_i32_0 = arith.constant 0 : i32
    %c0_i32_1 = arith.constant 0 : i32
    return %c0_i32, %arg0, %c0_i32_0 : i32, i32, i32
  }
}

</mosaic_0001>

<sc_bundles>
// kernel: kernel.4.cloned.1.call-start
scs
__scs_entry_jumppad:
0x0: {  	(pc) =	sbr.rel $0x88, $3  }
0x1: {  	(tag) =	ssettag $0x0;
	lr =	simm.s32 $0x1  }
0x2: {  	[smem:$0x3F9E] =	sst lr;
	_ =	strace $0xD0000000  }
0x3: {  	_ = 	snop  }
0x4: {  	_ = 	snop  }
0x5: {  	_ = 	snop  }
0x6: {  	_ = 	snop  }
0x7: {  	_ = 	snop  }
__scs_overlays_trampoline_lowered:
0x8: {  	[smem:$0x3FAD] =	sst s0  }
0x9: {  	[smem:$0x3FAE] =	sst s1  }
0xa: {  	[smem:$0x3FAF] =	sst s2  }
0xb: {  	[smem:$0x3FB0] =	sst s3  }
0xc: {  	[smem:$0x3FB1] =	sst s4  }
0xd: {  	[smem:$0x3FB2] =	sst s5  }
0xe: {  	[smem:$0x3FB3] =	sst s6  }
0xf: {  	[smem:$0x3FB4] =	sst s7  }
0x10: {  	[smem:$0x3FB5] =	sst s8  }
0x11: {  	[smem:$0x3FB6] =	sst s9;
	s0 =	simm.s32 @!p0 $0x0  }
0x12: {  	s1 =	sld [smem:$0x3F9C];
	s0 =	simm.s32 @p0 $0x1  }
0x13: {  	[smem:$0x3FB7] =	sst s0;
	s0 =	simm.s32 @!p1 $0x0  }
0x14: {  	s2 =	sld [smem:$0x3F9B];
	s0 =	simm.s32 @p1 $0x1  }
0x15: {  	[smem:$0x3FB8] =	sst s0;
	s0 =	simm.s32 @!p2 $0x0  }
0x16: {  	s3 =	sld [smem:$0x3FDB];
	s0 =	simm.s32 @p2 $0x1  }
0x17: {  	s4 =	simm.s32 $0x1BF5;
	[smem:$0x3FBA] =	sst s0  }
0x18: {  	s0 =	sld [smem:$0x3F9D];
	_ =	swait.ge [sflag:s4], $0x0  }
0x19: {  	s7 =	sld [smem:$0x3F9E]  }
0x1a: {  	s8 =	sadd.s32 $0xFFFFE003, lr  }
0x1b: {  	s9 =	sadd.s32 $0xFFFFFEF7, lr;
	s5 =	simm.s32 $0xFFFFFFFF;
	p2 =	slt.u32 s8, $0xFFFFF086  }
0x1c: {  	p1 =	slt.u32 s9, $0xF7A;
	s5 =	simm.s32 @!p2 $0x0  }
0x1d: {  	s5 =	simm.s32 @p1 $0x1;
	p0 =	seq.s32 s7, s2  }
0x1e: {  	s7 =	smul.u32 @!p0 $0xF7A, s2;
	p2 =	seq.s32 @!p0 s5, $0x0  }
0x1f: {  	s9 =	smul.u32 $0xF7A, s1;
	s8 =	simm.s32 @!p0 $0x1BF5;
	p2 =	por !p2, p0  }
0x20: {  	[sflag:s8] =	ssyncset.s32 @!p0 $0xFFFFF086;
	s6 =	sadd.s32 @!p0 s3, s7;
	s7 =	simm.s32 @!p0 $0x108  }
0x21: {  	s3 =	sadd.s32 s3, s9;
	s6 =	sadd.s32 @!p0 $0x88, s6;
	s7 =	simm.s32 @p2 $0x1082  }
0x22: {  	[simem:s7], [sflag:s8] =	dma.local @!p0 [hbm:s6], $0xF7A  }
0x23: {  	s9 =	sor.u32 $0xD0000000, s2;
	s6 =	simm.s32 $0x108;
	_ =	swait.ge @!p0 [sflag:s8], $0x0  }
0x24: {  	s3 =	sadd.s32 $0x88, s3;
	s6 =	simm.s32 @!p1 $0x1082;
	[sflag:s4] =	ssyncset.s32 $0xFFFFF086  }
0x25: {  	[simem:s6], [sflag:s4] =	dma.local [hbm:s3], $0xF7A  }
0x26: {  	[smem:$0x3F9E] =	sst s1;
	(tag) =	ssettag s2;
	_ =	strace s9  }
0x27: {  	s1 =	sld [smem:$0x3FAE]  }
0x28: {  	s2 =	sld [smem:$0x3FAF]  }
0x29: {  	s4 =	sld [smem:$0x3FB1]  }
0x2a: {  	p0 =	seq.s32 s5, $0x0;
	s5 =	sld [smem:$0x3FB2]  }
0x2b: {  	s6 =	sld [smem:$0x3FB3]  }
0x2c: {  	s7 =	sld [smem:$0x3FB4]  }
0x2d: {  	s3 =	simm.s32 $0x108;
	s8 =	sld [smem:$0x3FB5]  }
0x2e: {  	s3 =	simm.s32 @!p0 $0x1082;
	s9 =	sld [smem:$0x3FB6]  }
0x2f: {  	lr =	sadd.s32 s0, s3;
	s0 =	sld [smem:$0x3FAD]  }
0x30: {  	s3 =	sld [smem:$0x3FB0]  }
0x31: {  	[smem:$0x3FB9] =	sst s10  }
0x32: {  	s10 =	sld [smem:$0x3FB7];
	_ =	sdelay $0x3  }
0x33: {  	p0 =	seq.s32 s10, $0x1;
	s10 =	sld [smem:$0x3FB9];
	_ =	sdelay $0x3  }
0x34: {  	[smem:$0x3FB9] =	sst s10  }
0x35: {  	s10 =	sld [smem:$0x3FB8];
	_ =	sdelay $0x3  }
0x36: {  	p1 =	seq.s32 s10, $0x1;
	s10 =	sld [smem:$0x3FB9];
	_ =	sdelay $0x3  }
0x37: {  	[smem:$0x3FB9] =	sst s10  }
0x38: {  	s10 =	sld [smem:$0x3FBA]  }
0x39: {  	_ = 	snop;
	(pc) =	sbr.ind lr, $3  }
0x3a: {  	_ = 	snop  }
0x3b: {  	_ = 	snop  }
0x3c: {  	p2 =	seq.s32 s10, $0x1;
	s10 =	sld [smem:$0x3FB9]  }
0x3d: {  	_ =	shalt  }
0x3e: {  	_ =	shalt  }
0x3f: {  	_ =	shalt  }
0x40: {  	_ =	shalt  }
0x41: {  	_ =	shalt  }
0x42: {  	_ =	shalt  }
0x43: {  	_ =	shalt  }
0x44: {  	_ =	shalt  }
0x45: {  	_ =	shalt  }
0x46: {  	_ =	shalt  }
0x47: {  	_ =	shalt  }
0x48: {  	_ =	shalt  }
0x49: {  	_ =	shalt  }
0x4a: {  	_ =	shalt  }
0x4b: {  	_ =	shalt  }
0x4c: {  	_ =	shalt  }
0x4d: {  	_ =	shalt  }
0x4e: {  	_ =	shalt  }
0x4f: {  	_ =	shalt  }
0x50: {  	_ =	shalt  }
0x51: {  	_ =	shalt  }
0x52: {  	_ =	shalt  }
0x53: {  	_ =	shalt  }
0x54: {  	_ =	shalt  }
0x55: {  	_ =	shalt  }
0x56: {  	_ =	shalt  }
0x57: {  	_ =	shalt  }
0x58: {  	_ =	shalt  }
0x59: {  	_ =	shalt  }
0x5a: {  	_ =	shalt  }
0x5b: {  	_ =	shalt  }
0x5c: {  	_ =	shalt  }
0x5d: {  	_ =	shalt  }
0x5e: {  	_ =	shalt  }
0x5f: {  	_ =	shalt  }
0x60: {  	_ =	shalt  }
0x61: {  	_ =	shalt  }
0x62: {  	_ =	shalt  }
0x63: {  	_ =	shalt  }
0x64: {  	_ =	shalt  }
0x65: {  	_ =	shalt  }
0x66: {  	_ =	shalt  }
0x67: {  	_ =	shalt  }
0x68: {  	_ =	shalt  }
0x69: {  	_ =	shalt  }
0x6a: {  	_ =	shalt  }
0x6b: {  	_ =	shalt  }
0x6c: {  	_ =	shalt  }
0x6d: {  	_ =	shalt  }
0x6e: {  	_ =	shalt  }
0x6f: {  	_ =	shalt  }
0x70: {  	_ =	shalt  }
0x71: {  	_ =	shalt  }
0x72: {  	_ =	shalt  }
0x73: {  	_ =	shalt  }
0x74: {  	_ =	shalt  }
0x75: {  	_ =	shalt  }
0x76: {  	_ =	shalt  }
0x77: {  	_ =	shalt  }
0x78: {  	_ =	shalt  }
0x79: {  	_ =	shalt  }
0x7a: {  	_ =	shalt  }
0x7b: {  	_ =	shalt  }
0x7c: {  	_ =	shalt  }
0x7d: {  	_ =	shalt  }
0x7e: {  	_ =	shalt  }
0x7f: {  	_ =	shalt  }
0x80: {  	_ =	shalt  }
0x81: {  	_ =	shalt  }
0x82: {  	_ =	shalt  }
0x83: {  	_ =	shalt  }
0x84: {  	_ =	shalt  }
0x85: {  	_ =	shalt  }
0x86: {  	_ =	shalt  }
0x87: {  	_ =	shalt  }
.Lfunc_end0:
.L_simem_size_0:
called_computation_lowered:
.L_overlay_start_0:
0x88: {  	s2 =	sld [smem:$0x3FD9]  }
0x89: {  	s3 =	sld [smem:$0x3FFE];
	_ =	sdelay $0x1  }
0x8a: {  	s1 =	srdreg.scid  }
0x8b: {  	s0 =	sand.u32 $0x1, s1  }
0x8c: {  	s14 =	sshll.u32 s0, $0xA;
	s2 =	sadd.s32 s3, s2  }
0x8d: {  	s2 =	sadd.s32 s2, s14  }
0x8e: {  	[smem:$0x3FC5] =	sst s2  }
0x8f: {  	_ = 	snop  }
0x90: {  	s2 =	sld [smem:$0x3FD0];
	_ =	sdelay $0x2  }
0x91: {  	s15 =	simm.s32 $0xA;
	s4 =	simm.s32 $0x10  }
0x92: {  	[smem:s4], [sflag:s15] =	dma.local [hbm:s2], $0x1  }
0x93: {  	_ =	swait.eq [sflag:s15], $0x1  }
0x94: {  	[sflag:s15] =	ssyncset.done $0x0  }
0x95: {  	[sflag:s15] =	ssyncadd.s32 $0xFFFFFFFF  }
0x96: {  	s16 =	sld [smem:$0x11];
	(tm) =	ssettm $0x1  }
0x97: {  	s17 =	sld [smem:$0x3FFB];
	_ =	sdelay $0x3  }
0x98: {  	_ =	strace s17  }
0x99: {  	s3 =	sld [smem:$0x3FFC];
	_ =	sdelay $0x3  }
0x9a: {  	_ =	strace s3  }
0x9b: {  	s3 =	sld [smem:$0x3FFD];
	_ =	sdelay $0x3  }
0x9c: {  	_ =	strace s3  }
0x9d: {  	_ =	strace $0x8FFFFFFF  }
0x9e: {  	s18 =	sld [smem:$0x3FDB];
	_ =	sdelay $0x1  }
0x9f: {  	s19 =	simm.s32 $_scs_section_size  }
0xa0: {  	s5 =	simm.s32 $_size__tile_overlayer_lowered;
	s6 =	simm.s32 $_tile_overlayer_lowered  }
0xa1: {  	s22 =	simm.s32 $0x1BFF;
	s21 =	sshll.u32 s6, $0x1;
	s3 =	sadd.s32 s19, s18  }
0xa2: {  	s7 =	simm.s32 $0x0;
	s20 =	sshll.u32 s5, $0x1;
	s5 =	sadd.s32 s21, s3  }
0xa3: {  	[timem:s7], [sflag:s22] =	dma.local [hbm:s5], s20  }
0xa4: {  	_ =	swait.ge [sflag:s22], s20  }
0xa5: {  	s4 =	ssub.s32 $0x0, s20;
	[sflag:s22] =	ssyncset.done $0x0  }
0xa6: {  	[sflag:s22] =	ssyncadd.s32 s4;
	_ =	sdelay $0x1  }
0xa7: {  	s23 =	simm.s32 $0x1B8B  }
0xa8: {  	_ =	swait.ge [sflag:s23], $0x1  }
0xa9: {  	[sflag:s23] =	ssyncset.done $0x0  }
0xaa: {  	s25 =	simm.s32 $0x1B8E;
	s24 =	sld [smem:$0x3FFE];
	[sflag:s23] =	ssyncadd.s32 $0xFFFFFFFF  }
0xab: {  	s26 =	simm.s32 $execute0_lowered;
	[smem:$0x3FD2] =	sst s25  }
0xac: {  	s5 =	sshll.u32 s26, $0x1;
	_ =	strace $0x80000046;
	[dreg:$0x1] =	wrdreg $0xFFFFFFFF  }
0xad: {  	s28 =	simm.s32 $_size_execute0_lowered;
	s3 =	sadd.s32 s3, s5;
	[dreg:$0x0] =	wrdreg $0x0  }
0xae: {  	s5 =	sshll.u32 s28, $0x1;
	[dreg:$0x2] =	wrdreg s3  }
0xaf: {  	[dreg:$0x3] =	wrdreg s5  }
0xb0: {  	[dreg:$0x4] =	wrdreg $0xC0  }
0xb1: {  	_ =	task [dreg:s7], $0x5FFFF  }
0xb2: {  	[dreg:$0x1] =	wrdreg $0xFFFFFFFF  }
0xb3: {  	[dreg:$0x0] =	wrdreg $0x60  }
0xb4: {  	[dreg:$0x2] =	wrdreg s24  }
0xb5: {  	[dreg:$0x3] =	wrdreg s16  }
0xb6: {  	[dreg:$0x4] =	wrdreg $0x9  }
0xb7: {  	_ =	task.clear_ibuf [dreg:s7], $0x5FFFF;
	_ =	strace $0x90000046  }
0xb8: {  	s29 =	simm.s32 $0x9;
	_ =	strace $0x80000048  }
0xb9: {  	_ =	swait.ge [sflag:s29], $0x1  }
0xba: {  	[sflag:s29] =	ssyncadd.s32 $0xFFFFFFFF  }
0xbb: {  	_ =	strace $0x90000048  }
0xbc: {  	_ =	sfence  }
0xbd: {  	s30 =	sld [smem:$0x0];
	_ =	sdelay $0x2  }
0xbe: {  	s31 =	sshll.u32 s1, $0xD;
	s1 =	sshrl.u32 s1, $0x2  }
0xbf: {  	s3 =	sand.u32 $0x4000, s31;
	s1 =	sadd.s32 s1, s30  }
0xc0: {  	s0 =	sor.u32 s3, s0;
	s1 =	sshll.u32 s1, $0x11  }
0xc1: {  	s0 =	sor.u32 s1, s0  }
0xc2: {  	s0 =	sadd.s32 $0x8F2B, s0  }
0xc3: {  	[sflag:s0] =	ssyncadd.remote.s32 $0x1  }
0xc4: {  	_ =	sfence.sel $0xFFFF  }
0xc5: {  	[dreg:$0x0] =	wrdreg $0xFFFFFFFF;
	(pc) =	sbr.abs _section_cstart, $3  }
0xc6: {  	[dreg:$0x1] =	wrdreg $0xFFFFFFFF  }
0xc7: {  	_ =	task.clear_ibuf [dreg:s7], $0x2FFFF;
	_ =	strace $0x9FFFFFFF  }
0xc8: {  	(tm) =	ssettm $0x7FFFFFFF  }
0xc9: {  	_ =	shalt  }
tec
execute0_lowered:
.L_overlay_start_1:
0x0: {  	(tag) =	ssettag $0x1  }
0x1: {  	s0 =	rddreg [dreg:$0x0]  }
0x2: {  	s1 =	srdreg.scid;
	s2 =	rddreg [dreg:$0x1]  }
0x3: {  	s7 =	stileid.u32;
	s5 =	simm.s32 $0x0;
	s1 =	sand.u32 $0x1, s1  }
0x4: {  	s3 =	sshll.u32 s7, $0xB;
	[smem:$0x7FF] =	sst s5;
	s4 =	sshll.u32 s1, $0xA  }
0x5: {  	s30 =	sshll.u32 s7, $0x12;
	s28 =	ssub.s32 $0x2, s1;
	s3 =	sor.u32 s4, s3  }
0x6: {  	_ =	strace $0x80000047;
	s6 =	sshrl.u32 s28, $0x1;
	s29 =	sshrl.u32 s3, $0x3  }
0x7: {  	s1 =	sshll.u32 s1, $0x11;
	s4 =	ssub.s32 s28, s6;
	s0 =	sadd.s32 s29, s0  }
0x8: {  	s3 =	sshll.u32 s3, $0x7;
	s31 =	smax.u32 s4, $0x1;
	s0 =	sadd.s32 $0x1200, s0  }
0x9: {  	[dreg:$0x18] =	wrdreg s0;
	s0 =	sadd.s32 s30, s2;
	s2 =	sadd.s32 s3, s2  }
0xa: {  	[dreg:$0x19] =	wrdreg s31;
	s5 =	sadd.s32 s1, s0;
	s11 =	sadd.s32 $0x470, s2  }
0xb: {  	s12 =	sadd.s32 $0x460, s2;
	s14 =	sadd.s32 $0x450, s2;
	s15 =	sadd.s32 $0x440, s2  }
0xc: {  	s19 =	sadd.s32 $0x430, s2;
	s23 =	sadd.s32 $0x420, s2;
	[dreg:$0x3] =	wrdreg s11  }
0xd: {  	v0 =	vimm.f32 $1.000000000e+00;
	v1 =	vimm.f32 $0.0e+00;
	s22 =	sadd.s32 $0x410, s2;
	s2 =	simm.s32 $0x0;
	[dreg:$0x4] =	wrdreg s12  }
.LBB2_1:
0xe: {  	[tilespmem:$0x400] =	vst v0  }
0xf: {  	[tilespmem:$0x800] =	vst v1  }
0x10: {  	[tilespmem:$0x410] =	vst v0  }
0x11: {  	[tilespmem:$0x810] =	vst v1  }
0x12: {  	[tilespmem:$0x420] =	vst v0  }
0x13: {  	[tilespmem:$0x820] =	vst v1  }
0x14: {  	[tilespmem:$0x430] =	vst v0  }
0x15: {  	[tilespmem:$0x830] =	vst v1  }
0x16: {  	[tilespmem:$0x440] =	vst v0  }
0x17: {  	[tilespmem:$0x840] =	vst v1  }
0x18: {  	[tilespmem:$0x450] =	vst v0  }
0x19: {  	[tilespmem:$0x850] =	vst v1  }
0x1a: {  	[tilespmem:$0x460] =	vst v0  }
0x1b: {  	[tilespmem:$0x860] =	vst v1  }
0x1c: {  	[tilespmem:$0x470] =	vst v0  }
0x1d: {  	[tilespmem:$0x870] =	vst v1  }
0x1e: {  	[tilespmem:$0x480] =	vst v0  }
0x1f: {  	[tilespmem:$0x880] =	vst v1  }
0x20: {  	[tilespmem:$0x490] =	vst v0  }
0x21: {  	[tilespmem:$0x890] =	vst v1  }
0x22: {  	[tilespmem:$0x4A0] =	vst v0  }
0x23: {  	[tilespmem:$0x8A0] =	vst v1  }
0x24: {  	[tilespmem:$0x4B0] =	vst v0  }
0x25: {  	[tilespmem:$0x8B0] =	vst v1  }
0x26: {  	[tilespmem:$0x4C0] =	vst v0  }
0x27: {  	[tilespmem:$0x8C0] =	vst v1  }
0x28: {  	[tilespmem:$0x4D0] =	vst v0  }
0x29: {  	[tilespmem:$0x8D0] =	vst v1  }
0x2a: {  	[tilespmem:$0x4E0] =	vst v0  }
0x2b: {  	[tilespmem:$0x8E0] =	vst v1  }
0x2c: {  	[tilespmem:$0x4F0] =	vst v0  }
0x2d: {  	[tilespmem:$0x8F0] =	vst v1  }
0x2e: {  	[tilespmem:$0x500] =	vst v0  }
0x2f: {  	[tilespmem:$0x900] =	vst v1  }
0x30: {  	[tilespmem:$0x510] =	vst v0  }
0x31: {  	[tilespmem:$0x910] =	vst v1  }
0x32: {  	[tilespmem:$0x520] =	vst v0  }
0x33: {  	[tilespmem:$0x920] =	vst v1  }
0x34: {  	[tilespmem:$0x530] =	vst v0  }
0x35: {  	[tilespmem:$0x930] =	vst v1  }
0x36: {  	[tilespmem:$0x540] =	vst v0  }
0x37: {  	[tilespmem:$0x940] =	vst v1  }
0x38: {  	[tilespmem:$0x550] =	vst v0  }
0x39: {  	[tilespmem:$0x950] =	vst v1  }
0x3a: {  	[tilespmem:$0x560] =	vst v0  }
0x3b: {  	[tilespmem:$0x960] =	vst v1  }
0x3c: {  	[tilespmem:$0x570] =	vst v0  }
0x3d: {  	[tilespmem:$0x970] =	vst v1  }
0x3e: {  	[tilespmem:$0x580] =	vst v0  }
0x3f: {  	[tilespmem:$0x980] =	vst v1  }
0x40: {  	[tilespmem:$0x590] =	vst v0  }
0x41: {  	[tilespmem:$0x990] =	vst v1  }
0x42: {  	[tilespmem:$0x5A0] =	vst v0  }
0x43: {  	[tilespmem:$0x9A0] =	vst v1  }
0x44: {  	[tilespmem:$0x5B0] =	vst v0  }
0x45: {  	[tilespmem:$0x9B0] =	vst v1  }
0x46: {  	[tilespmem:$0x5C0] =	vst v0  }
0x47: {  	[tilespmem:$0x9C0] =	vst v1  }
0x48: {  	[tilespmem:$0x5D0] =	vst v0  }
0x49: {  	[tilespmem:$0x9D0] =	vst v1  }
0x4a: {  	[tilespmem:$0x5E0] =	vst v0  }
0x4b: {  	[tilespmem:$0x9E0] =	vst v1  }
0x4c: {  	[tilespmem:$0x5F0] =	vst v0  }
0x4d: {  	[tilespmem:$0x9F0] =	vst v1  }
0x4e: {  	[tilespmem:$0x600] =	vst v0  }
0x4f: {  	[tilespmem:$0xA00] =	vst v1  }
0x50: {  	[tilespmem:$0x610] =	vst v0  }
0x51: {  	[tilespmem:$0xA10] =	vst v1  }
0x52: {  	[tilespmem:$0x620] =	vst v0  }
0x53: {  	[tilespmem:$0xA20] =	vst v1  }
0x54: {  	[tilespmem:$0x630] =	vst v0  }
0x55: {  	[tilespmem:$0xA30] =	vst v1  }
0x56: {  	[tilespmem:$0x640] =	vst v0  }
0x57: {  	[tilespmem:$0xA40] =	vst v1  }
0x58: {  	[tilespmem:$0x650] =	vst v0  }
0x59: {  	[tilespmem:$0xA50] =	vst v1  }
0x5a: {  	[tilespmem:$0x660] =	vst v0  }
0x5b: {  	[tilespmem:$0xA60] =	vst v1  }
0x5c: {  	[tilespmem:$0x670] =	vst v0  }
0x5d: {  	[tilespmem:$0xA70] =	vst v1  }
0x5e: {  	[tilespmem:$0x680] =	vst v0  }
0x5f: {  	[tilespmem:$0xA80] =	vst v1  }
0x60: {  	[tilespmem:$0x690] =	vst v0  }
0x61: {  	[tilespmem:$0xA90] =	vst v1  }
0x62: {  	[tilespmem:$0x6A0] =	vst v0  }
0x63: {  	[tilespmem:$0xAA0] =	vst v1  }
0x64: {  	[tilespmem:$0x6B0] =	vst v0  }
0x65: {  	[tilespmem:$0xAB0] =	vst v1  }
0x66: {  	[tilespmem:$0x6C0] =	vst v0  }
0x67: {  	[tilespmem:$0xAC0] =	vst v1  }
0x68: {  	[tilespmem:$0x6D0] =	vst v0  }
0x69: {  	[tilespmem:$0xAD0] =	vst v1  }
0x6a: {  	[tilespmem:$0x6E0] =	vst v0  }
0x6b: {  	[tilespmem:$0xAE0] =	vst v1  }
0x6c: {  	[tilespmem:$0x6F0] =	vst v0  }
0x6d: {  	[tilespmem:$0xAF0] =	vst v1  }
0x6e: {  	[tilespmem:$0x700] =	vst v0  }
0x6f: {  	[tilespmem:$0xB00] =	vst v1  }
0x70: {  	[tilespmem:$0x710] =	vst v0  }
0x71: {  	[tilespmem:$0xB10] =	vst v1  }
0x72: {  	[tilespmem:$0x720] =	vst v0  }
0x73: {  	[tilespmem:$0xB20] =	vst v1  }
0x74: {  	[tilespmem:$0x730] =	vst v0  }
0x75: {  	[tilespmem:$0xB30] =	vst v1  }
0x76: {  	[tilespmem:$0x740] =	vst v0  }
0x77: {  	[tilespmem:$0xB40] =	vst v1  }
0x78: {  	[tilespmem:$0x750] =	vst v0  }
0x79: {  	[tilespmem:$0xB50] =	vst v1  }
0x7a: {  	[tilespmem:$0x760] =	vst v0  }
0x7b: {  	[tilespmem:$0xB60] =	vst v1  }
0x7c: {  	[tilespmem:$0x770] =	vst v0  }
0x7d: {  	[tilespmem:$0xB70] =	vst v1  }
0x7e: {  	[tilespmem:$0x780] =	vst v0  }
0x7f: {  	[tilespmem:$0xB80] =	vst v1  }
0x80: {  	[tilespmem:$0x790] =	vst v0  }
0x81: {  	[tilespmem:$0xB90] =	vst v1  }
0x82: {  	[tilespmem:$0x7A0] =	vst v0  }
0x83: {  	[tilespmem:$0xBA0] =	vst v1  }
0x84: {  	[tilespmem:$0x7B0] =	vst v0  }
0x85: {  	[tilespmem:$0xBB0] =	vst v1  }
0x86: {  	[tilespmem:$0x7C0] =	vst v0  }
0x87: {  	[tilespmem:$0xBC0] =	vst v1  }
0x88: {  	[tilespmem:$0x7D0] =	vst v0  }
0x89: {  	[tilespmem:$0xBD0] =	vst v1  }
0x8a: {  	[tilespmem:$0x7E0] =	vst v0  }
0x8b: {  	[tilespmem:$0xBE0] =	vst v1  }
0x8c: {  	[dreg:$0x1a] =	wrdreg s2;
	[tilespmem:$0x7F0] =	vst v0  }
0x8d: {  	[tilespmem:$0xBF0] =	vst v1;
	s0 =	simm.s32 $0x0;
	s1 =	rddreg [dreg:$0x18];
	s16 =	simm.s32 $0x2  }
0x8e: {  	[tilespmem:s0], [sflag:$0x2] =	stream.linear.gather [hbm4b:s1+s0], $0x400, $0x38;
	[tilespmem:$0xC00] =	vst v63  }
0x8f: {  	_ =	swait.ge [sflag:s16], $0x400  }
0x90: {  	[sflag:s16] =	ssyncset.done $0x0  }
0x91: {  	[sflag:s16] =	ssyncadd.s32 $0xFFFFFC00  }
0x92: {  	v2 =	vld [tilespmem:s0+$0x0];
	_ =	sdelay $0x4  }
0x93: {  	(v2sf) =	vpush v2, $0x3  }
0x94: {  	(v2sf) =	vpush v2, $0x0  }
0x95: {  	(v2sf) =	vpush v2, $0x8  }
0x96: {  	(v2sf) =	vpush v2, $0x2  }
0x97: {  	(v2sf) =	vpush v2, $0xC  }
0x98: {  	(v2sf) =	vpush v2, $0x5;
	_ =	sdelay $0x1  }
0x99: {  	(v2sf) =	vpush v2, $0x1;
	_ =	sdelay $0x7  }
0x9a: {  	s17 =	spop (v2sf)  }
0x9b: {  	s3 =	spop (v2sf)  }
0x9c: {  	s0 =	spop (v2sf);
	p0 =	sgt.f32 s3, $5.000000000e-01  }
0x9d: {  	s4 =	spop (v2sf)  }
0x9e: {  	(v2sf) =	vpush v2, $0xE;
	p1 =	sle.f32 s3, $5.000000000e-01;
	s16 =	spop (v2sf);
	s6 =	sadd.s32 @p0 $0x0, s5  }
0x9f: {  	(v2sf) =	vpush v2, $0x9;
	s7 =	simm.s32 @p0 $0x80;
	s8 =	simm.s32 @p0 $0x400;
	s18 =	spop (v2sf)  }
0xa0: {  	(v2sf) =	vpush v2, $0xB;
	[hbm4b:s6+s7] =	stream.strided.scatter @p0 [tilespmem:s8], [sflag:$0x1], $0x400, s8, s7, $0x38;
	[tilespmem:$0xC00] =	vst v63  }
0xa1: {  	s9 =	simm.s32 @p1 $0x800;
	s6 =	sadd.s32 @p1 $0x0, s5;
	s20 =	spop (v2sf)  }
0xa2: {  	s7 =	simm.s32 @p1 $0x80;
	s8 =	simm.s32 @p1 $0x400;
	p2 =	sgt.f32 s20, $5.000000000e-01  }
0xa3: {  	(v2sf) =	vpush v2, $0x6;
	[hbm4b:s6+s7] =	stream.strided.scatter @p1 [tilespmem:s9], [sflag:$0x1], $0x400, s8, s7, $0x38;
	[tilespmem:$0xC00] =	vst v63  }
0xa4: {  	(v2sf) =	vpush v2, $0xA;
	p1 =	sle.f32 s20, $5.000000000e-01;
	s3 =	sadd.s32 @p2 $0x0, s5  }
0xa5: {  	s6 =	simm.s32 @p2 $0x80;
	s7 =	simm.s32 @p2 $0x400;
	s3 =	sadd.s32 @p2 $0x10, s3  }
0xa6: {  	(v2sf) =	vpush v2, $0x4;
	[hbm4b:s3+s6] =	stream.strided.scatter @p2 [tilespmem:s7], [sflag:$0x1], $0x400, s7, s6, $0x38;
	[tilespmem:$0xC00] =	vst v63  }
0xa7: {  	s8 =	simm.s32 @p1 $0x80;
	p2 =	sgt.f32 s4, $5.000000000e-01;
	s6 =	sadd.s32 @p1 $0x0, s5  }
0xa8: {  	s3 =	simm.s32 @p1 $0x400;
	s7 =	simm.s32 @p1 $0x800;
	s6 =	sadd.s32 @p1 $0x10, s6  }
0xa9: {  	[hbm4b:s6+s8] =	stream.strided.scatter @p1 [tilespmem:s7], [sflag:$0x1], $0x400, s3, s8, $0x38;
	[tilespmem:$0xC00] =	vst v63  }
0xaa: {  	p0 =	sle.f32 s17, $5.000000000e-01;
	p1 =	sgt.f32 s17, $5.000000000e-01;
	s1 =	sadd.s32 @p2 $0x0, s5  }
0xab: {  	s3 =	simm.s32 @p2 $0x80;
	s6 =	simm.s32 @p2 $0x400;
	s1 =	sadd.s32 @p2 $0x20, s1  }
0xac: {  	[hbm4b:s1+s3] =	stream.strided.scatter @p2 [tilespmem:s6], [sflag:$0x1], $0x400, s6, s3, $0x38;
	[tilespmem:$0xC00] =	vst v63  }
0xad: {  	s17 =	spop (v2sf);
	p2 =	sle.f32 s4, $5.000000000e-01  }
0xae: {  	s1 =	sadd.s32 @p1 $0x0, s5;
	s6 =	simm.s32 @p1 $0x80;
	s21 =	spop (v2sf)  }
0xaf: {  	s24 =	spop (v2sf);
	s4 =	simm.s32 @p2 $0x800;
	s9 =	sadd.s32 @p2 $0x0, s5  }
0xb0: {  	s10 =	simm.s32 @p2 $0x80;
	s13 =	simm.s32 @p2 $0x400;
	s9 =	sadd.s32 @p2 $0x20, s9  }
0xb1: {  	[hbm4b:s9+s10] =	stream.strided.scatter @p2 [tilespmem:s4], [sflag:$0x1], $0x400, s13, s10, $0x38;
	[tilespmem:$0xC00] =	vst v63  }
0xb2: {  	s7 =	sadd.s32 @p1 $0x30, s1;
	s25 =	spop (v2sf);
	s9 =	sadd.s32 @p0 $0x0, s5  }
0xb3: {  	(v2sf) =	vpush v2, $0xD;
	s26 =	spop (v2sf);
	s10 =	simm.s32 @p1 $0x400;
	s13 =	simm.s32 @p0 $0x400  }
0xb4: {  	[hbm4b:s7+s6] =	stream.strided.scatter @p1 [tilespmem:s10], [sflag:$0x1], $0x400, s10, s6, $0x38;
	[tilespmem:$0xC00] =	vst v63  }
0xb5: {  	(v2sf) =	vpush v2, $0xF;
	s28 =	spop (v2sf);
	s6 =	simm.s32 @p0 $0x800;
	s7 =	sadd.s32 @p0 $0x30, s9  }
0xb6: {  	(v2sf) =	vpush v2, $0x7;
	s10 =	simm.s32 @p0 $0x80;
	p1 =	sgt.f32 s28, $5.000000000e-01;
	p2 =	sle.f32 s28, $5.000000000e-01  }
0xb7: {  	[hbm4b:s7+s10] =	stream.strided.scatter @p0 [tilespmem:s6], [sflag:$0x1], $0x400, s13, s10, $0x38;
	[tilespmem:$0xC00] =	vst v63  }
0xb8: {  	p0 =	sle.f32 s18, $5.000000000e-01;
	s6 =	sadd.s32 @p1 $0x0, s5;
	s7 =	simm.s32 @p1 $0x80  }
0xb9: {  	s9 =	simm.s32 @p1 $0x400;
	s2 =	simm.s32 @p2 $0x80;
	s6 =	sadd.s32 @p1 $0x40, s6  }
0xba: {  	[hbm4b:s6+s7] =	stream.strided.scatter @p1 [tilespmem:s9], [sflag:$0x1], $0x400, s9, s7, $0x38;
	[tilespmem:$0xC00] =	vst v63  }
0xbb: {  	p1 =	sgt.f32 s18, $5.000000000e-01;
	s6 =	sadd.s32 @p2 $0x0, s5;
	s7 =	simm.s32 @p2 $0x800  }
0xbc: {  	s9 =	simm.s32 @p2 $0x400;
	s10 =	simm.s32 @p0 $0x400;
	s6 =	sadd.s32 @p2 $0x40, s6  }
0xbd: {  	[hbm4b:s6+s2] =	stream.strided.scatter @p2 [tilespmem:s7], [sflag:$0x1], $0x400, s9, s2, $0x38;
	[tilespmem:$0xC00] =	vst v63  }
0xbe: {  	s2 =	simm.s32 @p0 $0x80;
	s6 =	sadd.s32 @p1 $0x0, s5;
	s7 =	simm.s32 @p1 $0x400  }
0xbf: {  	s9 =	simm.s32 @p1 $0x80;
	p2 =	sgt.f32 s25, $5.000000000e-01;
	s6 =	sadd.s32 @p1 $0x50, s6  }
0xc0: {  	[hbm4b:s6+s9] =	stream.strided.scatter @p1 [tilespmem:s7], [sflag:$0x1], $0x400, s7, s9, $0x38;
	[tilespmem:$0xC00] =	vst v63  }
0xc1: {  	s7 =	sadd.s32 @p0 $0x0, s5;
	s9 =	simm.s32 @p0 $0x800;
	p1 =	sle.f32 s25, $5.000000000e-01  }
0xc2: {  	s8 =	simm.s32 @p2 $0x80;
	s29 =	spop (v2sf);
	s7 =	sadd.s32 @p0 $0x50, s7  }
0xc3: {  	[hbm4b:s7+s2] =	stream.strided.scatter @p0 [tilespmem:s9], [sflag:$0x1], $0x400, s10, s2, $0x38;
	[tilespmem:$0xC00] =	vst v63  }
0xc4: {  	s30 =	spop (v2sf);
	s7 =	sadd.s32 @p2 $0x0, s5;
	s9 =	simm.s32 @p2 $0x400  }
0xc5: {  	s10 =	simm.s32 @p1 $0x800;
	s7 =	sadd.s32 @p2 $0x60, s7;
	s31 =	spop (v2sf)  }
0xc6: {  	[hbm4b:s7+s8] =	stream.strided.scatter @p2 [tilespmem:s9], [sflag:$0x1], $0x400, s9, s8, $0x38;
	[tilespmem:$0xC00] =	vst v63  }
0xc7: {  	s8 =	simm.s32 @p1 $0x400;
	p0 =	sle.f32 s31, $5.000000000e-01;
	s7 =	sadd.s32 @p1 $0x0, s5  }
0xc8: {  	p2 =	sgt.f32 s31, $5.000000000e-01;
	s9 =	simm.s32 @p1 $0x80;
	s7 =	sadd.s32 @p1 $0x60, s7  }
0xc9: {  	[hbm4b:s7+s9] =	stream.strided.scatter @p1 [tilespmem:s10], [sflag:$0x1], $0x400, s8, s9, $0x38;
	[tilespmem:$0xC00] =	vst v63  }
0xca: {  	s7 =	sadd.s32 @p0 $0x0, s5  }
0xcb: {  	s8 =	sadd.s32 @p2 $0x0, s5;
	s9 =	simm.s32 @p2 $0x400;
	s10 =	simm.s32 @p2 $0x80  }
0xcc: {  	p1 =	sgt.f32 s0, $5.000000000e-01;
	s8 =	sadd.s32 @p2 $0x70, s8;
	s7 =	sadd.s32 @p0 $0x70, s7  }
0xcd: {  	[hbm4b:s8+s10] =	stream.strided.scatter @p2 [tilespmem:s9], [sflag:$0x1], $0x400, s9, s10, $0x38;
	[tilespmem:$0xC00] =	vst v63  }
0xce: {  	s8 =	simm.s32 @p0 $0x400;
	s9 =	simm.s32 @p0 $0x800;
	s10 =	simm.s32 @p0 $0x80  }
0xcf: {  	[hbm4b:s7+s10] =	stream.strided.scatter @p0 [tilespmem:s9], [sflag:$0x1], $0x400, s8, s10, $0x38;
	[tilespmem:$0xC00] =	vst v63  }
0xd0: {  	p0 =	sle.f32 s0, $5.000000000e-01;
	s0 =	sadd.s32 @p1 $0x0, s5  }
0xd1: {  	s7 =	simm.s32 @p1 $0x400;
	s8 =	simm.s32 @p1 $0x80;
	s0 =	sadd.s32 @p1 $0x400, s0  }
0xd2: {  	[hbm4b:s0+s8] =	stream.strided.scatter @p1 [tilespmem:s7], [sflag:$0x1], $0x400, s7, s8, $0x38;
	[tilespmem:$0xC00] =	vst v63  }
0xd3: {  	s0 =	sadd.s32 @p0 $0x0, s5;
	s7 =	simm.s32 @p0 $0x800  }
0xd4: {  	s8 =	simm.s32 @p0 $0x400;
	s9 =	simm.s32 @p0 $0x80;
	s0 =	sadd.s32 @p0 $0x400, s0  }
0xd5: {  	[hbm4b:s0+s9] =	stream.strided.scatter @p0 [tilespmem:s7], [sflag:$0x1], $0x400, s8, s9, $0x38;
	[tilespmem:$0xC00] =	vst v63  }
0xd6: {  	p0 =	sgt.f32 s21, $5.000000000e-01  }
0xd7: {  	p1 =	sle.f32 s21, $5.000000000e-01  }
0xd8: {  	s0 =	simm.s32 @p0 $0x80;
	s3 =	sadd.s32 @p0 $0x0, s22;
	s7 =	simm.s32 @p0 $0x400  }
0xd9: {  	[hbm4b:s3+s0] =	stream.strided.scatter @p0 [tilespmem:s7], [sflag:$0x1], $0x400, s7, s0, $0x38;
	[tilespmem:$0xC00] =	vst v63  }
0xda: {  	s8 =	simm.s32 @p1 $0x800;
	s0 =	simm.s32 @p1 $0x80  }
0xdb: {  	s3 =	simm.s32 @p1 $0x400;
	s7 =	sadd.s32 @p1 $0x0, s22;
	p0 =	sgt.f32 s26, $5.000000000e-01  }
0xdc: {  	[hbm4b:s7+s0] =	stream.strided.scatter @p1 [tilespmem:s8], [sflag:$0x1], $0x400, s3, s0, $0x38;
	[tilespmem:$0xC00] =	vst v63  }
0xdd: {  	p1 =	sle.f32 s26, $5.000000000e-01  }
0xde: {  	s0 =	simm.s32 @p0 $0x80;
	s3 =	simm.s32 @p0 $0x400;
	s7 =	sadd.s32 @p0 $0x0, s23  }
0xdf: {  	[hbm4b:s7+s0] =	stream.strided.scatter @p0 [tilespmem:s3], [sflag:$0x1], $0x400, s3, s0, $0x38;
	[tilespmem:$0xC00] =	vst v63  }
0xe0: {  	s4 =	simm.s32 @p1 $0x800;
	s0 =	simm.s32 @p1 $0x80  }
0xe1: {  	s3 =	sadd.s32 @p1 $0x0, s23;
	s7 =	simm.s32 @p1 $0x400;
	p0 =	sgt.f32 s24, $5.000000000e-01  }
0xe2: {  	[hbm4b:s3+s0] =	stream.strided.scatter @p1 [tilespmem:s4], [sflag:$0x1], $0x400, s7, s0, $0x38;
	[tilespmem:$0xC00] =	vst v63  }
0xe3: {  	p1 =	sle.f32 s24, $5.000000000e-01  }
0xe4: {  	s0 =	sadd.s32 @p0 $0x0, s19;
	s1 =	simm.s32 @p0 $0x400;
	s4 =	simm.s32 @p0 $0x80  }
0xe5: {  	[hbm4b:s0+s4] =	stream.strided.scatter @p0 [tilespmem:s1], [sflag:$0x1], $0x400, s1, s4, $0x38;
	[tilespmem:$0xC00] =	vst v63  }
0xe6: {  	s3 =	simm.s32 @p1 $0x800;
	s0 =	sadd.s32 @p1 $0x0, s19  }
0xe7: {  	s1 =	simm.s32 @p1 $0x80;
	s4 =	simm.s32 @p1 $0x400;
	p0 =	sgt.f32 s16, $5.000000000e-01  }
0xe8: {  	[hbm4b:s0+s1] =	stream.strided.scatter @p1 [tilespmem:s3], [sflag:$0x1], $0x400, s4, s1, $0x38;
	[tilespmem:$0xC00] =	vst v63  }
0xe9: {  	p1 =	sle.f32 s16, $5.000000000e-01  }
0xea: {  	s0 =	simm.s32 @p0 $0x80  }
0xeb: {  	s3 =	simm.s32 @p0 $0x400;
	s4 =	sadd.s32 @p0 $0x0, s15;
	s1 =	simm.s32 @p1 $0x400  }
0xec: {  	[hbm4b:s4+s0] =	stream.strided.scatter @p0 [tilespmem:s3], [sflag:$0x1], $0x400, s3, s0, $0x38;
	[tilespmem:$0xC00] =	vst v63  }
0xed: {  	s0 =	simm.s32 @p1 $0x800;
	s3 =	sadd.s32 @p1 $0x0, s15;
	s4 =	simm.s32 @p1 $0x80  }
0xee: {  	[hbm4b:s3+s4] =	stream.strided.scatter @p1 [tilespmem:s0], [sflag:$0x1], $0x400, s1, s4, $0x38;
	[tilespmem:$0xC00] =	vst v63  }
0xef: {  	p1 =	sgt.f32 s29, $5.000000000e-01  }
0xf0: {  	p0 =	sle.f32 s29, $5.000000000e-01  }
0xf1: {  	s1 =	sadd.s32 @p1 $0x0, s14;
	s3 =	simm.s32 @p1 $0x80;
	s4 =	simm.s32 @p1 $0x400  }
0xf2: {  	[hbm4b:s1+s3] =	stream.strided.scatter @p1 [tilespmem:s4], [sflag:$0x1], $0x400, s4, s3, $0x38;
	[tilespmem:$0xC00] =	vst v63  }
0xf3: {  	s0 =	simm.s32 @p0 $0x400;
	s1 =	simm.s32 @p0 $0x800  }
0xf4: {  	s3 =	sadd.s32 @p0 $0x0, s14;
	s4 =	simm.s32 @p0 $0x80;
	p1 =	sgt.f32 s17, $5.000000000e-01  }
0xf5: {  	[hbm4b:s3+s4] =	stream.strided.scatter @p0 [tilespmem:s1], [sflag:$0x1], $0x400, s0, s4, $0x38;
	[tilespmem:$0xC00] =	vst v63  }
0xf6: {  	p0 =	sle.f32 s17, $5.000000000e-01  }
0xf7: {  	s1 =	sadd.s32 @p1 $0x0, s12  }
0xf8: {  	s3 =	simm.s32 @p1 $0x80;
	s4 =	simm.s32 @p1 $0x400;
	s0 =	simm.s32 @p0 $0x400  }
0xf9: {  	[hbm4b:s1+s3] =	stream.strided.scatter @p1 [tilespmem:s4], [sflag:$0x1], $0x400, s4, s3, $0x38;
	[tilespmem:$0xC00] =	vst v63  }
0xfa: {  	s1 =	sadd.s32 @p0 $0x0, s12;
	s3 =	simm.s32 @p0 $0x80;
	s4 =	simm.s32 @p0 $0x800  }
0xfb: {  	[hbm4b:s1+s3] =	stream.strided.scatter @p0 [tilespmem:s4], [sflag:$0x1], $0x400, s0, s3, $0x38;
	[tilespmem:$0xC00] =	vst v63  }
0xfc: {  	p0 =	sgt.f32 s30, $5.000000000e-01  }
0xfd: {  	p1 =	sle.f32 s30, $5.000000000e-01  }
0xfe: {  	s0 =	sadd.s32 @p0 $0x0, s11;
	s1 =	simm.s32 @p0 $0x80;
	s2 =	simm.s32 @p0 $0x400  }
0xff: {  	[hbm4b:s0+s1] =	stream.strided.scatter @p0 [tilespmem:s2], [sflag:$0x1], $0x400, s2, s1, $0x38;
	[tilespmem:$0xC00] =	vst v63  }
0x100: {  	s3 =	simm.s32 @p1 $0x400;
	s0 =	simm.s32 @p1 $0x800;
	p0 =	por $0x1, $0x1  }
0x101: {  	s1 =	sadd.s32 @p1 $0x0, s11;
	s2 =	simm.s32 @p1 $0x80;
	s21 =	simm.s32 @!p0 $0x1  }
0x102: {  	[hbm4b:s1+s2] =	stream.strided.scatter @p1 [tilespmem:s0], [sflag:$0x1], $0x400, s3, s2, $0x38;
	[tilespmem:$0xC00] =	vst v63  }
0x103: {  	_ =	swait.ge @!p0 [sflag:s21], $0x400  }
0x104: {  	[sflag:s21] =	ssyncset.done @!p0 $0x0  }
0x105: {  	[sflag:s21] =	ssyncadd.s32 @!p0 $0xFFFFFC00  }
0x106: {  	s26 =	simm.s32 $0x800;
	s0 =	simm.s32 $0x0;
	_ =	swait.ge @!p0 [sflag:s21], $0x400  }
.LBB2_2:
0x107: {  	s18 =	smov.u32 s26;
	s26 =	sadd.s32 $0x800, s26  }
0x108: {  	p1 =	sne.s32 s26, $0x20000  }
0x109: {  	s0 =	sadd.s32 $0x10, s0;
	s1 =	simm.s32 @!p1 $0x0  }
0x10a: {  	[sflag:s21] =	ssyncset.done @!p0 $0x0;
	[dreg:$0x5] =	wrdreg s0;
	s1 =	simm.s32 @p1 $0x1  }
0x10b: {  	[sflag:s21] =	ssyncadd.s32 @!p0 $0xFFFFFC00;
	[smem:$0x7FD] =	sst s1  }
0x10c: {  	_ =	swait.ge @!p0 [sflag:s21], $0x400  }
0x10d: {  	[sflag:s21] =	ssyncset.done @!p0 $0x0  }
0x10e: {  	[sflag:s21] =	ssyncadd.s32 @!p0 $0xFFFFFC00  }
0x10f: {  	_ =	swait.ge @!p0 [sflag:s21], $0x400  }
0x110: {  	[sflag:s21] =	ssyncset.done @!p0 $0x0  }
0x111: {  	[sflag:s21] =	ssyncadd.s32 @!p0 $0xFFFFFC00  }
0x112: {  	_ =	swait.ge @!p0 [sflag:s21], $0x400  }
0x113: {  	[sflag:s21] =	ssyncset.done @!p0 $0x0  }
0x114: {  	[sflag:s21] =	ssyncadd.s32 @!p0 $0xFFFFFC00  }
0x115: {  	_ =	swait.ge @!p0 [sflag:s21], $0x400  }
0x116: {  	[sflag:s21] =	ssyncset.done @!p0 $0x0  }
0x117: {  	[sflag:s21] =	ssyncadd.s32 @!p0 $0xFFFFFC00  }
0x118: {  	_ =	swait.ge @!p0 [sflag:s21], $0x400  }
0x119: {  	[sflag:s21] =	ssyncset.done @!p0 $0x0  }
0x11a: {  	[sflag:s21] =	ssyncadd.s32 @!p0 $0xFFFFFC00  }
0x11b: {  	_ =	swait.ge @!p0 [sflag:s21], $0x400  }
0x11c: {  	[sflag:s21] =	ssyncset.done @!p0 $0x0  }
0x11d: {  	[sflag:s21] =	ssyncadd.s32 @!p0 $0xFFFFFC00  }
0x11e: {  	_ =	swait.ge @!p0 [sflag:s21], $0x400  }
0x11f: {  	[sflag:s21] =	ssyncset.done @!p0 $0x0  }
0x120: {  	[sflag:s21] =	ssyncadd.s32 @!p0 $0xFFFFFC00  }
0x121: {  	_ =	swait.ge @!p0 [sflag:s21], $0x400  }
0x122: {  	[sflag:s21] =	ssyncset.done @!p0 $0x0  }
0x123: {  	[sflag:s21] =	ssyncadd.s32 @!p0 $0xFFFFFC00  }
0x124: {  	_ =	swait.ge @!p0 [sflag:s21], $0x400  }
0x125: {  	[sflag:s21] =	ssyncset.done @!p0 $0x0  }
0x126: {  	[sflag:s21] =	ssyncadd.s32 @!p0 $0xFFFFFC00  }
0x127: {  	_ =	swait.ge @!p0 [sflag:s21], $0x400  }
0x128: {  	[sflag:s21] =	ssyncset.done @!p0 $0x0  }
0x129: {  	[sflag:s21] =	ssyncadd.s32 @!p0 $0xFFFFFC00  }
0x12a: {  	_ =	swait.ge @!p0 [sflag:s21], $0x400  }
0x12b: {  	[sflag:s21] =	ssyncset.done @!p0 $0x0  }
0x12c: {  	[sflag:s21] =	ssyncadd.s32 @!p0 $0xFFFFFC00  }
0x12d: {  	_ =	swait.ge @!p0 [sflag:s21], $0x400  }
0x12e: {  	[sflag:s21] =	ssyncset.done @!p0 $0x0  }
0x12f: {  	[sflag:s21] =	ssyncadd.s32 @!p0 $0xFFFFFC00  }
0x130: {  	_ =	swait.ge @!p0 [sflag:s21], $0x400  }
0x131: {  	[sflag:s21] =	ssyncset.done @!p0 $0x0  }
0x132: {  	[sflag:s21] =	ssyncadd.s32 @!p0 $0xFFFFFC00  }
0x133: {  	_ =	swait.ge @!p0 [sflag:s21], $0x400  }
0x134: {  	[sflag:s21] =	ssyncset.done @!p0 $0x0  }
0x135: {  	[sflag:s21] =	ssyncadd.s32 @!p0 $0xFFFFFC00  }
0x136: {  	v2 =	vld [tilespmem:s0+$0x0];
	_ =	sdelay $0x4  }
0x137: {  	(v2sf) =	vpush v2, $0x3  }
0x138: {  	(v2sf) =	vpush v2, $0x0  }
0x139: {  	(v2sf) =	vpush v2, $0x8  }
0x13a: {  	(v2sf) =	vpush v2, $0x2  }
0x13b: {  	(v2sf) =	vpush v2, $0xC;
	_ =	sdelay $0x1  }
0x13c: {  	(v2sf) =	vpush v2, $0x5;
	_ =	sdelay $0x1  }
0x13d: {  	(v2sf) =	vpush v2, $0x1;
	_ =	sdelay $0x1  }
0x13e: {  	(v2sf) =	vpush v2, $0xE  }
0x13f: {  	(v2sf) =	vpush v2, $0x9  }
0x140: {  	p0 =	seq.s32 s18, $0x0;
	(v2sf) =	vpush v2, $0xB  }
0x141: {  	s1 =	simm.s32 @!p0 $0x0  }
0x142: {  	s1 =	simm.s32 @p0 $0x1;
	(v2sf) =	vpush v2, $0x6  }
0x143: {  	[smem:$0x7EA] =	sst s1;
	s30 =	spop (v2sf)  }
0x144: {  	(v2sf) =	vpush v2, $0xA;
	s6 =	spop (v2sf);
	p5 =	sgt.f32 s30, $5.000000000e-01  }
0x145: {  	p3 =	sle.f32 s30, $5.000000000e-01;
	s31 =	spop (v2sf)  }
0x146: {  	p1 =	sgt.f32 s6, $5.000000000e-01;
	s8 =	spop (v2sf);
	s1 =	sadd.s32 @p5 s18, s5  }
0x147: {  	p2 =	sle.f32 s31, $5.000000000e-01;
	s2 =	simm.s32 @p5 $0x80;
	s10 =	spop (v2sf)  }
0x148: {  	[dreg:$0xe] =	wrdreg s2;
	s1 =	sadd.s32 @p5 $0x30, s1;
	s4 =	simm.s32 @p1 $0x80  }
0x149: {  	s3 =	spop (v2sf);
	[dreg:$0x10] =	wrdreg s1;
	s1 =	simm.s32 @!p5 $0x0  }
0x14a: {  	s13 =	simm.s32 @p1 $0x400;
	p0 =	sle.f32 s3, $5.000000000e-01;
	s1 =	simm.s32 @p5 $0x1  }
0x14b: {  	s9 =	spop (v2sf);
	[smem:$0x7ED] =	sst s1;
	s1 =	simm.s32 @p2 $0x800  }
0x14c: {  	s2 =	simm.s32 @!p0 $0x0;
	[dreg:$0x7] =	wrdreg s1;
	s1 =	simm.s32 @p2 $0x400  }
0x14d: {  	(v2sf) =	vpush v2, $0x4;
	s11 =	spop (v2sf);
	s2 =	simm.s32 @p0 $0x1;
	[dreg:$0x8] =	wrdreg s1  }
0x14e: {  	(v2sf) =	vpush v2, $0xD;
	s7 =	spop (v2sf);
	s1 =	simm.s32 @p3 $0x800;
	[smem:$0x7F1] =	sst s2  }
0x14f: {  	s21 =	spop (v2sf);
	s2 =	sadd.s32 @p1 s18, s5;
	[dreg:$0x12] =	wrdreg s1  }
0x150: {  	(v2sf) =	vpush v2, $0xF;
	[hbm4b:s2+s4] =	stream.strided.scatter @p1 [tilespmem:s13], [sflag:$0x1], $0x400, s13, s4, $0x38;
	[tilespmem:$0xC00] =	vst v63  }
0x151: {  	s1 =	simm.s32 @!p3 $0x0;
	s12 =	spop (v2sf);
	p1 =	sle.f32 s7, $5.000000000e-01  }
0x152: {  	s1 =	simm.s32 @p3 $0x1;
	p4 =	sle.f32 s12, $5.000000000e-01  }
0x153: {  	s13 =	spop (v2sf);
	[smem:$0x7EF] =	sst s1;
	s1 =	simm.s32 @!p1 $0x0  }
0x154: {  	[dreg:$0x9] =	wrdreg s13;
	s1 =	simm.s32 @p1 $0x1;
	p1 =	sle.f32 s6, $5.000000000e-01  }
0x155: {  	[smem:$0x7F8] =	sst s1;
	s1 =	simm.s32 @p0 $0x80;
	p0 =	sgt.f32 s12, $5.000000000e-01  }
0x156: {  	[dreg:$0xd] =	wrdreg s1;
	s13 =	sadd.s32 @p1 s18, s5;
	s28 =	simm.s32 @p1 $0x80  }
0x157: {  	s12 =	simm.s32 @p1 $0x400;
	s17 =	simm.s32 @p1 $0x800;
	s1 =	simm.s32 @!p0 $0x0  }
0x158: {  	[hbm4b:s13+s28] =	stream.strided.scatter @p1 [tilespmem:s17], [sflag:$0x1], $0x400, s12, s28, $0x38;
	[tilespmem:$0xC00] =	vst v63  }
0x159: {  	[dreg:$0xb] =	wrdreg s10;
	(v2sf) =	vpush v2, $0x7;
	s1 =	simm.s32 @p0 $0x1  }
0x15a: {  	p0 =	sgt.f32 s8, $5.000000000e-01;
	[smem:$0x7F2] =	sst s1;
	s1 =	simm.s32 @!p4 $0x0  }
0x15b: {  	[dreg:$0x6] =	wrdreg s11;
	s1 =	simm.s32 @p4 $0x1  }
0x15c: {  	s11 =	spop (v2sf);
	[smem:$0x7F4] =	sst s1;
	s1 =	simm.s32 @!p0 $0x0  }
0x15d: {  	s20 =	sld [smem:$0x7F1];
	s29 =	spop (v2sf);
	s1 =	simm.s32 @p0 $0x1  }
0x15e: {  	p0 =	sgt.f32 s31, $5.000000000e-01;
	[smem:$0x7EB] =	sst s1;
	s1 =	simm.s32 @p2 $0x80  }
0x15f: {  	s16 =	spop (v2sf);
	[dreg:$0xa] =	wrdreg s1;
	s1 =	simm.s32 @!p2 $0x0  }
0x160: {  	[dreg:$0x11] =	wrdreg s16;
	s0 =	simm.s32 @!p0 $0x0;
	s1 =	simm.s32 @p2 $0x1  }
0x161: {  	s0 =	simm.s32 @p0 $0x1;
	[smem:$0x7F6] =	sst s1  }
0x162: {  	s10 =	sadd.s32 @p2 s18, s5;
	s1 =	simm.s32 @p5 $0x400;
	[smem:$0x7F5] =	sst s0  }
0x163: {  	s0 =	sadd.s32 @p2 $0x400, s10;
	[dreg:$0x17] =	wrdreg s1  }
0x164: {  	p6 =	sgt.f32 s3, $5.000000000e-01;
	s1 =	simm.s32 @p3 $0x80;
	[dreg:$0xc] =	wrdreg s0  }
0x165: {  	s16 =	smov.u32 s19;
	s0 =	simm.s32 @p4 $0x400;
	[dreg:$0x15] =	wrdreg s1  }
0x166: {  	s1 =	simm.s32 @p3 $0x400;
	[dreg:$0x14] =	wrdreg s0;
	s0 =	simm.s32 @!p6 $0x0  }
0x167: {  	s19 =	sadd.s32 @p6 s18, s5;
	[dreg:$0x16] =	wrdreg s1;
	s0 =	simm.s32 @p6 $0x1  }
0x168: {  	s12 =	spop (v2sf);
	s1 =	simm.s32 @p0 $0x80;
	[smem:$0x7F0] =	sst s0  }
0x169: {  	p6 =	sle.f32 s12, $5.000000000e-01;
	s0 =	simm.s32 @p0 $0x400;
	[dreg:$0x13] =	wrdreg s1  }
0x16a: {  	[dreg:$0xf] =	wrdreg s0;
	s0 =	sadd.s32 @p0 s18, s5  }
0x16b: {  	[smem:$0x7EE] =	sst s0;
	s0 =	simm.s32 @!p6 $0x0  }
0x16c: {  	s0 =	simm.s32 @p6 $0x1  }
0x16d: {  	[smem:$0x7EC] =	sst s0  }
0x16e: {  	s4 =	sadd.s32 @p3 s18, s5;
	p1 =	sgt.f32 s9, $5.000000000e-01;
	s0 =	sld [smem:$0x7EE]  }
0x16f: {  	s24 =	smov.u32 s22;
	s4 =	sadd.s32 @p3 $0x30, s4;
	s28 =	smov.u32 s14  }
0x170: {  	s3 =	sadd.s32 @p1 s18, s5;
	s17 =	simm.s32 @p1 $0x80;
	s14 =	simm.s32 @p1 $0x400  }
0x171: {  	s22 =	sadd.s32 @p1 $0x10, s3;
	p2 =	sle.f32 s9, $5.000000000e-01;
	[smem:$0x7EE] =	sst s0  }
0x172: {  	p3 =	sle.f32 s8, $5.000000000e-01;
	p0 =	seq.s32 s20, $0x1;
	s0 =	sld [smem:$0x7EA]  }
0x173: {  	s8 =	simm.s32 @p2 $0x400;
	s9 =	sadd.s32 @p2 s18, s5;
	s20 =	sadd.s32 @p0 s18, s5  }
0x174: {  	s31 =	simm.s32 @p2 $0x80;
	s25 =	sadd.s32 @p2 $0x10, s9;
	s20 =	sadd.s32 @p0 $0x50, s20  }
0x175: {  	p6 =	sgt.f32 s7, $5.000000000e-01;
	p0 =	seq.s32 s0, $0x1;
	s0 =	sld [smem:$0x7EE]  }
0x176: {  	[hbm4b:s22+s17] =	stream.strided.scatter @p1 [tilespmem:s14], [sflag:$0x1], $0x400, s14, s17, $0x38;
	[tilespmem:$0xC00] =	vst v63  }
0x177: {  	s1 =	simm.s32 @p2 $0x800;
	s7 =	simm.s32 @!p6 $0x0;
	s22 =	sld [smem:$0x7EB]  }
0x178: {  	[hbm4b:s25+s31] =	stream.strided.scatter @p2 [tilespmem:s1], [sflag:$0x1], $0x400, s8, s31, $0x38;
	[tilespmem:$0xC00] =	vst v63  }
0x179: {  	s2 =	simm.s32 @p3 $0x800;
	s7 =	simm.s32 @p6 $0x1;
	s31 =	sld [smem:$0x7EC]  }
0x17a: {  	[smem:$0x7F3] =	sst s7;
	s17 =	simm.s32 @p3 $0x80;
	p1 =	seq.s32 s22, $0x1  }
0x17b: {  	s8 =	simm.s32 @p3 $0x400;
	s25 =	sld [smem:$0x7F5];
	s7 =	sadd.s32 @p1 s18, s5  }
0x17c: {  	s14 =	simm.s32 @p1 $0x80;
	s22 =	simm.s32 @p1 $0x400;
	p6 =	seq.s32 s31, $0x1  }
0x17d: {  	s31 =	sld [smem:$0x7ED];
	s1 =	sadd.s32 @p1 $0x20, s7;
	s7 =	sadd.s32 @p3 s18, s5  }
0x17e: {  	[hbm4b:s1+s14] =	stream.strided.scatter @p1 [tilespmem:s22], [sflag:$0x1], $0x400, s22, s14, $0x38;
	[tilespmem:$0xC00] =	vst v63  }
0x17f: {  	s22 =	smov.u32 s24;
	s1 =	sadd.s32 @p3 $0x20, s7;
	s24 =	sld [smem:$0x7F2]  }
0x180: {  	[hbm4b:s1+s17] =	stream.strided.scatter @p3 [tilespmem:s2], [sflag:$0x1], $0x400, s8, s17, $0x38;
	[tilespmem:$0xC00] =	vst v63  }
0x181: {  	s8 =	rddreg [dreg:$0xe]  }
0x182: {  	p3 =	seq.s32 s25, $0x1;
	s17 =	rddreg [dreg:$0x10];
	p1 =	seq.s32 s24, $0x1  }
0x183: {  	s0 =	sadd.s32 @p3 $0x400, s0;
	s24 =	rddreg [dreg:$0x17];
	p3 =	seq.s32 s31, $0x1  }
0x184: {  	[hbm4b:s17+s8] =	stream.strided.scatter @p3 [tilespmem:s24], [sflag:$0x1], $0x400, s24, s8, $0x38;
	[tilespmem:$0xC00] =	vst v63  }
0x185: {  	s24 =	sld [smem:$0x7F4]  }
0x186: {  	p5 =	sgt.f32 s11, $5.000000000e-01;
	s25 =	rddreg [dreg:$0x15]  }
0x187: {  	p4 =	sle.f32 s11, $5.000000000e-01;
	s31 =	rddreg [dreg:$0x16]  }
0x188: {  	s3 =	simm.s32 @p5 $0x400;
	p3 =	seq.s32 s24, $0x1;
	s24 =	rddreg [dreg:$0x12]  }
0x189: {  	s6 =	smov.u32 s15;
	s10 =	simm.s32 @p5 $0x80;
	[smem:$0x7EE] =	sst s3  }
0x18a: {  	s15 =	sadd.s32 @p5 s18, s5;
	s13 =	simm.s32 @p4 $0x80;
	s3 =	sld [smem:$0x7EF]  }
0x18b: {  	s11 =	simm.s32 @p4 $0x800;
	s30 =	sadd.s32 @p4 s18, s5;
	s9 =	simm.s32 @p4 $0x400  }
0x18c: {  	s15 =	sadd.s32 @p5 $0x40, s15;
	s30 =	sadd.s32 @p4 $0x40, s30;
	s7 =	sadd.s32 @p1 s18, s5  }
0x18d: {  	s7 =	sadd.s32 @p1 $0x60, s7;
	p1 =	seq.s32 s3, $0x1;
	s3 =	sld [smem:$0x7EE]  }
0x18e: {  	[hbm4b:s4+s25] =	stream.strided.scatter @p1 [tilespmem:s24], [sflag:$0x1], $0x400, s31, s25, $0x38;
	[tilespmem:$0xC00] =	vst v63  }
0x18f: {  	s8 =	sadd.s32 @p3 s18, s5;
	s17 =	simm.s32 @p3 $0x80;
	s25 =	sld [smem:$0x7F0]  }
0x190: {  	s4 =	sadd.s32 @p3 $0x60, s8;
	s8 =	simm.s32 @p3 $0x800;
	s31 =	rddreg [dreg:$0xb]  }
0x191: {  	[hbm4b:s15+s10] =	stream.strided.scatter @p5 [tilespmem:s3], [sflag:$0x1], $0x400, s3, s10, $0x38;
	[tilespmem:$0xC00] =	vst v63  }
0x192: {  	p3 =	sgt.f32 s31, $5.000000000e-01;
	s15 =	sld [smem:$0x7F3];
	p1 =	seq.s32 s25, $0x1  }
0x193: {  	[hbm4b:s30+s13] =	stream.strided.scatter @p4 [tilespmem:s11], [sflag:$0x1], $0x400, s9, s13, $0x38;
	[tilespmem:$0xC00] =	vst v63  }
0x194: {  	s25 =	sld [smem:$0x7F8];
	s3 =	sadd.s32 @p1 $0x50, s19;
	s13 =	simm.s32 @!p3 $0x0  }
0x195: {  	s10 =	simm.s32 @p1 $0x400;
	s30 =	sld [smem:$0x7F1];
	s13 =	simm.s32 @p3 $0x1  }
0x196: {  	s9 =	simm.s32 @p1 $0x80;
	p4 =	por p1, p1;
	[smem:$0x7F9] =	sst s13  }
0x197: {  	[hbm4b:s3+s9] =	stream.strided.scatter @p4 [tilespmem:s10], [sflag:$0x1], $0x400, s10, s9, $0x38;
	[tilespmem:$0xC00] =	vst v63  }
0x198: {  	s13 =	sld [smem:$0x7F2]  }
0x199: {  	s19 =	smov.u32 s16;
	s16 =	rddreg [dreg:$0x11];
	p1 =	seq.s32 s30, $0x1  }
0x19a: {  	s24 =	sld [smem:$0x7F9];
	s11 =	simm.s32 @p1 $0x800  }
0x19b: {  	s3 =	simm.s32 @p1 $0x400;
	p4 =	seq.s32 s13, $0x1;
	s13 =	rddreg [dreg:$0xd]  }
0x19c: {  	[hbm4b:s20+s13] =	stream.strided.scatter @p1 [tilespmem:s11], [sflag:$0x1], $0x400, s3, s13, $0x38;
	[tilespmem:$0xC00] =	vst v63  }
0x19d: {  	s9 =	simm.s32 @p4 $0x80;
	s20 =	sld [smem:$0x7F4]  }
0x19e: {  	s10 =	simm.s32 @p4 $0x400;
	p1 =	sle.f32 s31, $5.000000000e-01;
	s31 =	sld [smem:$0x7F6]  }
0x19f: {  	[hbm4b:s7+s9] =	stream.strided.scatter @p4 [tilespmem:s10], [sflag:$0x1], $0x400, s10, s9, $0x38;
	[tilespmem:$0xC00] =	vst v63  }
0x1a0: {  	p3 =	sle.f32 s16, $5.000000000e-01;
	s3 =	simm.s32 @!p1 $0x0;
	s9 =	rddreg [dreg:$0x13]  }
0x1a1: {  	s10 =	rddreg [dreg:$0x7];
	s3 =	simm.s32 @p1 $0x1  }
0x1a2: {  	p2 =	sgt.f32 s12, $5.000000000e-01;
	[smem:$0x7FA] =	sst s3;
	s3 =	simm.s32 @!p3 $0x0  }
0x1a3: {  	s3 =	simm.s32 @p3 $0x1;
	p3 =	seq.s32 s20, $0x1;
	s20 =	sld [smem:$0x7F8]  }
0x1a4: {  	s12 =	sadd.s32 @p6 s18, s5;
	[smem:$0x7FC] =	sst s3  }
0x1a5: {  	s14 =	simm.s32 @p2 $0x400;
	s1 =	sadd.s32 @p2 s18, s5;
	s3 =	rddreg [dreg:$0x14]  }
0x1a6: {  	[hbm4b:s4+s17] =	stream.strided.scatter @p3 [tilespmem:s8], [sflag:$0x1], $0x400, s3, s17, $0x38;
	[tilespmem:$0xC00] =	vst v63  }
0x1a7: {  	s2 =	simm.s32 @p2 $0x80;
	p4 =	sle.f32 s21, $5.000000000e-01;
	s8 =	rddreg [dreg:$0xf]  }
0x1a8: {  	s1 =	sadd.s32 @p2 $0x70, s1;
	p3 =	sgt.f32 s21, $5.000000000e-01;
	s30 =	sld [smem:$0x7FC]  }
0x1a9: {  	[hbm4b:s1+s2] =	stream.strided.scatter @p2 [tilespmem:s14], [sflag:$0x1], $0x400, s14, s2, $0x38;
	[tilespmem:$0xC00] =	vst v63  }
0x1aa: {  	s21 =	sld [smem:$0x7F9];
	s1 =	simm.s32 @p1 $0x400;
	p1 =	sgt.f32 s29, $5.000000000e-01  }
0x1ab: {  	s12 =	sadd.s32 @p6 $0x70, s12;
	p2 =	sle.f32 s29, $5.000000000e-01;
	s29 =	sld [smem:$0x7F5]  }
0x1ac: {  	s11 =	simm.s32 @p6 $0x400;
	s3 =	simm.s32 @!p3 $0x0;
	s14 =	rddreg [dreg:$0x9]  }
0x1ad: {  	s3 =	simm.s32 @p3 $0x1;
	p3 =	seq.s32 s24, $0x1;
	s24 =	rddreg [dreg:$0x6]  }
0x1ae: {  	s13 =	simm.s32 @p6 $0x800;
	s7 =	simm.s32 @p6 $0x80;
	[smem:$0x7F7] =	sst s3  }
0x1af: {  	[hbm4b:s12+s7] =	stream.strided.scatter @p6 [tilespmem:s13], [sflag:$0x1], $0x400, s11, s7, $0x38;
	[tilespmem:$0xC00] =	vst v63  }
0x1b0: {  	p5 =	seq.s32 s15, $0x1;
	s11 =	rddreg [dreg:$0x8]  }
0x1b1: {  	s15 =	simm.s32 @p5 $0x80;
	s4 =	simm.s32 @p5 $0x400;
	s12 =	rddreg [dreg:$0xa]  }
0x1b2: {  	s3 =	simm.s32 @p3 $0x80;
	s2 =	simm.s32 @!p1 $0x0;
	s13 =	rddreg [dreg:$0xc]  }
0x1b3: {  	p3 =	por p5, p5;
	s2 =	simm.s32 @p1 $0x1;
	s17 =	sld [smem:$0x7F7]  }
0x1b4: {  	p6 =	seq.s32 s29, $0x1;
	p1 =	seq.s32 s30, $0x1;
	s30 =	sld [smem:$0x7FC]  }
0x1b5: {  	[smem:$0x7FB] =	sst s2;
	s2 =	sadd.s32 @p5 s18, s22;
	p5 =	seq.s32 s25, $0x1  }
0x1b6: {  	[hbm4b:s0+s9] =	stream.strided.scatter @p6 [tilespmem:s8], [sflag:$0x1], $0x400, s8, s9, $0x38;
	[tilespmem:$0xC00] =	vst v63  }
0x1b7: {  	s0 =	simm.s32 @p1 $0x800;
	p6 =	seq.s32 s31, $0x1;
	s25 =	sld [smem:$0x7FA]  }
0x1b8: {  	s7 =	simm.s32 @p5 $0x800;
	s8 =	simm.s32 @p5 $0x80;
	s9 =	simm.s32 @p5 $0x400  }
0x1b9: {  	[hbm4b:s13+s12] =	stream.strided.scatter @p6 [tilespmem:s10], [sflag:$0x1], $0x400, s11, s12, $0x38;
	[tilespmem:$0xC00] =	vst v63  }
0x1ba: {  	s29 =	sld [smem:$0x7FB];
	s10 =	sadd.s32 @p5 s18, s22;
	p1 =	seq.s32 s17, $0x1  }
0x1bb: {  	p5 =	sgt.f32 s14, $5.000000000e-01;
	p6 =	sle.f32 s14, $5.000000000e-01;
	s14 =	sadd.s32 @p1 s18, s19  }
0x1bc: {  	[hbm4b:s2+s15] =	stream.strided.scatter @p3 [tilespmem:s4], [sflag:$0x1], $0x400, s4, s15, $0x38;
	[tilespmem:$0xC00] =	vst v63  }
0x1bd: {  	s15 =	smov.u32 s6;
	s2 =	simm.s32 @p5 $0x80;
	s4 =	simm.s32 @p5 $0x400  }
0x1be: {  	s11 =	simm.s32 @p6 $0x800;
	s12 =	sadd.s32 @p5 s18, s23;
	p3 =	seq.s32 s20, $0x1  }
0x1bf: {  	[hbm4b:s10+s8] =	stream.strided.scatter @p3 [tilespmem:s7], [sflag:$0x1], $0x400, s9, s8, $0x38;
	[tilespmem:$0xC00] =	vst v63  }
0x1c0: {  	s13 =	simm.s32 @p6 $0x80;
	s7 =	sadd.s32 @p6 s18, s23;
	p3 =	seq.s32 s21, $0x1  }
0x1c1: {  	[hbm4b:s12+s2] =	stream.strided.scatter @p5 [tilespmem:s4], [sflag:$0x1], $0x400, s4, s2, $0x38;
	[tilespmem:$0xC00] =	vst v63  }
0x1c2: {  	s8 =	simm.s32 @p6 $0x400;
	s10 =	simm.s32 @p4 $0x400;
	s9 =	simm.s32 @p3 $0x400  }
0x1c3: {  	[hbm4b:s7+s13] =	stream.strided.scatter @p6 [tilespmem:s11], [sflag:$0x1], $0x400, s8, s13, $0x38;
	[tilespmem:$0xC00] =	vst v63  }
0x1c4: {  	s2 =	simm.s32 @p1 $0x400;
	s4 =	simm.s32 @p4 $0x800;
	s7 =	simm.s32 @p1 $0x80  }
0x1c5: {  	[hbm4b:s14+s7] =	stream.strided.scatter @p1 [tilespmem:s2], [sflag:$0x1], $0x400, s2, s7, $0x38;
	[tilespmem:$0xC00] =	vst v63  }
0x1c6: {  	p5 =	sle.f32 s24, $5.000000000e-01;
	s2 =	sadd.s32 @p4 s18, s19;
	s7 =	simm.s32 @p4 $0x80  }
0x1c7: {  	[hbm4b:s2+s7] =	stream.strided.scatter @p4 [tilespmem:s4], [sflag:$0x1], $0x400, s10, s7, $0x38;
	[tilespmem:$0xC00] =	vst v63  }
0x1c8: {  	s12 =	simm.s32 @p2 $0x400;
	s11 =	sadd.s32 @p3 s18, s15;
	p1 =	seq.s32 s25, $0x1  }
0x1c9: {  	[hbm4b:s11+s3] =	stream.strided.scatter @p3 [tilespmem:s9], [sflag:$0x1], $0x400, s9, s3, $0x38;
	[tilespmem:$0xC00] =	vst v63  }
0x1ca: {  	s2 =	simm.s32 @p1 $0x800;
	s4 =	simm.s32 @p1 $0x80;
	s3 =	sadd.s32 @p1 s18, s15  }
0x1cb: {  	[hbm4b:s3+s4] =	stream.strided.scatter @p1 [tilespmem:s2], [sflag:$0x1], $0x400, s1, s4, $0x38;
	[tilespmem:$0xC00] =	vst v63  }
0x1cc: {  	s7 =	simm.s32 @p2 $0x800;
	s11 =	rddreg [dreg:$0x3];
	p1 =	seq.s32 s29, $0x1  }
0x1cd: {  	s1 =	sadd.s32 @p1 s18, s28;
	s2 =	simm.s32 @p1 $0x80;
	s3 =	simm.s32 @p1 $0x400  }
0x1ce: {  	[hbm4b:s1+s2] =	stream.strided.scatter @p1 [tilespmem:s3], [sflag:$0x1], $0x400, s3, s2, $0x38;
	[tilespmem:$0xC00] =	vst v63  }
0x1cf: {  	p3 =	sgt.f32 s24, $5.000000000e-01;
	s1 =	sadd.s32 @p2 s18, s28;
	s2 =	simm.s32 @p2 $0x80  }
0x1d0: {  	[hbm4b:s1+s2] =	stream.strided.scatter @p2 [tilespmem:s7], [sflag:$0x1], $0x400, s12, s2, $0x38;
	[tilespmem:$0xC00] =	vst v63  }
0x1d1: {  	s8 =	simm.s32 @p5 $0x400;
	p1 =	sgt.f32 s16, $5.000000000e-01;
	s12 =	rddreg [dreg:$0x4]  }
0x1d2: {  	s3 =	simm.s32 @p3 $0x400;
	s2 =	simm.s32 @p3 $0x80;
	s1 =	sadd.s32 @p3 s18, s12  }
0x1d3: {  	[hbm4b:s1+s2] =	stream.strided.scatter @p3 [tilespmem:s3], [sflag:$0x1], $0x400, s3, s2, $0x38;
	[tilespmem:$0xC00] =	vst v63  }
0x1d4: {  	s1 =	sadd.s32 @p5 s18, s12;
	s2 =	simm.s32 @p5 $0x80;
	s3 =	simm.s32 @p5 $0x800  }
0x1d5: {  	[hbm4b:s1+s2] =	stream.strided.scatter @p5 [tilespmem:s3], [sflag:$0x1], $0x400, s8, s2, $0x38;
	[tilespmem:$0xC00] =	vst v63  }
0x1d6: {  	s1 =	sadd.s32 @p1 s18, s11;
	s2 =	simm.s32 @p1 $0x80;
	s3 =	simm.s32 @p1 $0x400  }
0x1d7: {  	[hbm4b:s1+s2] =	stream.strided.scatter @p1 [tilespmem:s3], [sflag:$0x1], $0x400, s3, s2, $0x38;
	[tilespmem:$0xC00] =	vst v63  }
0x1d8: {  	s21 =	simm.s32 @!p0 $0x1;
	p1 =	seq.s32 s30, $0x1  }
0x1d9: {  	s1 =	sadd.s32 @p1 s18, s11;
	s2 =	simm.s32 @p1 $0x80;
	s3 =	simm.s32 @p1 $0x400  }
0x1da: {  	[hbm4b:s1+s2] =	stream.strided.scatter @p1 [tilespmem:s0], [sflag:$0x1], $0x400, s3, s2, $0x38;
	[tilespmem:$0xC00] =	vst v63  }
0x1db: {  	s0 =	rddreg [dreg:$0x5];
	_ =	swait.ge @!p0 [sflag:s21], $0x400  }
0x1dc: {  	[sflag:s21] =	ssyncset.done @!p0 $0x0  }
0x1dd: {  	[sflag:s21] =	ssyncadd.s32 @!p0 $0xFFFFFC00  }
0x1de: {  	_ =	swait.ge @!p0 [sflag:s21], $0x400  }
0x1df: {  	s31 =	sld [smem:$0x7FD];
	_ =	sdelay $0x2  }
0x1e0: {  	p1 =	seq.s32 s31, $0x1  }
.Ltmp0:
0x1e1: {  	_ = 	snop;
	(pc) =	sbr.rel @p1 .LBB2_2-.Ltmp0, $2  }
0x1e2: {  	_ =	sdelay $0x2  }
0x1e3: {  	s14 =	smov.u32 s28  }
0x1e4: {  	[sflag:s21] =	ssyncset.done @!p0 $0x0  }
0x1e5: {  	[sflag:s21] =	ssyncadd.s32 @!p0 $0xFFFFFC00  }
0x1e6: {  	_ =	swait.ge @!p0 [sflag:s21], $0x400  }
0x1e7: {  	[sflag:s21] =	ssyncset.done @!p0 $0x0  }
0x1e8: {  	[sflag:s21] =	ssyncadd.s32 @!p0 $0xFFFFFC00  }
0x1e9: {  	_ =	swait.ge @!p0 [sflag:s21], $0x400  }
0x1ea: {  	[sflag:s21] =	ssyncset.done @!p0 $0x0  }
0x1eb: {  	[sflag:s21] =	ssyncadd.s32 @!p0 $0xFFFFFC00  }
0x1ec: {  	_ =	swait.ge @!p0 [sflag:s21], $0x400  }
0x1ed: {  	[sflag:s21] =	ssyncset.done @!p0 $0x0  }
0x1ee: {  	[sflag:s21] =	ssyncadd.s32 @!p0 $0xFFFFFC00  }
0x1ef: {  	_ =	swait.ge @!p0 [sflag:s21], $0x400  }
0x1f0: {  	[sflag:s21] =	ssyncset.done @!p0 $0x0  }
0x1f1: {  	[sflag:s21] =	ssyncadd.s32 @!p0 $0xFFFFFC00  }
0x1f2: {  	_ =	swait.ge @!p0 [sflag:s21], $0x400  }
0x1f3: {  	[sflag:s21] =	ssyncset.done @!p0 $0x0  }
0x1f4: {  	[sflag:s21] =	ssyncadd.s32 @!p0 $0xFFFFFC00  }
0x1f5: {  	_ =	swait.ge @!p0 [sflag:s21], $0x400  }
0x1f6: {  	[sflag:s21] =	ssyncset.done @!p0 $0x0  }
0x1f7: {  	[sflag:s21] =	ssyncadd.s32 @!p0 $0xFFFFFC00  }
0x1f8: {  	_ =	swait.ge @!p0 [sflag:s21], $0x400  }
0x1f9: {  	[sflag:s21] =	ssyncset.done @!p0 $0x0  }
0x1fa: {  	[sflag:s21] =	ssyncadd.s32 @!p0 $0xFFFFFC00  }
0x1fb: {  	_ =	swait.ge @!p0 [sflag:s21], $0x400  }
0x1fc: {  	[sflag:s21] =	ssyncset.done @!p0 $0x0  }
0x1fd: {  	[sflag:s21] =	ssyncadd.s32 @!p0 $0xFFFFFC00  }
0x1fe: {  	_ =	swait.ge @!p0 [sflag:s21], $0x400  }
0x1ff: {  	[sflag:s21] =	ssyncset.done @!p0 $0x0  }
0x200: {  	[sflag:s21] =	ssyncadd.s32 @!p0 $0xFFFFFC00  }
0x201: {  	_ =	swait.ge @!p0 [sflag:s21], $0x400  }
0x202: {  	[sflag:s21] =	ssyncset.done @!p0 $0x0  }
0x203: {  	[sflag:s21] =	ssyncadd.s32 @!p0 $0xFFFFFC00  }
0x204: {  	_ =	swait.ge @!p0 [sflag:s21], $0x400  }
0x205: {  	[sflag:s21] =	ssyncset.done @!p0 $0x0  }
0x206: {  	[sflag:s21] =	ssyncadd.s32 @!p0 $0xFFFFFC00  }
0x207: {  	_ =	swait.ge @!p0 [sflag:s21], $0x400  }
0x208: {  	[sflag:s21] =	ssyncset.done @!p0 $0x0  }
0x209: {  	[sflag:s21] =	ssyncadd.s32 @!p0 $0xFFFFFC00  }
0x20a: {  	_ =	swait.ge @!p0 [sflag:s21], $0x400  }
0x20b: {  	[sflag:s21] =	ssyncset.done @!p0 $0x0  }
0x20c: {  	[sflag:s21] =	ssyncadd.s32 @!p0 $0xFFFFFC00  }
0x20d: {  	_ =	swait.ge @!p0 [sflag:s21], $0x400  }
0x20e: {  	[sflag:s21] =	ssyncset.done @!p0 $0x0  }
0x20f: {  	s1 =	simm.s32 $0x1;
	[sflag:s21] =	ssyncadd.s32 @!p0 $0xFFFFFC00  }
0x210: {  	_ =	swait.ge [sflag:s1], $0x400  }
0x211: {  	[sflag:s1] =	ssyncset.done $0x0  }
0x212: {  	[sflag:s1] =	ssyncadd.s32 $0xFFFFFC00  }
0x213: {  	_ =	swait.ge [sflag:s1], $0x400  }
0x214: {  	[sflag:s1] =	ssyncset.done $0x0  }
0x215: {  	[sflag:s1] =	ssyncadd.s32 $0xFFFFFC00  }
0x216: {  	_ =	swait.ge [sflag:s1], $0x400  }
0x217: {  	[sflag:s1] =	ssyncset.done $0x0  }
0x218: {  	[sflag:s1] =	ssyncadd.s32 $0xFFFFFC00  }
0x219: {  	_ =	swait.ge [sflag:s1], $0x400  }
0x21a: {  	[sflag:s1] =	ssyncset.done $0x0  }
0x21b: {  	[sflag:s1] =	ssyncadd.s32 $0xFFFFFC00  }
0x21c: {  	_ =	swait.ge [sflag:s1], $0x400  }
0x21d: {  	[sflag:s1] =	ssyncset.done $0x0  }
0x21e: {  	[sflag:s1] =	ssyncadd.s32 $0xFFFFFC00  }
0x21f: {  	_ =	swait.ge [sflag:s1], $0x400  }
0x220: {  	[sflag:s1] =	ssyncset.done $0x0  }
0x221: {  	[sflag:s1] =	ssyncadd.s32 $0xFFFFFC00  }
0x222: {  	_ =	swait.ge [sflag:s1], $0x400  }
0x223: {  	[sflag:s1] =	ssyncset.done $0x0  }
0x224: {  	[sflag:s1] =	ssyncadd.s32 $0xFFFFFC00  }
0x225: {  	_ =	swait.ge [sflag:s1], $0x400  }
0x226: {  	[sflag:s1] =	ssyncset.done $0x0  }
0x227: {  	[sflag:s1] =	ssyncadd.s32 $0xFFFFFC00  }
0x228: {  	_ =	swait.ge [sflag:s1], $0x400  }
0x229: {  	[sflag:s1] =	ssyncset.done $0x0  }
0x22a: {  	[sflag:s1] =	ssyncadd.s32 $0xFFFFFC00  }
0x22b: {  	_ =	swait.ge [sflag:s1], $0x400  }
0x22c: {  	[sflag:s1] =	ssyncset.done $0x0  }
0x22d: {  	[sflag:s1] =	ssyncadd.s32 $0xFFFFFC00  }
0x22e: {  	_ =	swait.ge [sflag:s1], $0x400  }
0x22f: {  	[sflag:s1] =	ssyncset.done $0x0  }
0x230: {  	[sflag:s1] =	ssyncadd.s32 $0xFFFFFC00  }
0x231: {  	_ =	swait.ge [sflag:s1], $0x400  }
0x232: {  	[sflag:s1] =	ssyncset.done $0x0  }
0x233: {  	[sflag:s1] =	ssyncadd.s32 $0xFFFFFC00  }
0x234: {  	_ =	swait.ge [sflag:s1], $0x400  }
0x235: {  	[sflag:s1] =	ssyncset.done $0x0  }
0x236: {  	[sflag:s1] =	ssyncadd.s32 $0xFFFFFC00  }
0x237: {  	_ =	swait.ge [sflag:s1], $0x400  }
0x238: {  	[sflag:s1] =	ssyncset.done $0x0  }
0x239: {  	[sflag:s1] =	ssyncadd.s32 $0xFFFFFC00  }
0x23a: {  	_ =	swait.ge [sflag:s1], $0x400  }
0x23b: {  	[sflag:s1] =	ssyncset.done $0x0  }
0x23c: {  	[sflag:s1] =	ssyncadd.s32 $0xFFFFFC00  }
0x23d: {  	_ =	swait.ge [sflag:s1], $0x400  }
0x23e: {  	s2 =	rddreg [dreg:$0x1a]  }
0x23f: {  	s0 =	rddreg [dreg:$0x19];
	s2 =	sadd.s32 $0x1, s2  }
0x240: {  	p0 =	sne.s32 s2, s0  }
.Ltmp1:
0x241: {  	_ = 	snop;
	(pc) =	sbr.rel @p0 .LBB2_1-.Ltmp1, $3  }
0x242: {  	_ =	sdelay $0x1  }
0x243: {  	[sflag:s1] =	ssyncset.done $0x0  }
0x244: {  	[sflag:s1] =	ssyncadd.s32 $0xFFFFFC00  }
0x245: {  	_ =	sfence.sel $0x180000  }
0x246: {  	[bflag:$0x0] =	sbarrier.arrive $0xFFFF  }
0x247: {  	_ =	strace $0x90000047  }
0x248: {  	s0 =	stileid.u32;
	[bflag:$0x2] =	sbarrier.arrive $0xFFFF  }
0x249: {  	p0 =	sne.s32 s0, $0x0;
	s0 =	rddreg [dreg:$0x2]  }
0x24a: {  	s0 =	sadd.s32 @!p0 $0x100000, s0  }
0x24b: {  	[sflag:s0] =	ssyncadd.tile.s32 @!p0 $0x1;
	_ =	shalt  }
.Lfunc_end2:
_tile_overlayer_lowered:
.L_overlay_start_2:
0x24c: {  	(tag) =	ssettag $0x2  }
0x24d: {  	s0 =	rddreg [dreg:$0x0];
	s2 =	stileid.u32  }
0x24e: {  	s1 =	rddreg [dreg:$0x1];
	p0 =	sne.s32 s2, $0x0  }
0x24f: {  	s3 =	rddreg [dreg:$0x2];
	[bflag:$0x3] =	sbarrier.arrive $0xFFFF;
	s2 =	simm.s32 @!p0 $0x1C02  }
0x250: {  	[timem:s3], [sflag:s2] =	dma.local @!p0 [hbm:s0], s1  }
0x251: {  	s0 =	simm.s32 @!p0 $0x2  }
0x252: {  	_ =	swait.ge @!p0 [sflag:s0], s1  }
0x253: {  	s1 =	ssub.s32 @!p0 $0x0, s1;
	[sflag:s0] =	ssyncset.done @!p0 $0x0  }
0x254: {  	[sflag:s0] =	ssyncadd.s32 @!p0 s1  }
0x255: {  	[bflag:$0x3] =	sbarrier.arrive $0xFFFF  }
0x256: {  	_ =	shalt  }

</sc_bundles>
